<compile_context>
chip_gen: v7x
topology: tpu7x:2x2x1
jax: 0.10.2.dev20260603
libtpu: 0.0.44.dev20260713+nightly
codegen_flags: <defaults>
</compile_context>

<pallas_src>
import functools

import jax
import jax.numpy as jnp
from jax import lax
from jax.experimental import pallas as pl
from jax.experimental.pallas import tpu as pltpu
from jax.experimental.pallas import tpu_sc as plsc

N = 10000
EMB = 256
K = 1024
G = 128
NC = 10
CW = 1.0

BN = 1000
NBLK = N // BN

NTILES = 32
CHUNKS = 3
CB = 128
PER_TILE = CHUNKS * CB
N2 = NTILES * PER_TILE
GK = G * K
STRIPE = 2 * GK // 16
ZB = 2048


def _split3(v):
    h = v.astype(jnp.bfloat16)
    r = v - h.astype(jnp.float32)
    mid = r.astype(jnp.bfloat16)
    low = (r - mid.astype(jnp.float32)).astype(jnp.bfloat16)
    return h, mid, low


def _split2(v):
    h = v.astype(jnp.bfloat16)
    mid = (v - h.astype(jnp.float32)).astype(jnp.bfloat16)
    return h, mid


def _stage_a_body(x_ref, sc_ref, bt_ref, cb_ref,
                  fl_ref, p_ref, q_ref, cnt_ref, loss_ref, c2_ref):
    pid = pl.program_id(0)

    @pl.when(pid == 0)
    def _init():
        p_ref[...] = jnp.zeros_like(p_ref)
        q_ref[...] = jnp.zeros_like(q_ref)
        cnt_ref[...] = jnp.zeros_like(cnt_ref)
        loss_ref[...] = jnp.zeros_like(loss_ref)
        csh, csm, csl = _split3(cb_ref[...] * cb_ref[...])
        ones_row = jnp.ones((1, EMB), jnp.bfloat16)

        def odot(rhs):
            return lax.dot_general(ones_row, rhs, (((1,), (1,)), ((), ())),
                                   preferred_element_type=jnp.float32)

        c2_ref[...] = odot(csl) + odot(csm) + odot(csh)

    x = x_ref[...]
    cb = cb_ref[...]
    xc = lax.dot_general(x, cb, (((1,), (1,)), ((), ())),
                         preferred_element_type=jnp.float32)
    x2 = jnp.sum(x * x, axis=1, keepdims=True)
    d = x2 - 2.0 * xc + c2_ref[...]
    m = jnp.min(d, axis=1, keepdims=True)
    kio = lax.broadcasted_iota(jnp.int32, (BN, K), 1)
    a = jnp.min(jnp.where(d == m, kio, K), axis=1, keepdims=True)

    bt = bt_ref[0]
    fl_ref[0] = bt * K + jnp.transpose(a)
    loss_ref[...] += jnp.sum(m).reshape(1, 1)

    score = sc_ref[0]
    oh = (lax.broadcasted_iota(jnp.int32, (G, BN), 0)
          == bt).astype(jnp.bfloat16)

    def ndot(lhs, rhs):
        return lax.dot_general(lhs, rhs, (((1,), (0,)), ((), ())),
                               preferred_element_type=jnp.float32)

    xh, xm = _split2(x)
    sh, sm = _split2(score)
    p_ref[...] += (ndot(oh * sm, xh) + ndot(oh * sh, xm)
                   + ndot(oh * sh, xh))
    q_ref[...] += ndot(oh, xm) + ndot(oh, xh)
    cnt_ref[...] += ndot(oh, jnp.ones((BN, 1), jnp.bfloat16))


_stage_a = pl.pallas_call(
    _stage_a_body,
    grid=(NBLK,),
    in_specs=[
        pl.BlockSpec((BN, EMB), lambda i: (i, 0)),
        pl.BlockSpec((1, 1, BN), lambda i: (i, 0, 0)),
        pl.BlockSpec((1, 1, BN), lambda i: (i, 0, 0)),
        pl.BlockSpec((K, EMB), lambda i: (0, 0)),
    ],
    out_specs=[
        pl.BlockSpec((1, 1, BN), lambda i: (i, 0, 0)),
        pl.BlockSpec((G, EMB), lambda i: (0, 0)),
        pl.BlockSpec((G, EMB), lambda i: (0, 0)),
        pl.BlockSpec((G, 1), lambda i: (0, 0)),
        pl.BlockSpec((1, 1), lambda i: (0, 0)),
    ],
    out_shape=[
        jax.ShapeDtypeStruct((NBLK, 1, BN), jnp.int32),
        jax.ShapeDtypeStruct((G, EMB), jnp.float32),
        jax.ShapeDtypeStruct((G, EMB), jnp.float32),
        jax.ShapeDtypeStruct((G, 1), jnp.float32),
        jax.ShapeDtypeStruct((1, 1), jnp.float32),
    ],
    scratch_shapes=[pltpu.VMEM((1, K), jnp.float32)],
    compiler_params=pltpu.CompilerParams(dimension_semantics=("arbitrary",)),
)


def _sc_stage_body(fl_hbm, sw_hbm, vw_hbm, out_hbm,
                   fi, fi2, sw, vw, zbuf, acc, sem, sem2):
    cid = lax.axis_index("c")
    sid = lax.axis_index("s")
    tid = cid * 16 + sid
    ld1 = pltpu.async_copy(fl_hbm.at[tid], fi, sem)
    ld2 = pltpu.async_copy(sw_hbm.at[tid], sw, sem)
    ld3 = pltpu.async_copy(vw_hbm.at[tid], vw, sem)
    for jj in range(ZB // 16):
        zbuf[pl.ds(jj * 16, 16)] = jnp.zeros((16,), jnp.float32)
    zc = [pltpu.async_copy(zbuf, acc.at[pl.ds(sid * STRIPE + kk * ZB, ZB)],
                           sem2)
          for kk in range(STRIPE // ZB)]
    ld1.wait()
    ld2.wait()
    ld3.wait()
    for j in range(CHUNKS):
        for l in range(CB // 16):
            s_ = pl.ds(l * 16, 16)
            fi2[j, s_] = fi[j, s_] + GK
    for c in zc:
        c.wait()
    plsc.subcore_barrier()
    for j in range(CHUNKS):
        c1 = pltpu.async_copy(sw.at[j], acc.at[fi.at[j]], sem, add=True)
        c2 = pltpu.async_copy(vw.at[j], acc.at[fi2.at[j]], sem2, add=True)
        c1.wait()
        c2.wait()
    plsc.subcore_barrier()
    pltpu.sync_copy(acc.at[pl.ds(sid * STRIPE, STRIPE)],
                    out_hbm.at[cid, pl.ds(sid * STRIPE, STRIPE)])


@functools.cache
def _build_sc_stage():
    return functools.partial(
        pl.kernel,
        mesh=plsc.VectorSubcoreMesh(core_axis_name="c", subcore_axis_name="s"),
        out_type=jax.ShapeDtypeStruct((2, 2 * GK), jnp.float32),
        scratch_types=[
            pltpu.VMEM((CHUNKS, CB), jnp.int32),
            pltpu.VMEM((CHUNKS, CB), jnp.int32),
            pltpu.VMEM((CHUNKS, CB), jnp.float32),
            pltpu.VMEM((CHUNKS, CB), jnp.float32),
            pltpu.VMEM((ZB,), jnp.float32),
            pltpu.VMEM_SHARED((2 * GK,), jnp.float32),
            pltpu.SemaphoreType.DMA,
            pltpu.SemaphoreType.DMA,
        ],
    )(_sc_stage_body)


def _stage_c_body(a_ref, cb_ref, p_ref, q_ref, cnt_ref, loss_ref, w_ref, b_ref,
                  logit_ref, cg_ref, sg_ref, lo_ref):
    a_s = a_ref[0, 0] + a_ref[1, 0]
    a_n = a_ref[0, 1] + a_ref[1, 1]
    cb = cb_ref[...]

    def ndot(lhs, rhs):
        return lax.dot_general(lhs, rhs, (((1,), (0,)), ((), ())),
                               preferred_element_type=jnp.float32)

    ch, cm = _split2(cb)
    sh, sm = _split2(a_s)
    nh, nm = _split2(a_n)
    r = ndot(sm, ch) + ndot(sh, cm) + ndot(sh, ch)
    s = ndot(nm, ch) + ndot(nh, cm) + ndot(nh, ch)
    cnt = jnp.maximum(cnt_ref[...], 1.0)
    p = p_ref[...]
    cr = p + r
    cg = cr / cnt
    sg = (q_ref[...] + s - cr) / cnt
    cg_ref[...] = cg
    sg_ref[...] = sg
    logit_ref[...] = lax.dot_general(cg, w_ref[...], (((1,), (0,)), ((), ())),
                                     preferred_element_type=jnp.float32) + b_ref[...]
    lo_ref[...] = loss_ref[...] * (CW / (N * EMB))


_stage_c = pl.pallas_call(
    _stage_c_body,
    out_shape=[
        jax.ShapeDtypeStruct((G, NC), jnp.float32),
        jax.ShapeDtypeStruct((G, EMB), jnp.float32),
        jax.ShapeDtypeStruct((G, EMB), jnp.float32),
        jax.ShapeDtypeStruct((1, 1), jnp.float32),
    ],
)


def kernel(node_feat, score, batch, codebook, W, b):
    batch = batch.astype(jnp.int32)
    score_row = score[:, 0]

    fl, p_sum, q_sum, cnt, loss = _stage_a(
        node_feat, score_row.reshape(NBLK, 1, BN),
        batch.reshape(NBLK, 1, BN), codebook)

    fl2 = jnp.zeros((N2,), jnp.int32).at[:N].set(fl.reshape(N))
    sw2 = jnp.zeros((N2,), jnp.float32).at[:N].set(score_row)
    vw2 = jnp.zeros((N2,), jnp.float32).at[:N].set(1.0)
    a_mats = _build_sc_stage()(fl2.reshape(NTILES, CHUNKS, CB),
                               sw2.reshape(NTILES, CHUNKS, CB),
                               vw2.reshape(NTILES, CHUNKS, CB))

    logit, c_graph, s_graph, lo = _stage_c(
        a_mats.reshape(2, 2, G, K), codebook, p_sum, q_sum, cnt, loss,
        W, b[None, :])
    return (logit, c_graph, s_graph, lo[0, 0])

# --- scband reference (transcript-rebuilt; emitter-appended) ---
"""Pipeline reference for scband-discrete-encoder-43791486550204 (READ-ONLY COPY).

The authoritative reference and input builder live on the scoring server;
editing this copy changes nothing except your own understanding.
"""

import jax, jax.numpy as jnp
import numpy as np

N = 10000      # total nodes
EMB = 256      # dim_hidden / code dim
K = 1024       # codebook size (config.ood.num_e)
G = 128        # number of graphs in batch
NC = 10        # num classes
CW = 1.0       # commitment weight


def setup_inputs(seed: int = 0) -> dict:
    key = jax.random.key(seed)
    ks = jax.random.split(key, 6)
    node_feat = jax.random.normal(ks[0], (N, EMB), dtype=jnp.float32)
    score = jax.random.uniform(ks[1], (N, 1), dtype=jnp.float32)
    batch = jnp.sort(jax.random.randint(ks[2], (N,), 0, G)).astype(jnp.int64)
    # learned parameters
    codebook = jax.random.normal(ks[3], (K, EMB), dtype=jnp.float32)
    W = jax.random.normal(ks[4], (EMB, NC), dtype=jnp.float32) / np.sqrt(EMB)
    b = jnp.zeros((NC,), dtype=jnp.float32)
    return {"node_feat": node_feat, "score": score, "batch": batch,
            "codebook": codebook, "W": W, "b": b}


def _global_mean_pool(x, batch, num_graphs):
    sums = jax.ops.segment_sum(x, batch, num_segments=num_graphs)
    counts = jax.ops.segment_sum(jnp.ones((x.shape[0], 1), x.dtype), batch,
                                 num_segments=num_graphs)
    return sums / jnp.clip(counts, 1.0, None)


def reference(node_feat, score, batch, codebook, W, b):
    # GNN feature extractor treated as upstream producer; node_feat is its output.
    x = node_feat
    # --- VectorQuantize: nearest-codebook euclidean lookup ---
    x2 = jnp.sum(x * x, axis=1, keepdims=True)            # [N,1]
    c2 = jnp.sum(codebook * codebook, axis=1)[None, :]    # [1,K]
    dist = x2 - 2.0 * (x @ codebook.T) + c2               # [N,K]
    indices = jnp.argmin(dist, axis=1)                    # [N]
    quantized = jnp.take(codebook, indices, axis=0)       # gather [N,EMB]
    commit_loss = jnp.mean((jax.lax.stop_gradient(quantized) - x) ** 2) * CW
    # straight-through estimator
    node_v_feat = x + jax.lax.stop_gradient(quantized - x)
    # --- residual + score split ---
    node_res_feat = node_feat + node_v_feat
    c_node_feat = node_res_feat * score
    s_node_feat = node_res_feat * (1.0 - score)
    # --- global mean pool per graph ---
    batch32 = batch.astype(jnp.int32)
    c_graph_feat = _global_mean_pool(c_node_feat, batch32, G)
    s_graph_feat = _global_mean_pool(s_node_feat, batch32, G)
    # --- classifier ---
    c_logit = c_graph_feat @ W + b
    return (c_logit, c_graph_feat, s_graph_feat, commit_loss)

if __name__ == "__main__":
    import jax
    _d = setup_inputs()
    print(jax.jit(kernel)(*tuple(_d.values())))

</pallas_src>

<mosaic_0001>
#map = affine_map<(d0, d1) -> (0, 0, 0)>
#map1 = affine_map<(d0, d1) -> (0, 0)>
module attributes {stable_mosaic.version = 14 : i64} {
  func.func @_sc_stage_body(%arg0: i32, %arg1: i32, %arg2: memref<32x3x128xi32, #tpu.memory_space<hbm>>, %arg3: memref<32x3x128xf32, #tpu.memory_space<hbm>>, %arg4: memref<32x3x128xf32, #tpu.memory_space<hbm>>, %arg5: memref<2x262144xf32, #tpu.memory_space<hbm>>, %arg6: memref<3x128xi32, #tpu.memory_space<vmem>>, %arg7: memref<3x128xi32, #tpu.memory_space<vmem>>, %arg8: memref<3x128xf32, #tpu.memory_space<vmem>>, %arg9: memref<3x128xf32, #tpu.memory_space<vmem>>, %arg10: memref<2048xf32, #tpu.memory_space<vmem>>, %arg11: memref<262144xf32, #tpu.memory_space<vmem_shared>>, %arg12: memref<!tpu.dma_semaphore, #tpu.memory_space<semaphore_mem>>, %arg13: memref<!tpu.dma_semaphore, #tpu.memory_space<semaphore_mem>>) attributes {dimension_semantics = [#tpu.dimension_semantics<core_parallel>, #tpu.dimension_semantics<subcore_parallel>], iteration_bounds = array<i64: 2, 16>, scalar_prefetch = 0 : i64, scratch_operands = 8 : i64, tpu.core_type = #tpu.core_type<sc_vector_subcore>, window_params = [{transform_indices = #map}, {transform_indices = #map}, {transform_indices = #map}, {transform_indices = #map1}]} {
    %mul3A = arith.constant 16 : i32
    %mul3A_0 = arith.muli %arg0, %mul3A : i32
    %add3A = arith.addi %mul3A_0, %arg1 : i32
    %dma_start3A = arith.constant 0 : i32
    %dma_start3A_1 = arith.constant 0 : i32
    %dma_start3A_2 = tpu.memref_slice %arg2[%add3A, %dma_start3A, %dma_start3A_1] : memref<32x3x128xi32, #tpu.memory_space<hbm>> -> memref<1x3x128xi32, #tpu.memory_space<hbm>>
    %dma_start3A_3 = tpu.memref_squeeze %dma_start3A_2 : memref<1x3x128xi32, #tpu.memory_space<hbm>> -> memref<3x128xi32, #tpu.memory_space<hbm>>
    %dma_start3A_4 = arith.constant 0 : i32
    %dma_start3A_5 = arith.constant 0 : i32
    %dma_start3A_6 = tpu.memref_slice %arg2[%add3A, %dma_start3A_4, %dma_start3A_5] : memref<32x3x128xi32, #tpu.memory_space<hbm>> -> memref<1x3x128xi32, #tpu.memory_space<hbm>>
    %dma_start3A_7 = tpu.memref_squeeze %dma_start3A_6 : memref<1x3x128xi32, #tpu.memory_space<hbm>> -> memref<3x128xi32, #tpu.memory_space<hbm>>
    tpu.enqueue_dma source(%dma_start3A_7 : memref<3x128xi32, #tpu.memory_space<hbm>>) target(%arg6 : memref<3x128xi32, #tpu.memory_space<vmem>>) target_semaphore(%arg12 : memref<!tpu.dma_semaphore, #tpu.memory_space<semaphore_mem>>)
    %dma_start3A_8 = arith.constant 0 : i32
    %dma_start3A_9 = arith.constant 0 : i32
    %dma_start3A_10 = tpu.memref_slice %arg3[%add3A, %dma_start3A_8, %dma_start3A_9] : memref<32x3x128xf32, #tpu.memory_space<hbm>> -> memref<1x3x128xf32, #tpu.memory_space<hbm>>
    %dma_start3A_11 = tpu.memref_squeeze %dma_start3A_10 : memref<1x3x128xf32, #tpu.memory_space<hbm>> -> memref<3x128xf32, #tpu.memory_space<hbm>>
    %dma_start3A_12 = arith.constant 0 : i32
    %dma_start3A_13 = arith.constant 0 : i32
    %dma_start3A_14 = tpu.memref_slice %arg3[%add3A, %dma_start3A_12, %dma_start3A_13] : memref<32x3x128xf32, #tpu.memory_space<hbm>> -> memref<1x3x128xf32, #tpu.memory_space<hbm>>
    %dma_start3A_15 = tpu.memref_squeeze %dma_start3A_14 : memref<1x3x128xf32, #tpu.memory_space<hbm>> -> memref<3x128xf32, #tpu.memory_space<hbm>>
    tpu.enqueue_dma source(%dma_start3A_15 : memref<3x128xf32, #tpu.memory_space<hbm>>) target(%arg8 : memref<3x128xf32, #tpu.memory_space<vmem>>) target_semaphore(%arg12 : memref<!tpu.dma_semaphore, #tpu.memory_space<semaphore_mem>>)
    %dma_start3A_16 = arith.constant 0 : i32
    %dma_start3A_17 = arith.constant 0 : i32
    %dma_start3A_18 = tpu.memref_slice %arg4[%add3A, %dma_start3A_16, %dma_start3A_17] : memref<32x3x128xf32, #tpu.memory_space<hbm>> -> memref<1x3x128xf32, #tpu.memory_space<hbm>>
    %dma_start3A_19 = tpu.memref_squeeze %dma_start3A_18 : memref<1x3x128xf32, #tpu.memory_space<hbm>> -> memref<3x128xf32, #tpu.memory_space<hbm>>
    %dma_start3A_20 = arith.constant 0 : i32
    %dma_start3A_21 = arith.constant 0 : i32
    %dma_start3A_22 = tpu.memref_slice %arg4[%add3A, %dma_start3A_20, %dma_start3A_21] : memref<32x3x128xf32, #tpu.memory_space<hbm>> -> memref<1x3x128xf32, #tpu.memory_space<hbm>>
    %dma_start3A_23 = tpu.memref_squeeze %dma_start3A_22 : memref<1x3x128xf32, #tpu.memory_space<hbm>> -> memref<3x128xf32, #tpu.memory_space<hbm>>
    tpu.enqueue_dma source(%dma_start3A_23 : memref<3x128xf32, #tpu.memory_space<hbm>>) target(%arg9 : memref<3x128xf32, #tpu.memory_space<vmem>>) target_semaphore(%arg12 : memref<!tpu.dma_semaphore, #tpu.memory_space<semaphore_mem>>)
    %broadcast_in_dim3A = arith.constant 0.000000e+00 : f32
    %broadcast_in_dim3A_24 = vector.broadcast %broadcast_in_dim3A : f32 to vector<16xf32>
    %swap3A = arith.constant 0 : index
    %swap3A_25 = tpu.vector_load %arg10[%swap3A] {strides = array<i32>} : memref<2048xf32, #tpu.memory_space<vmem>>, vector<16xf32>,
    %swap3A_26 = vector.shape_cast %swap3A_25 : vector<16xf32> to vector<16xf32>
    %swap3A_27 = vector.shape_cast %broadcast_in_dim3A_24 : vector<16xf32> to vector<16xf32>
    tpu.vector_store %arg10[%swap3A], %swap3A_27 {strides = array<i32>} : memref<2048xf32, #tpu.memory_space<vmem>>, vector<16xf32>,
    %broadcast_in_dim3A_28 = arith.constant 0.000000e+00 : f32
    %broadcast_in_dim3A_29 = vector.broadcast %broadcast_in_dim3A_28 : f32 to vector<16xf32>
    %swap3A_30 = arith.constant 16 : index
    %swap3A_31 = tpu.vector_load %arg10[%swap3A_30] {strides = array<i32>} : memref<2048xf32, #tpu.memory_space<vmem>>, vector<16xf32>,
    %swap3A_32 = vector.shape_cast %swap3A_31 : vector<16xf32> to vector<16xf32>
    %swap3A_33 = vector.shape_cast %broadcast_in_dim3A_29 : vector<16xf32> to vector<16xf32>
    tpu.vector_store %arg10[%swap3A_30], %swap3A_33 {strides = array<i32>} : memref<2048xf32, #tpu.memory_space<vmem>>, vector<16xf32>,
    %broadcast_in_dim3A_34 = arith.constant 0.000000e+00 : f32
    %broadcast_in_dim3A_35 = vector.broadcast %broadcast_in_dim3A_34 : f32 to vector<16xf32>
    %swap3A_36 = arith.constant 32 : index
    %swap3A_37 = tpu.vector_load %arg10[%swap3A_36] {strides = array<i32>} : memref<2048xf32, #tpu.memory_space<vmem>>, vector<16xf32>,
    %swap3A_38 = vector.shape_cast %swap3A_37 : vector<16xf32> to vector<16xf32>
    %swap3A_39 = vector.shape_cast %broadcast_in_dim3A_35 : vector<16xf32> to vector<16xf32>
    tpu.vector_store %arg10[%swap3A_36], %swap3A_39 {strides = array<i32>} : memref<2048xf32, #tpu.memory_space<vmem>>, vector<16xf32>,
    %broadcast_in_dim3A_40 = arith.constant 0.000000e+00 : f32
    %broadcast_in_dim3A_41 = vector.broadcast %broadcast_in_dim3A_40 : f32 to vector<16xf32>
    %swap3A_42 = arith.constant 48 : index
    %swap3A_43 = tpu.vector_load %arg10[%swap3A_42] {strides = array<i32>} : memref<2048xf32, #tpu.memory_space<vmem>>, vector<16xf32>,
    %swap3A_44 = vector.shape_cast %swap3A_43 : vector<16xf32> to vector<16xf32>
    %swap3A_45 = vector.shape_cast %broadcast_in_dim3A_41 : vector<16xf32> to vector<16xf32>
    tpu.vector_store %arg10[%swap3A_42], %swap3A_45 {strides = array<i32>} : memref<2048xf32, #tpu.memory_space<vmem>>, vector<16xf32>,
    %broadcast_in_dim3A_46 = arith.constant 0.000000e+00 : f32
    %broadcast_in_dim3A_47 = vector.broadcast %broadcast_in_dim3A_46 : f32 to vector<16xf32>
    %swap3A_48 = arith.constant 64 : index
    %swap3A_49 = tpu.vector_load %arg10[%swap3A_48] {strides = array<i32>} : memref<2048xf32, #tpu.memory_space<vmem>>, vector<16xf32>,
    %swap3A_50 = vector.shape_cast %swap3A_49 : vector<16xf32> to vector<16xf32>
    %swap3A_51 = vector.shape_cast %broadcast_in_dim3A_47 : vector<16xf32> to vector<16xf32>
    tpu.vector_store %arg10[%swap3A_48], %swap3A_51 {strides = array<i32>} : memref<2048xf32, #tpu.memory_space<vmem>>, vector<16xf32>,
    %broadcast_in_dim3A_52 = arith.constant 0.000000e+00 : f32
    %broadcast_in_dim3A_53 = vector.broadcast %broadcast_in_dim3A_52 : f32 to vector<16xf32>
    %swap3A_54 = arith.constant 80 : index
    %swap3A_55 = tpu.vector_load %arg10[%swap3A_54] {strides = array<i32>} : memref<2048xf32, #tpu.memory_space<vmem>>, vector<16xf32>,
    %swap3A_56 = vector.shape_cast %swap3A_55 : vector<16xf32> to vector<16xf32>
    %swap3A_57 = vector.shape_cast %broadcast_in_dim3A_53 : vector<16xf32> to vector<16xf32>
    tpu.vector_store %arg10[%swap3A_54], %swap3A_57 {strides = array<i32>} : memref<2048xf32, #tpu.memory_space<vmem>>, vector<16xf32>,
    %broadcast_in_dim3A_58 = arith.constant 0.000000e+00 : f32
    %broadcast_in_dim3A_59 = vector.broadcast %broadcast_in_dim3A_58 : f32 to vector<16xf32>
    %swap3A_60 = arith.constant 96 : index
    %swap3A_61 = tpu.vector_load %arg10[%swap3A_60] {strides = array<i32>} : memref<2048xf32, #tpu.memory_space<vmem>>, vector<16xf32>,
    %swap3A_62 = vector.shape_cast %swap3A_61 : vector<16xf32> to vector<16xf32>
    %swap3A_63 = vector.shape_cast %broadcast_in_dim3A_59 : vector<16xf32> to vector<16xf32>
    tpu.vector_store %arg10[%swap3A_60], %swap3A_63 {strides = array<i32>} : memref<2048xf32, #tpu.memory_space<vmem>>, vector<16xf32>,
    %broadcast_in_dim3A_64 = arith.constant 0.000000e+00 : f32
    %broadcast_in_dim3A_65 = vector.broadcast %broadcast_in_dim3A_64 : f32 to vector<16xf32>
    %swap3A_66 = arith.constant 112 : index
    %swap3A_67 = tpu.vector_load %arg10[%swap3A_66] {strides = array<i32>} : memref<2048xf32, #tpu.memory_space<vmem>>, vector<16xf32>,
    %swap3A_68 = vector.shape_cast %swap3A_67 : vector<16xf32> to vector<16xf32>
    %swap3A_69 = vector.shape_cast %broadcast_in_dim3A_65 : vector<16xf32> to vector<16xf32>
    tpu.vector_store %arg10[%swap3A_66], %swap3A_69 {strides = array<i32>} : memref<2048xf32, #tpu.memory_space<vmem>>, vector<16xf32>,
    %broadcast_in_dim3A_70 = arith.constant 0.000000e+00 : f32
    %broadcast_in_dim3A_71 = vector.broadcast %broadcast_in_dim3A_70 : f32 to vector<16xf32>
    %swap3A_72 = arith.constant 128 : index
    %swap3A_73 = tpu.vector_load %arg10[%swap3A_72] {strides = array<i32>} : memref<2048xf32, #tpu.memory_space<vmem>>, vector<16xf32>,
    %swap3A_74 = vector.shape_cast %swap3A_73 : vector<16xf32> to vector<16xf32>
    %swap3A_75 = vector.shape_cast %broadcast_in_dim3A_71 : vector<16xf32> to vector<16xf32>
    tpu.vector_store %arg10[%swap3A_72], %swap3A_75 {strides = array<i32>} : memref<2048xf32, #tpu.memory_space<vmem>>, vector<16xf32>,
    %broadcast_in_dim3A_76 = arith.constant 0.000000e+00 : f32
    %broadcast_in_dim3A_77 = vector.broadcast %broadcast_in_dim3A_76 : f32 to vector<16xf32>
    %swap3A_78 = arith.constant 144 : index
    %swap3A_79 = tpu.vector_load %arg10[%swap3A_78] {strides = array<i32>} : memref<2048xf32, #tpu.memory_space<vmem>>, vector<16xf32>,
    %swap3A_80 = vector.shape_cast %swap3A_79 : vector<16xf32> to vector<16xf32>
    %swap3A_81 = vector.shape_cast %broadcast_in_dim3A_77 : vector<16xf32> to vector<16xf32>
    tpu.vector_store %arg10[%swap3A_78], %swap3A_81 {strides = array<i32>} : memref<2048xf32, #tpu.memory_space<vmem>>, vector<16xf32>,
    %broadcast_in_dim3A_82 = arith.constant 0.000000e+00 : f32
    %broadcast_in_dim3A_83 = vector.broadcast %broadcast_in_dim3A_82 : f32 to vector<16xf32>
    %swap3A_84 = arith.constant 160 : index
    %swap3A_85 = tpu.vector_load %arg10[%swap3A_84] {strides = array<i32>} : memref<2048xf32, #tpu.memory_space<vmem>>, vector<16xf32>,
    %swap3A_86 = vector.shape_cast %swap3A_85 : vector<16xf32> to vector<16xf32>
    %swap3A_87 = vector.shape_cast %broadcast_in_dim3A_83 : vector<16xf32> to vector<16xf32>
    tpu.vector_store %arg10[%swap3A_84], %swap3A_87 {strides = array<i32>} : memref<2048xf32, #tpu.memory_space<vmem>>, vector<16xf32>,
    %broadcast_in_dim3A_88 = arith.constant 0.000000e+00 : f32
    %broadcast_in_dim3A_89 = vector.broadcast %broadcast_in_dim3A_88 : f32 to vector<16xf32>
    %swap3A_90 = arith.constant 176 : index
    %swap3A_91 = tpu.vector_load %arg10[%swap3A_90] {strides = array<i32>} : memref<2048xf32, #tpu.memory_space<vmem>>, vector<16xf32>,
    %swap3A_92 = vector.shape_cast %swap3A_91 : vector<16xf32> to vector<16xf32>
    %swap3A_93 = vector.shape_cast %broadcast_in_dim3A_89 : vector<16xf32> to vector<16xf32>
    tpu.vector_store %arg10[%swap3A_90], %swap3A_93 {strides = array<i32>} : memref<2048xf32, #tpu.memory_space<vmem>>, vector<16xf32>,
    %broadcast_in_dim3A_94 = arith.constant 0.000000e+00 : f32
    %broadcast_in_dim3A_95 = vector.broadcast %broadcast_in_dim3A_94 : f32 to vector<16xf32>
    %swap3A_96 = arith.constant 192 : index
    %swap3A_97 = tpu.vector_load %arg10[%swap3A_96] {strides = array<i32>} : memref<2048xf32, #tpu.memory_space<vmem>>, vector<16xf32>,
    %swap3A_98 = vector.shape_cast %swap3A_97 : vector<16xf32> to vector<16xf32>
    %swap3A_99 = vector.shape_cast %broadcast_in_dim3A_95 : vector<16xf32> to vector<16xf32>
    tpu.vector_store %arg10[%swap3A_96], %swap3A_99 {strides = array<i32>} : memref<2048xf32, #tpu.memory_space<vmem>>, vector<16xf32>,
    %broadcast_in_dim3A_100 = arith.constant 0.000000e+00 : f32
    %broadcast_in_dim3A_101 = vector.broadcast %broadcast_in_dim3A_100 : f32 to vector<16xf32>
    %swap3A_102 = arith.constant 208 : index
    %swap3A_103 = tpu.vector_load %arg10[%swap3A_102] {strides = array<i32>} : memref<2048xf32, #tpu.memory_space<vmem>>, vector<16xf32>,
    %swap3A_104 = vector.shape_cast %swap3A_103 : vector<16xf32> to vector<16xf32>
    %swap3A_105 = vector.shape_cast %broadcast_in_dim3A_101 : vector<16xf32> to vector<16xf32>
    tpu.vector_store %arg10[%swap3A_102], %swap3A_105 {strides = array<i32>} : memref<2048xf32, #tpu.memory_space<vmem>>, vector<16xf32>,
    %broadcast_in_dim3A_106 = arith.constant 0.000000e+00 : f32
    %broadcast_in_dim3A_107 = vector.broadcast %broadcast_in_dim3A_106 : f32 to vector<16xf32>
    %swap3A_108 = arith.constant 224 : index
    %swap3A_109 = tpu.vector_load %arg10[%swap3A_108] {strides = array<i32>} : memref<2048xf32, #tpu.memory_space<vmem>>, vector<16xf32>,
    %swap3A_110 = vector.shape_cast %swap3A_109 : vector<16xf32> to vector<16xf32>
    %swap3A_111 = vector.shape_cast %broadcast_in_dim3A_107 : vector<16xf32> to vector<16xf32>
    tpu.vector_store %arg10[%swap3A_108], %swap3A_111 {strides = array<i32>} : memref<2048xf32, #tpu.memory_space<vmem>>, vector<16xf32>,
    %broadcast_in_dim3A_112 = arith.constant 0.000000e+00 : f32
    %broadcast_in_dim3A_113 = vector.broadcast %broadcast_in_dim3A_112 : f32 to vector<16xf32>
    %swap3A_114 = arith.constant 240 : index
    %swap3A_115 = tpu.vector_load %arg10[%swap3A_114] {strides = array<i32>} : memref<2048xf32, #tpu.memory_space<vmem>>, vector<16xf32>,
    %swap3A_116 = vector.shape_cast %swap3A_115 : vector<16xf32> to vector<16xf32>
    %swap3A_117 = vector.shape_cast %broadcast_in_dim3A_113 : vector<16xf32> to vector<16xf32>
    tpu.vector_store %arg10[%swap3A_114], %swap3A_117 {strides = array<i32>} : memref<2048xf32, #tpu.memory_space<vmem>>, vector<16xf32>,
    %broadcast_in_dim3A_118 = arith.constant 0.000000e+00 : f32
    %broadcast_in_dim3A_119 = vector.broadcast %broadcast_in_dim3A_118 : f32 to vector<16xf32>
    %swap3A_120 = arith.constant 256 : index
    %swap3A_121 = tpu.vector_load %arg10[%swap3A_120] {strides = array<i32>} : memref<2048xf32, #tpu.memory_space<vmem>>, vector<16xf32>,
    %swap3A_122 = vector.shape_cast %swap3A_121 : vector<16xf32> to vector<16xf32>
    %swap3A_123 = vector.shape_cast %broadcast_in_dim3A_119 : vector<16xf32> to vector<16xf32>
    tpu.vector_store %arg10[%swap3A_120], %swap3A_123 {strides = array<i32>} : memref<2048xf32, #tpu.memory_space<vmem>>, vector<16xf32>,
    %broadcast_in_dim3A_124 = arith.constant 0.000000e+00 : f32
    %broadcast_in_dim3A_125 = vector.broadcast %broadcast_in_dim3A_124 : f32 to vector<16xf32>
    %swap3A_126 = arith.constant 272 : index
    %swap3A_127 = tpu.vector_load %arg10[%swap3A_126] {strides = array<i32>} : memref<2048xf32, #tpu.memory_space<vmem>>, vector<16xf32>,
    %swap3A_128 = vector.shape_cast %swap3A_127 : vector<16xf32> to vector<16xf32>
    %swap3A_129 = vector.shape_cast %broadcast_in_dim3A_125 : vector<16xf32> to vector<16xf32>
    tpu.vector_store %arg10[%swap3A_126], %swap3A_129 {strides = array<i32>} : memref<2048xf32, #tpu.memory_space<vmem>>, vector<16xf32>,
    %broadcast_in_dim3A_130 = arith.constant 0.000000e+00 : f32
    %broadcast_in_dim3A_131 = vector.broadcast %broadcast_in_dim3A_130 : f32 to vector<16xf32>
    %swap3A_132 = arith.constant 288 : index
    %swap3A_133 = tpu.vector_load %arg10[%swap3A_132] {strides = array<i32>} : memref<2048xf32, #tpu.memory_space<vmem>>, vector<16xf32>,
    %swap3A_134 = vector.shape_cast %swap3A_133 : vector<16xf32> to vector<16xf32>
    %swap3A_135 = vector.shape_cast %broadcast_in_dim3A_131 : vector<16xf32> to vector<16xf32>
    tpu.vector_store %arg10[%swap3A_132], %swap3A_135 {strides = array<i32>} : memref<2048xf32, #tpu.memory_space<vmem>>, vector<16xf32>,
    %broadcast_in_dim3A_136 = arith.constant 0.000000e+00 : f32
    %broadcast_in_dim3A_137 = vector.broadcast %broadcast_in_dim3A_136 : f32 to vector<16xf32>
    %swap3A_138 = arith.constant 304 : index
    %swap3A_139 = tpu.vector_load %arg10[%swap3A_138] {strides = array<i32>} : memref<2048xf32, #tpu.memory_space<vmem>>, vector<16xf32>,
    %swap3A_140 = vector.shape_cast %swap3A_139 : vector<16xf32> to vector<16xf32>
    %swap3A_141 = vector.shape_cast %broadcast_in_dim3A_137 : vector<16xf32> to vector<16xf32>
    tpu.vector_store %arg10[%swap3A_138], %swap3A_141 {strides = array<i32>} : memref<2048xf32, #tpu.memory_space<vmem>>, vector<16xf32>,
    %broadcast_in_dim3A_142 = arith.constant 0.000000e+00 : f32
    %broadcast_in_dim3A_143 = vector.broadcast %broadcast_in_dim3A_142 : f32 to vector<16xf32>
    %swap3A_144 = arith.constant 320 : index
    %swap3A_145 = tpu.vector_load %arg10[%swap3A_144] {strides = array<i32>} : memref<2048xf32, #tpu.memory_space<vmem>>, vector<16xf32>,
    %swap3A_146 = vector.shape_cast %swap3A_145 : vector<16xf32> to vector<16xf32>
    %swap3A_147 = vector.shape_cast %broadcast_in_dim3A_143 : vector<16xf32> to vector<16xf32>
    tpu.vector_store %arg10[%swap3A_144], %swap3A_147 {strides = array<i32>} : memref<2048xf32, #tpu.memory_space<vmem>>, vector<16xf32>,
    %broadcast_in_dim3A_148 = arith.constant 0.000000e+00 : f32
    %broadcast_in_dim3A_149 = vector.broadcast %broadcast_in_dim3A_148 : f32 to vector<16xf32>
    %swap3A_150 = arith.constant 336 : index
    %swap3A_151 = tpu.vector_load %arg10[%swap3A_150] {strides = array<i32>} : memref<2048xf32, #tpu.memory_space<vmem>>, vector<16xf32>,
    %swap3A_152 = vector.shape_cast %swap3A_151 : vector<16xf32> to vector<16xf32>
    %swap3A_153 = vector.shape_cast %broadcast_in_dim3A_149 : vector<16xf32> to vector<16xf32>
    tpu.vector_store %arg10[%swap3A_150], %swap3A_153 {strides = array<i32>} : memref<2048xf32, #tpu.memory_space<vmem>>, vector<16xf32>,
    %broadcast_in_dim3A_154 = arith.constant 0.000000e+00 : f32
    %broadcast_in_dim3A_155 = vector.broadcast %broadcast_in_dim3A_154 : f32 to vector<16xf32>
    %swap3A_156 = arith.constant 352 : index
    %swap3A_157 = tpu.vector_load %arg10[%swap3A_156] {strides = array<i32>} : memref<2048xf32, #tpu.memory_space<vmem>>, vector<16xf32>,
    %swap3A_158 = vector.shape_cast %swap3A_157 : vector<16xf32> to vector<16xf32>
    %swap3A_159 = vector.shape_cast %broadcast_in_dim3A_155 : vector<16xf32> to vector<16xf32>
    tpu.vector_store %arg10[%swap3A_156], %swap3A_159 {strides = array<i32>} : memref<2048xf32, #tpu.memory_space<vmem>>, vector<16xf32>,
    %broadcast_in_dim3A_160 = arith.constant 0.000000e+00 : f32
    %broadcast_in_dim3A_161 = vector.broadcast %broadcast_in_dim3A_160 : f32 to vector<16xf32>
    %swap3A_162 = arith.constant 368 : index
    %swap3A_163 = tpu.vector_load %arg10[%swap3A_162] {strides = array<i32>} : memref<2048xf32, #tpu.memory_space<vmem>>, vector<16xf32>,
    %swap3A_164 = vector.shape_cast %swap3A_163 : vector<16xf32> to vector<16xf32>
    %swap3A_165 = vector.shape_cast %broadcast_in_dim3A_161 : vector<16xf32> to vector<16xf32>
    tpu.vector_store %arg10[%swap3A_162], %swap3A_165 {strides = array<i32>} : memref<2048xf32, #tpu.memory_space<vmem>>, vector<16xf32>,
    %broadcast_in_dim3A_166 = arith.constant 0.000000e+00 : f32
    %broadcast_in_dim3A_167 = vector.broadcast %broadcast_in_dim3A_166 : f32 to vector<16xf32>
    %swap3A_168 = arith.constant 384 : index
    %swap3A_169 = tpu.vector_load %arg10[%swap3A_168] {strides = array<i32>} : memref<2048xf32, #tpu.memory_space<vmem>>, vector<16xf32>,
    %swap3A_170 = vector.shape_cast %swap3A_169 : vector<16xf32> to vector<16xf32>
    %swap3A_171 = vector.shape_cast %broadcast_in_dim3A_167 : vector<16xf32> to vector<16xf32>
    tpu.vector_store %arg10[%swap3A_168], %swap3A_171 {strides = array<i32>} : memref<2048xf32, #tpu.memory_space<vmem>>, vector<16xf32>,
    %broadcast_in_dim3A_172 = arith.constant 0.000000e+00 : f32
    %broadcast_in_dim3A_173 = vector.broadcast %broadcast_in_dim3A_172 : f32 to vector<16xf32>
    %swap3A_174 = arith.constant 400 : index
    %swap3A_175 = tpu.vector_load %arg10[%swap3A_174] {strides = array<i32>} : memref<2048xf32, #tpu.memory_space<vmem>>, vector<16xf32>,
    %swap3A_176 = vector.shape_cast %swap3A_175 : vector<16xf32> to vector<16xf32>
    %swap3A_177 = vector.shape_cast %broadcast_in_dim3A_173 : vector<16xf32> to vector<16xf32>
    tpu.vector_store %arg10[%swap3A_174], %swap3A_177 {strides = array<i32>} : memref<2048xf32, #tpu.memory_space<vmem>>, vector<16xf32>,
    %broadcast_in_dim3A_178 = arith.constant 0.000000e+00 : f32
    %broadcast_in_dim3A_179 = vector.broadcast %broadcast_in_dim3A_178 : f32 to vector<16xf32>
    %swap3A_180 = arith.constant 416 : index
    %swap3A_181 = tpu.vector_load %arg10[%swap3A_180] {strides = array<i32>} : memref<2048xf32, #tpu.memory_space<vmem>>, vector<16xf32>,
    %swap3A_182 = vector.shape_cast %swap3A_181 : vector<16xf32> to vector<16xf32>
    %swap3A_183 = vector.shape_cast %broadcast_in_dim3A_179 : vector<16xf32> to vector<16xf32>
    tpu.vector_store %arg10[%swap3A_180], %swap3A_183 {strides = array<i32>} : memref<2048xf32, #tpu.memory_space<vmem>>, vector<16xf32>,
    %broadcast_in_dim3A_184 = arith.constant 0.000000e+00 : f32
    %broadcast_in_dim3A_185 = vector.broadcast %broadcast_in_dim3A_184 : f32 to vector<16xf32>
    %swap3A_186 = arith.constant 432 : index
    %swap3A_187 = tpu.vector_load %arg10[%swap3A_186] {strides = array<i32>} : memref<2048xf32, #tpu.memory_space<vmem>>, vector<16xf32>,
    %swap3A_188 = vector.shape_cast %swap3A_187 : vector<16xf32> to vector<16xf32>
    %swap3A_189 = vector.shape_cast %broadcast_in_dim3A_185 : vector<16xf32> to vector<16xf32>
    tpu.vector_store %arg10[%swap3A_186], %swap3A_189 {strides = array<i32>} : memref<2048xf32, #tpu.memory_space<vmem>>, vector<16xf32>,
    %broadcast_in_dim3A_190 = arith.constant 0.000000e+00 : f32
    %broadcast_in_dim3A_191 = vector.broadcast %broadcast_in_dim3A_190 : f32 to vector<16xf32>
    %swap3A_192 = arith.constant 448 : index
    %swap3A_193 = tpu.vector_load %arg10[%swap3A_192] {strides = array<i32>} : memref<2048xf32, #tpu.memory_space<vmem>>, vector<16xf32>,
    %swap3A_194 = vector.shape_cast %swap3A_193 : vector<16xf32> to vector<16xf32>
    %swap3A_195 = vector.shape_cast %broadcast_in_dim3A_191 : vector<16xf32> to vector<16xf32>
    tpu.vector_store %arg10[%swap3A_192], %swap3A_195 {strides = array<i32>} : memref<2048xf32, #tpu.memory_space<vmem>>, vector<16xf32>,
    %broadcast_in_dim3A_196 = arith.constant 0.000000e+00 : f32
    %broadcast_in_dim3A_197 = vector.broadcast %broadcast_in_dim3A_196 : f32 to vector<16xf32>
    %swap3A_198 = arith.constant 464 : index
    %swap3A_199 = tpu.vector_load %arg10[%swap3A_198] {strides = array<i32>} : memref<2048xf32, #tpu.memory_space<vmem>>, vector<16xf32>,
    %swap3A_200 = vector.shape_cast %swap3A_199 : vector<16xf32> to vector<16xf32>
    %swap3A_201 = vector.shape_cast %broadcast_in_dim3A_197 : vector<16xf32> to vector<16xf32>
    tpu.vector_store %arg10[%swap3A_198], %swap3A_201 {strides = array<i32>} : memref<2048xf32, #tpu.memory_space<vmem>>, vector<16xf32>,
    %broadcast_in_dim3A_202 = arith.constant 0.000000e+00 : f32
    %broadcast_in_dim3A_203 = vector.broadcast %broadcast_in_dim3A_202 : f32 to vector<16xf32>
    %swap3A_204 = arith.constant 480 : index
    %swap3A_205 = tpu.vector_load %arg10[%swap3A_204] {strides = array<i32>} : memref<2048xf32, #tpu.memory_space<vmem>>, vector<16xf32>,
    %swap3A_206 = vector.shape_cast %swap3A_205 : vector<16xf32> to vector<16xf32>
    %swap3A_207 = vector.shape_cast %broadcast_in_dim3A_203 : vector<16xf32> to vector<16xf32>
    tpu.vector_store %arg10[%swap3A_204], %swap3A_207 {strides = array<i32>} : memref<2048xf32, #tpu.memory_space<vmem>>, vector<16xf32>,
    %broadcast_in_dim3A_208 = arith.constant 0.000000e+00 : f32
    %broadcast_in_dim3A_209 = vector.broadcast %broadcast_in_dim3A_208 : f32 to vector<16xf32>
    %swap3A_210 = arith.constant 496 : index
    %swap3A_211 = tpu.vector_load %arg10[%swap3A_210] {strides = array<i32>} : memref<2048xf32, #tpu.memory_space<vmem>>, vector<16xf32>,
    %swap3A_212 = vector.shape_cast %swap3A_211 : vector<16xf32> to vector<16xf32>
    %swap3A_213 = vector.shape_cast %broadcast_in_dim3A_209 : vector<16xf32> to vector<16xf32>
    tpu.vector_store %arg10[%swap3A_210], %swap3A_213 {strides = array<i32>} : memref<2048xf32, #tpu.memory_space<vmem>>, vector<16xf32>,
    %broadcast_in_dim3A_214 = arith.constant 0.000000e+00 : f32
    %broadcast_in_dim3A_215 = vector.broadcast %broadcast_in_dim3A_214 : f32 to vector<16xf32>
    %swap3A_216 = arith.constant 512 : index
    %swap3A_217 = tpu.vector_load %arg10[%swap3A_216] {strides = array<i32>} : memref<2048xf32, #tpu.memory_space<vmem>>, vector<16xf32>,
    %swap3A_218 = vector.shape_cast %swap3A_217 : vector<16xf32> to vector<16xf32>
    %swap3A_219 = vector.shape_cast %broadcast_in_dim3A_215 : vector<16xf32> to vector<16xf32>
    tpu.vector_store %arg10[%swap3A_216], %swap3A_219 {strides = array<i32>} : memref<2048xf32, #tpu.memory_space<vmem>>, vector<16xf32>,
    %broadcast_in_dim3A_220 = arith.constant 0.000000e+00 : f32
    %broadcast_in_dim3A_221 = vector.broadcast %broadcast_in_dim3A_220 : f32 to vector<16xf32>
    %swap3A_222 = arith.constant 528 : index
    %swap3A_223 = tpu.vector_load %arg10[%swap3A_222] {strides = array<i32>} : memref<2048xf32, #tpu.memory_space<vmem>>, vector<16xf32>,
    %swap3A_224 = vector.shape_cast %swap3A_223 : vector<16xf32> to vector<16xf32>
    %swap3A_225 = vector.shape_cast %broadcast_in_dim3A_221 : vector<16xf32> to vector<16xf32>
    tpu.vector_store %arg10[%swap3A_222], %swap3A_225 {strides = array<i32>} : memref<2048xf32, #tpu.memory_space<vmem>>, vector<16xf32>,
    %broadcast_in_dim3A_226 = arith.constant 0.000000e+00 : f32
    %broadcast_in_dim3A_227 = vector.broadcast %broadcast_in_dim3A_226 : f32 to vector<16xf32>
    %swap3A_228 = arith.constant 544 : index
    %swap3A_229 = tpu.vector_load %arg10[%swap3A_228] {strides = array<i32>} : memref<2048xf32, #tpu.memory_space<vmem>>, vector<16xf32>,
    %swap3A_230 = vector.shape_cast %swap3A_229 : vector<16xf32> to vector<16xf32>
    %swap3A_231 = vector.shape_cast %broadcast_in_dim3A_227 : vector<16xf32> to vector<16xf32>
    tpu.vector_store %arg10[%swap3A_228], %swap3A_231 {strides = array<i32>} : memref<2048xf32, #tpu.memory_space<vmem>>, vector<16xf32>,
    %broadcast_in_dim3A_232 = arith.constant 0.000000e+00 : f32
    %broadcast_in_dim3A_233 = vector.broadcast %broadcast_in_dim3A_232 : f32 to vector<16xf32>
    %swap3A_234 = arith.constant 560 : index
    %swap3A_235 = tpu.vector_load %arg10[%swap3A_234] {strides = array<i32>} : memref<2048xf32, #tpu.memory_space<vmem>>, vector<16xf32>,
    %swap3A_236 = vector.shape_cast %swap3A_235 : vector<16xf32> to vector<16xf32>
    %swap3A_237 = vector.shape_cast %broadcast_in_dim3A_233 : vector<16xf32> to vector<16xf32>
    tpu.vector_store %arg10[%swap3A_234], %swap3A_237 {strides = array<i32>} : memref<2048xf32, #tpu.memory_space<vmem>>, vector<16xf32>,
    %broadcast_in_dim3A_238 = arith.constant 0.000000e+00 : f32
    %broadcast_in_dim3A_239 = vector.broadcast %broadcast_in_dim3A_238 : f32 to vector<16xf32>
    %swap3A_240 = arith.constant 576 : index
    %swap3A_241 = tpu.vector_load %arg10[%swap3A_240] {strides = array<i32>} : memref<2048xf32, #tpu.memory_space<vmem>>, vector<16xf32>,
    %swap3A_242 = vector.shape_cast %swap3A_241 : vector<16xf32> to vector<16xf32>
    %swap3A_243 = vector.shape_cast %broadcast_in_dim3A_239 : vector<16xf32> to vector<16xf32>
    tpu.vector_store %arg10[%swap3A_240], %swap3A_243 {strides = array<i32>} : memref<2048xf32, #tpu.memory_space<vmem>>, vector<16xf32>,
    %broadcast_in_dim3A_244 = arith.constant 0.000000e+00 : f32
    %broadcast_in_dim3A_245 = vector.broadcast %broadcast_in_dim3A_244 : f32 to vector<16xf32>
    %swap3A_246 = arith.constant 592 : index
    %swap3A_247 = tpu.vector_load %arg10[%swap3A_246] {strides = array<i32>} : memref<2048xf32, #tpu.memory_space<vmem>>, vector<16xf32>,
    %swap3A_248 = vector.shape_cast %swap3A_247 : vector<16xf32> to vector<16xf32>
    %swap3A_249 = vector.shape_cast %broadcast_in_dim3A_245 : vector<16xf32> to vector<16xf32>
    tpu.vector_store %arg10[%swap3A_246], %swap3A_249 {strides = array<i32>} : memref<2048xf32, #tpu.memory_space<vmem>>, vector<16xf32>,
    %broadcast_in_dim3A_250 = arith.constant 0.000000e+00 : f32
    %broadcast_in_dim3A_251 = vector.broadcast %broadcast_in_dim3A_250 : f32 to vector<16xf32>
    %swap3A_252 = arith.constant 608 : index
    %swap3A_253 = tpu.vector_load %arg10[%swap3A_252] {strides = array<i32>} : memref<2048xf32, #tpu.memory_space<vmem>>, vector<16xf32>,
    %swap3A_254 = vector.shape_cast %swap3A_253 : vector<16xf32> to vector<16xf32>
    %swap3A_255 = vector.shape_cast %broadcast_in_dim3A_251 : vector<16xf32> to vector<16xf32>
    tpu.vector_store %arg10[%swap3A_252], %swap3A_255 {strides = array<i32>} : memref<2048xf32, #tpu.memory_space<vmem>>, vector<16xf32>,
    %broadcast_in_dim3A_256 = arith.constant 0.000000e+00 : f32
    %broadcast_in_dim3A_257 = vector.broadcast %broadcast_in_dim3A_256 : f32 to vector<16xf32>
    %swap3A_258 = arith.constant 624 : index
    %swap3A_259 = tpu.vector_load %arg10[%swap3A_258] {strides = array<i32>} : memref<2048xf32, #tpu.memory_space<vmem>>, vector<16xf32>,
    %swap3A_260 = vector.shape_cast %swap3A_259 : vector<16xf32> to vector<16xf32>
    %swap3A_261 = vector.shape_cast %broadcast_in_dim3A_257 : vector<16xf32> to vector<16xf32>
    tpu.vector_store %arg10[%swap3A_258], %swap3A_261 {strides = array<i32>} : memref<2048xf32, #tpu.memory_space<vmem>>, vector<16xf32>,
    %broadcast_in_dim3A_262 = arith.constant 0.000000e+00 : f32
    %broadcast_in_dim3A_263 = vector.broadcast %broadcast_in_dim3A_262 : f32 to vector<16xf32>
    %swap3A_264 = arith.constant 640 : index
    %swap3A_265 = tpu.vector_load %arg10[%swap3A_264] {strides = array<i32>} : memref<2048xf32, #tpu.memory_space<vmem>>, vector<16xf32>,
    %swap3A_266 = vector.shape_cast %swap3A_265 : vector<16xf32> to vector<16xf32>
    %swap3A_267 = vector.shape_cast %broadcast_in_dim3A_263 : vector<16xf32> to vector<16xf32>
    tpu.vector_store %arg10[%swap3A_264], %swap3A_267 {strides = array<i32>} : memref<2048xf32, #tpu.memory_space<vmem>>, vector<16xf32>,
    %broadcast_in_dim3A_268 = arith.constant 0.000000e+00 : f32
    %broadcast_in_dim3A_269 = vector.broadcast %broadcast_in_dim3A_268 : f32 to vector<16xf32>
    %swap3A_270 = arith.constant 656 : index
    %swap3A_271 = tpu.vector_load %arg10[%swap3A_270] {strides = array<i32>} : memref<2048xf32, #tpu.memory_space<vmem>>, vector<16xf32>,
    %swap3A_272 = vector.shape_cast %swap3A_271 : vector<16xf32> to vector<16xf32>
    %swap3A_273 = vector.shape_cast %broadcast_in_dim3A_269 : vector<16xf32> to vector<16xf32>
    tpu.vector_store %arg10[%swap3A_270], %swap3A_273 {strides = array<i32>} : memref<2048xf32, #tpu.memory_space<vmem>>, vector<16xf32>,
    %broadcast_in_dim3A_274 = arith.constant 0.000000e+00 : f32
    %broadcast_in_dim3A_275 = vector.broadcast %broadcast_in_dim3A_274 : f32 to vector<16xf32>
    %swap3A_276 = arith.constant 672 : index
    %swap3A_277 = tpu.vector_load %arg10[%swap3A_276] {strides = array<i32>} : memref<2048xf32, #tpu.memory_space<vmem>>, vector<16xf32>,
    %swap3A_278 = vector.shape_cast %swap3A_277 : vector<16xf32> to vector<16xf32>
    %swap3A_279 = vector.shape_cast %broadcast_in_dim3A_275 : vector<16xf32> to vector<16xf32>
    tpu.vector_store %arg10[%swap3A_276], %swap3A_279 {strides = array<i32>} : memref<2048xf32, #tpu.memory_space<vmem>>, vector<16xf32>,
    %broadcast_in_dim3A_280 = arith.constant 0.000000e+00 : f32
    %broadcast_in_dim3A_281 = vector.broadcast %broadcast_in_dim3A_280 : f32 to vector<16xf32>
    %swap3A_282 = arith.constant 688 : index
    %swap3A_283 = tpu.vector_load %arg10[%swap3A_282] {strides = array<i32>} : memref<2048xf32, #tpu.memory_space<vmem>>, vector<16xf32>,
    %swap3A_284 = vector.shape_cast %swap3A_283 : vector<16xf32> to vector<16xf32>
    %swap3A_285 = vector.shape_cast %broadcast_in_dim3A_281 : vector<16xf32> to vector<16xf32>
    tpu.vector_store %arg10[%swap3A_282], %swap3A_285 {strides = array<i32>} : memref<2048xf32, #tpu.memory_space<vmem>>, vector<16xf32>,
    %broadcast_in_dim3A_286 = arith.constant 0.000000e+00 : f32
    %broadcast_in_dim3A_287 = vector.broadcast %broadcast_in_dim3A_286 : f32 to vector<16xf32>
    %swap3A_288 = arith.constant 704 : index
    %swap3A_289 = tpu.vector_load %arg10[%swap3A_288] {strides = array<i32>} : memref<2048xf32, #tpu.memory_space<vmem>>, vector<16xf32>,
    %swap3A_290 = vector.shape_cast %swap3A_289 : vector<16xf32> to vector<16xf32>
    %swap3A_291 = vector.shape_cast %broadcast_in_dim3A_287 : vector<16xf32> to vector<16xf32>
    tpu.vector_store %arg10[%swap3A_288], %swap3A_291 {strides = array<i32>} : memref<2048xf32, #tpu.memory_space<vmem>>, vector<16xf32>,
    %broadcast_in_dim3A_292 = arith.constant 0.000000e+00 : f32
    %broadcast_in_dim3A_293 = vector.broadcast %broadcast_in_dim3A_292 : f32 to vector<16xf32>
    %swap3A_294 = arith.constant 720 : index
    %swap3A_295 = tpu.vector_load %arg10[%swap3A_294] {strides = array<i32>} : memref<2048xf32, #tpu.memory_space<vmem>>, vector<16xf32>,
    %swap3A_296 = vector.shape_cast %swap3A_295 : vector<16xf32> to vector<16xf32>
    %swap3A_297 = vector.shape_cast %broadcast_in_dim3A_293 : vector<16xf32> to vector<16xf32>
    tpu.vector_store %arg10[%swap3A_294], %swap3A_297 {strides = array<i32>} : memref<2048xf32, #tpu.memory_space<vmem>>, vector<16xf32>,
    %broadcast_in_dim3A_298 = arith.constant 0.000000e+00 : f32
    %broadcast_in_dim3A_299 = vector.broadcast %broadcast_in_dim3A_298 : f32 to vector<16xf32>
    %swap3A_300 = arith.constant 736 : index
    %swap3A_301 = tpu.vector_load %arg10[%swap3A_300] {strides = array<i32>} : memref<2048xf32, #tpu.memory_space<vmem>>, vector<16xf32>,
    %swap3A_302 = vector.shape_cast %swap3A_301 : vector<16xf32> to vector<16xf32>
    %swap3A_303 = vector.shape_cast %broadcast_in_dim3A_299 : vector<16xf32> to vector<16xf32>
    tpu.vector_store %arg10[%swap3A_300], %swap3A_303 {strides = array<i32>} : memref<2048xf32, #tpu.memory_space<vmem>>, vector<16xf32>,
    %broadcast_in_dim3A_304 = arith.constant 0.000000e+00 : f32
    %broadcast_in_dim3A_305 = vector.broadcast %broadcast_in_dim3A_304 : f32 to vector<16xf32>
    %swap3A_306 = arith.constant 752 : index
    %swap3A_307 = tpu.vector_load %arg10[%swap3A_306] {strides = array<i32>} : memref<2048xf32, #tpu.memory_space<vmem>>, vector<16xf32>,
    %swap3A_308 = vector.shape_cast %swap3A_307 : vector<16xf32> to vector<16xf32>
    %swap3A_309 = vector.shape_cast %broadcast_in_dim3A_305 : vector<16xf32> to vector<16xf32>
    tpu.vector_store %arg10[%swap3A_306], %swap3A_309 {strides = array<i32>} : memref<2048xf32, #tpu.memory_space<vmem>>, vector<16xf32>,
    %broadcast_in_dim3A_310 = arith.constant 0.000000e+00 : f32
    %broadcast_in_dim3A_311 = vector.broadcast %broadcast_in_dim3A_310 : f32 to vector<16xf32>
    %swap3A_312 = arith.constant 768 : index
    %swap3A_313 = tpu.vector_load %arg10[%swap3A_312] {strides = array<i32>} : memref<2048xf32, #tpu.memory_space<vmem>>, vector<16xf32>,
    %swap3A_314 = vector.shape_cast %swap3A_313 : vector<16xf32> to vector<16xf32>
    %swap3A_315 = vector.shape_cast %broadcast_in_dim3A_311 : vector<16xf32> to vector<16xf32>
    tpu.vector_store %arg10[%swap3A_312], %swap3A_315 {strides = array<i32>} : memref<2048xf32, #tpu.memory_space<vmem>>, vector<16xf32>,
    %broadcast_in_dim3A_316 = arith.constant 0.000000e+00 : f32
    %broadcast_in_dim3A_317 = vector.broadcast %broadcast_in_dim3A_316 : f32 to vector<16xf32>
    %swap3A_318 = arith.constant 784 : index
    %swap3A_319 = tpu.vector_load %arg10[%swap3A_318] {strides = array<i32>} : memref<2048xf32, #tpu.memory_space<vmem>>, vector<16xf32>,
    %swap3A_320 = vector.shape_cast %swap3A_319 : vector<16xf32> to vector<16xf32>
    %swap3A_321 = vector.shape_cast %broadcast_in_dim3A_317 : vector<16xf32> to vector<16xf32>
    tpu.vector_store %arg10[%swap3A_318], %swap3A_321 {strides = array<i32>} : memref<2048xf32, #tpu.memory_space<vmem>>, vector<16xf32>,
    %broadcast_in_dim3A_322 = arith.constant 0.000000e+00 : f32
    %broadcast_in_dim3A_323 = vector.broadcast %broadcast_in_dim3A_322 : f32 to vector<16xf32>
    %swap3A_324 = arith.constant 800 : index
    %swap3A_325 = tpu.vector_load %arg10[%swap3A_324] {strides = array<i32>} : memref<2048xf32, #tpu.memory_space<vmem>>, vector<16xf32>,
    %swap3A_326 = vector.shape_cast %swap3A_325 : vector<16xf32> to vector<16xf32>
    %swap3A_327 = vector.shape_cast %broadcast_in_dim3A_323 : vector<16xf32> to vector<16xf32>
    tpu.vector_store %arg10[%swap3A_324], %swap3A_327 {strides = array<i32>} : memref<2048xf32, #tpu.memory_space<vmem>>, vector<16xf32>,
    %broadcast_in_dim3A_328 = arith.constant 0.000000e+00 : f32
    %broadcast_in_dim3A_329 = vector.broadcast %broadcast_in_dim3A_328 : f32 to vector<16xf32>
    %swap3A_330 = arith.constant 816 : index
    %swap3A_331 = tpu.vector_load %arg10[%swap3A_330] {strides = array<i32>} : memref<2048xf32, #tpu.memory_space<vmem>>, vector<16xf32>,
    %swap3A_332 = vector.shape_cast %swap3A_331 : vector<16xf32> to vector<16xf32>
    %swap3A_333 = vector.shape_cast %broadcast_in_dim3A_329 : vector<16xf32> to vector<16xf32>
    tpu.vector_store %arg10[%swap3A_330], %swap3A_333 {strides = array<i32>} : memref<2048xf32, #tpu.memory_space<vmem>>, vector<16xf32>,
    %broadcast_in_dim3A_334 = arith.constant 0.000000e+00 : f32
    %broadcast_in_dim3A_335 = vector.broadcast %broadcast_in_dim3A_334 : f32 to vector<16xf32>
    %swap3A_336 = arith.constant 832 : index
    %swap3A_337 = tpu.vector_load %arg10[%swap3A_336] {strides = array<i32>} : memref<2048xf32, #tpu.memory_space<vmem>>, vector<16xf32>,
    %swap3A_338 = vector.shape_cast %swap3A_337 : vector<16xf32> to vector<16xf32>
    %swap3A_339 = vector.shape_cast %broadcast_in_dim3A_335 : vector<16xf32> to vector<16xf32>
    tpu.vector_store %arg10[%swap3A_336], %swap3A_339 {strides = array<i32>} : memref<2048xf32, #tpu.memory_space<vmem>>, vector<16xf32>,
    %broadcast_in_dim3A_340 = arith.constant 0.000000e+00 : f32
    %broadcast_in_dim3A_341 = vector.broadcast %broadcast_in_dim3A_340 : f32 to vector<16xf32>
    %swap3A_342 = arith.constant 848 : index
    %swap3A_343 = tpu.vector_load %arg10[%swap3A_342] {strides = array<i32>} : memref<2048xf32, #tpu.memory_space<vmem>>, vector<16xf32>,
    %swap3A_344 = vector.shape_cast %swap3A_343 : vector<16xf32> to vector<16xf32>
    %swap3A_345 = vector.shape_cast %broadcast_in_dim3A_341 : vector<16xf32> to vector<16xf32>
    tpu.vector_store %arg10[%swap3A_342], %swap3A_345 {strides = array<i32>} : memref<2048xf32, #tpu.memory_space<vmem>>, vector<16xf32>,
    %broadcast_in_dim3A_346 = arith.constant 0.000000e+00 : f32
    %broadcast_in_dim3A_347 = vector.broadcast %broadcast_in_dim3A_346 : f32 to vector<16xf32>
    %swap3A_348 = arith.constant 864 : index
    %swap3A_349 = tpu.vector_load %arg10[%swap3A_348] {strides = array<i32>} : memref<2048xf32, #tpu.memory_space<vmem>>, vector<16xf32>,
    %swap3A_350 = vector.shape_cast %swap3A_349 : vector<16xf32> to vector<16xf32>
    %swap3A_351 = vector.shape_cast %broadcast_in_dim3A_347 : vector<16xf32> to vector<16xf32>
    tpu.vector_store %arg10[%swap3A_348], %swap3A_351 {strides = array<i32>} : memref<2048xf32, #tpu.memory_space<vmem>>, vector<16xf32>,
    %broadcast_in_dim3A_352 = arith.constant 0.000000e+00 : f32
    %broadcast_in_dim3A_353 = vector.broadcast %broadcast_in_dim3A_352 : f32 to vector<16xf32>
    %swap3A_354 = arith.constant 880 : index
    %swap3A_355 = tpu.vector_load %arg10[%swap3A_354] {strides = array<i32>} : memref<2048xf32, #tpu.memory_space<vmem>>, vector<16xf32>,
    %swap3A_356 = vector.shape_cast %swap3A_355 : vector<16xf32> to vector<16xf32>
    %swap3A_357 = vector.shape_cast %broadcast_in_dim3A_353 : vector<16xf32> to vector<16xf32>
    tpu.vector_store %arg10[%swap3A_354], %swap3A_357 {strides = array<i32>} : memref<2048xf32, #tpu.memory_space<vmem>>, vector<16xf32>,
    %broadcast_in_dim3A_358 = arith.constant 0.000000e+00 : f32
    %broadcast_in_dim3A_359 = vector.broadcast %broadcast_in_dim3A_358 : f32 to vector<16xf32>
    %swap3A_360 = arith.constant 896 : index
    %swap3A_361 = tpu.vector_load %arg10[%swap3A_360] {strides = array<i32>} : memref<2048xf32, #tpu.memory_space<vmem>>, vector<16xf32>,
    %swap3A_362 = vector.shape_cast %swap3A_361 : vector<16xf32> to vector<16xf32>
    %swap3A_363 = vector.shape_cast %broadcast_in_dim3A_359 : vector<16xf32> to vector<16xf32>
    tpu.vector_store %arg10[%swap3A_360], %swap3A_363 {strides = array<i32>} : memref<2048xf32, #tpu.memory_space<vmem>>, vector<16xf32>,
    %broadcast_in_dim3A_364 = arith.constant 0.000000e+00 : f32
    %broadcast_in_dim3A_365 = vector.broadcast %broadcast_in_dim3A_364 : f32 to vector<16xf32>
    %swap3A_366 = arith.constant 912 : index
    %swap3A_367 = tpu.vector_load %arg10[%swap3A_366] {strides = array<i32>} : memref<2048xf32, #tpu.memory_space<vmem>>, vector<16xf32>,
    %swap3A_368 = vector.shape_cast %swap3A_367 : vector<16xf32> to vector<16xf32>
    %swap3A_369 = vector.shape_cast %broadcast_in_dim3A_365 : vector<16xf32> to vector<16xf32>
    tpu.vector_store %arg10[%swap3A_366], %swap3A_369 {strides = array<i32>} : memref<2048xf32, #tpu.memory_space<vmem>>, vector<16xf32>,
    %broadcast_in_dim3A_370 = arith.constant 0.000000e+00 : f32
    %broadcast_in_dim3A_371 = vector.broadcast %broadcast_in_dim3A_370 : f32 to vector<16xf32>
    %swap3A_372 = arith.constant 928 : index
    %swap3A_373 = tpu.vector_load %arg10[%swap3A_372] {strides = array<i32>} : memref<2048xf32, #tpu.memory_space<vmem>>, vector<16xf32>,
    %swap3A_374 = vector.shape_cast %swap3A_373 : vector<16xf32> to vector<16xf32>
    %swap3A_375 = vector.shape_cast %broadcast_in_dim3A_371 : vector<16xf32> to vector<16xf32>
    tpu.vector_store %arg10[%swap3A_372], %swap3A_375 {strides = array<i32>} : memref<2048xf32, #tpu.memory_space<vmem>>, vector<16xf32>,
    %broadcast_in_dim3A_376 = arith.constant 0.000000e+00 : f32
    %broadcast_in_dim3A_377 = vector.broadcast %broadcast_in_dim3A_376 : f32 to vector<16xf32>
    %swap3A_378 = arith.constant 944 : index
    %swap3A_379 = tpu.vector_load %arg10[%swap3A_378] {strides = array<i32>} : memref<2048xf32, #tpu.memory_space<vmem>>, vector<16xf32>,
    %swap3A_380 = vector.shape_cast %swap3A_379 : vector<16xf32> to vector<16xf32>
    %swap3A_381 = vector.shape_cast %broadcast_in_dim3A_377 : vector<16xf32> to vector<16xf32>
    tpu.vector_store %arg10[%swap3A_378], %swap3A_381 {strides = array<i32>} : memref<2048xf32, #tpu.memory_space<vmem>>, vector<16xf32>,
    %broadcast_in_dim3A_382 = arith.constant 0.000000e+00 : f32
    %broadcast_in_dim3A_383 = vector.broadcast %broadcast_in_dim3A_382 : f32 to vector<16xf32>
    %swap3A_384 = arith.constant 960 : index
    %swap3A_385 = tpu.vector_load %arg10[%swap3A_384] {strides = array<i32>} : memref<2048xf32, #tpu.memory_space<vmem>>, vector<16xf32>,
    %swap3A_386 = vector.shape_cast %swap3A_385 : vector<16xf32> to vector<16xf32>
    %swap3A_387 = vector.shape_cast %broadcast_in_dim3A_383 : vector<16xf32> to vector<16xf32>
    tpu.vector_store %arg10[%swap3A_384], %swap3A_387 {strides = array<i32>} : memref<2048xf32, #tpu.memory_space<vmem>>, vector<16xf32>,
    %broadcast_in_dim3A_388 = arith.constant 0.000000e+00 : f32
    %broadcast_in_dim3A_389 = vector.broadcast %broadcast_in_dim3A_388 : f32 to vector<16xf32>
    %swap3A_390 = arith.constant 976 : index
    %swap3A_391 = tpu.vector_load %arg10[%swap3A_390] {strides = array<i32>} : memref<2048xf32, #tpu.memory_space<vmem>>, vector<16xf32>,
    %swap3A_392 = vector.shape_cast %swap3A_391 : vector<16xf32> to vector<16xf32>
    %swap3A_393 = vector.shape_cast %broadcast_in_dim3A_389 : vector<16xf32> to vector<16xf32>
    tpu.vector_store %arg10[%swap3A_390], %swap3A_393 {strides = array<i32>} : memref<2048xf32, #tpu.memory_space<vmem>>, vector<16xf32>,
    %broadcast_in_dim3A_394 = arith.constant 0.000000e+00 : f32
    %broadcast_in_dim3A_395 = vector.broadcast %broadcast_in_dim3A_394 : f32 to vector<16xf32>
    %swap3A_396 = arith.constant 992 : index
    %swap3A_397 = tpu.vector_load %arg10[%swap3A_396] {strides = array<i32>} : memref<2048xf32, #tpu.memory_space<vmem>>, vector<16xf32>,
    %swap3A_398 = vector.shape_cast %swap3A_397 : vector<16xf32> to vector<16xf32>
    %swap3A_399 = vector.shape_cast %broadcast_in_dim3A_395 : vector<16xf32> to vector<16xf32>
    tpu.vector_store %arg10[%swap3A_396], %swap3A_399 {strides = array<i32>} : memref<2048xf32, #tpu.memory_space<vmem>>, vector<16xf32>,
    %broadcast_in_dim3A_400 = arith.constant 0.000000e+00 : f32
    %broadcast_in_dim3A_401 = vector.broadcast %broadcast_in_dim3A_400 : f32 to vector<16xf32>
    %swap3A_402 = arith.constant 1008 : index
    %swap3A_403 = tpu.vector_load %arg10[%swap3A_402] {strides = array<i32>} : memref<2048xf32, #tpu.memory_space<vmem>>, vector<16xf32>,
    %swap3A_404 = vector.shape_cast %swap3A_403 : vector<16xf32> to vector<16xf32>
    %swap3A_405 = vector.shape_cast %broadcast_in_dim3A_401 : vector<16xf32> to vector<16xf32>
    tpu.vector_store %arg10[%swap3A_402], %swap3A_405 {strides = array<i32>} : memref<2048xf32, #tpu.memory_space<vmem>>, vector<16xf32>,
    %broadcast_in_dim3A_406 = arith.constant 0.000000e+00 : f32
    %broadcast_in_dim3A_407 = vector.broadcast %broadcast_in_dim3A_406 : f32 to vector<16xf32>
    %swap3A_408 = arith.constant 1024 : index
    %swap3A_409 = tpu.vector_load %arg10[%swap3A_408] {strides = array<i32>} : memref<2048xf32, #tpu.memory_space<vmem>>, vector<16xf32>,
    %swap3A_410 = vector.shape_cast %swap3A_409 : vector<16xf32> to vector<16xf32>
    %swap3A_411 = vector.shape_cast %broadcast_in_dim3A_407 : vector<16xf32> to vector<16xf32>
    tpu.vector_store %arg10[%swap3A_408], %swap3A_411 {strides = array<i32>} : memref<2048xf32, #tpu.memory_space<vmem>>, vector<16xf32>,
    %broadcast_in_dim3A_412 = arith.constant 0.000000e+00 : f32
    %broadcast_in_dim3A_413 = vector.broadcast %broadcast_in_dim3A_412 : f32 to vector<16xf32>
    %swap3A_414 = arith.constant 1040 : index
    %swap3A_415 = tpu.vector_load %arg10[%swap3A_414] {strides = array<i32>} : memref<2048xf32, #tpu.memory_space<vmem>>, vector<16xf32>,
    %swap3A_416 = vector.shape_cast %swap3A_415 : vector<16xf32> to vector<16xf32>
    %swap3A_417 = vector.shape_cast %broadcast_in_dim3A_413 : vector<16xf32> to vector<16xf32>
    tpu.vector_store %arg10[%swap3A_414], %swap3A_417 {strides = array<i32>} : memref<2048xf32, #tpu.memory_space<vmem>>, vector<16xf32>,
    %broadcast_in_dim3A_418 = arith.constant 0.000000e+00 : f32
    %broadcast_in_dim3A_419 = vector.broadcast %broadcast_in_dim3A_418 : f32 to vector<16xf32>
    %swap3A_420 = arith.constant 1056 : index
    %swap3A_421 = tpu.vector_load %arg10[%swap3A_420] {strides = array<i32>} : memref<2048xf32, #tpu.memory_space<vmem>>, vector<16xf32>,
    %swap3A_422 = vector.shape_cast %swap3A_421 : vector<16xf32> to vector<16xf32>
    %swap3A_423 = vector.shape_cast %broadcast_in_dim3A_419 : vector<16xf32> to vector<16xf32>
    tpu.vector_store %arg10[%swap3A_420], %swap3A_423 {strides = array<i32>} : memref<2048xf32, #tpu.memory_space<vmem>>, vector<16xf32>,
    %broadcast_in_dim3A_424 = arith.constant 0.000000e+00 : f32
    %broadcast_in_dim3A_425 = vector.broadcast %broadcast_in_dim3A_424 : f32 to vector<16xf32>
    %swap3A_426 = arith.constant 1072 : index
    %swap3A_427 = tpu.vector_load %arg10[%swap3A_426] {strides = array<i32>} : memref<2048xf32, #tpu.memory_space<vmem>>, vector<16xf32>,
    %swap3A_428 = vector.shape_cast %swap3A_427 : vector<16xf32> to vector<16xf32>
    %swap3A_429 = vector.shape_cast %broadcast_in_dim3A_425 : vector<16xf32> to vector<16xf32>
    tpu.vector_store %arg10[%swap3A_426], %swap3A_429 {strides = array<i32>} : memref<2048xf32, #tpu.memory_space<vmem>>, vector<16xf32>,
    %broadcast_in_dim3A_430 = arith.constant 0.000000e+00 : f32
    %broadcast_in_dim3A_431 = vector.broadcast %broadcast_in_dim3A_430 : f32 to vector<16xf32>
    %swap3A_432 = arith.constant 1088 : index
    %swap3A_433 = tpu.vector_load %arg10[%swap3A_432] {strides = array<i32>} : memref<2048xf32, #tpu.memory_space<vmem>>, vector<16xf32>,
    %swap3A_434 = vector.shape_cast %swap3A_433 : vector<16xf32> to vector<16xf32>
    %swap3A_435 = vector.shape_cast %broadcast_in_dim3A_431 : vector<16xf32> to vector<16xf32>
    tpu.vector_store %arg10[%swap3A_432], %swap3A_435 {strides = array<i32>} : memref<2048xf32, #tpu.memory_space<vmem>>, vector<16xf32>,
    %broadcast_in_dim3A_436 = arith.constant 0.000000e+00 : f32
    %broadcast_in_dim3A_437 = vector.broadcast %broadcast_in_dim3A_436 : f32 to vector<16xf32>
    %swap3A_438 = arith.constant 1104 : index
    %swap3A_439 = tpu.vector_load %arg10[%swap3A_438] {strides = array<i32>} : memref<2048xf32, #tpu.memory_space<vmem>>, vector<16xf32>,
    %swap3A_440 = vector.shape_cast %swap3A_439 : vector<16xf32> to vector<16xf32>
    %swap3A_441 = vector.shape_cast %broadcast_in_dim3A_437 : vector<16xf32> to vector<16xf32>
    tpu.vector_store %arg10[%swap3A_438], %swap3A_441 {strides = array<i32>} : memref<2048xf32, #tpu.memory_space<vmem>>, vector<16xf32>,
    %broadcast_in_dim3A_442 = arith.constant 0.000000e+00 : f32
    %broadcast_in_dim3A_443 = vector.broadcast %broadcast_in_dim3A_442 : f32 to vector<16xf32>
    %swap3A_444 = arith.constant 1120 : index
    %swap3A_445 = tpu.vector_load %arg10[%swap3A_444] {strides = array<i32>} : memref<2048xf32, #tpu.memory_space<vmem>>, vector<16xf32>,
    %swap3A_446 = vector.shape_cast %swap3A_445 : vector<16xf32> to vector<16xf32>
    %swap3A_447 = vector.shape_cast %broadcast_in_dim3A_443 : vector<16xf32> to vector<16xf32>
    tpu.vector_store %arg10[%swap3A_444], %swap3A_447 {strides = array<i32>} : memref<2048xf32, #tpu.memory_space<vmem>>, vector<16xf32>,
    %broadcast_in_dim3A_448 = arith.constant 0.000000e+00 : f32
    %broadcast_in_dim3A_449 = vector.broadcast %broadcast_in_dim3A_448 : f32 to vector<16xf32>
    %swap3A_450 = arith.constant 1136 : index
    %swap3A_451 = tpu.vector_load %arg10[%swap3A_450] {strides = array<i32>} : memref<2048xf32, #tpu.memory_space<vmem>>, vector<16xf32>,
    %swap3A_452 = vector.shape_cast %swap3A_451 : vector<16xf32> to vector<16xf32>
    %swap3A_453 = vector.shape_cast %broadcast_in_dim3A_449 : vector<16xf32> to vector<16xf32>
    tpu.vector_store %arg10[%swap3A_450], %swap3A_453 {strides = array<i32>} : memref<2048xf32, #tpu.memory_space<vmem>>, vector<16xf32>,
    %broadcast_in_dim3A_454 = arith.constant 0.000000e+00 : f32
    %broadcast_in_dim3A_455 = vector.broadcast %broadcast_in_dim3A_454 : f32 to vector<16xf32>
    %swap3A_456 = arith.constant 1152 : index
    %swap3A_457 = tpu.vector_load %arg10[%swap3A_456] {strides = array<i32>} : memref<2048xf32, #tpu.memory_space<vmem>>, vector<16xf32>,
    %swap3A_458 = vector.shape_cast %swap3A_457 : vector<16xf32> to vector<16xf32>
    %swap3A_459 = vector.shape_cast %broadcast_in_dim3A_455 : vector<16xf32> to vector<16xf32>
    tpu.vector_store %arg10[%swap3A_456], %swap3A_459 {strides = array<i32>} : memref<2048xf32, #tpu.memory_space<vmem>>, vector<16xf32>,
    %broadcast_in_dim3A_460 = arith.constant 0.000000e+00 : f32
    %broadcast_in_dim3A_461 = vector.broadcast %broadcast_in_dim3A_460 : f32 to vector<16xf32>
    %swap3A_462 = arith.constant 1168 : index
    %swap3A_463 = tpu.vector_load %arg10[%swap3A_462] {strides = array<i32>} : memref<2048xf32, #tpu.memory_space<vmem>>, vector<16xf32>,
    %swap3A_464 = vector.shape_cast %swap3A_463 : vector<16xf32> to vector<16xf32>
    %swap3A_465 = vector.shape_cast %broadcast_in_dim3A_461 : vector<16xf32> to vector<16xf32>
    tpu.vector_store %arg10[%swap3A_462], %swap3A_465 {strides = array<i32>} : memref<2048xf32, #tpu.memory_space<vmem>>, vector<16xf32>,
    %broadcast_in_dim3A_466 = arith.constant 0.000000e+00 : f32
    %broadcast_in_dim3A_467 = vector.broadcast %broadcast_in_dim3A_466 : f32 to vector<16xf32>
    %swap3A_468 = arith.constant 1184 : index
    %swap3A_469 = tpu.vector_load %arg10[%swap3A_468] {strides = array<i32>} : memref<2048xf32, #tpu.memory_space<vmem>>, vector<16xf32>,
    %swap3A_470 = vector.shape_cast %swap3A_469 : vector<16xf32> to vector<16xf32>
    %swap3A_471 = vector.shape_cast %broadcast_in_dim3A_467 : vector<16xf32> to vector<16xf32>
    tpu.vector_store %arg10[%swap3A_468], %swap3A_471 {strides = array<i32>} : memref<2048xf32, #tpu.memory_space<vmem>>, vector<16xf32>,
    %broadcast_in_dim3A_472 = arith.constant 0.000000e+00 : f32
    %broadcast_in_dim3A_473 = vector.broadcast %broadcast_in_dim3A_472 : f32 to vector<16xf32>
    %swap3A_474 = arith.constant 1200 : index
    %swap3A_475 = tpu.vector_load %arg10[%swap3A_474] {strides = array<i32>} : memref<2048xf32, #tpu.memory_space<vmem>>, vector<16xf32>,
    %swap3A_476 = vector.shape_cast %swap3A_475 : vector<16xf32> to vector<16xf32>
    %swap3A_477 = vector.shape_cast %broadcast_in_dim3A_473 : vector<16xf32> to vector<16xf32>
    tpu.vector_store %arg10[%swap3A_474], %swap3A_477 {strides = array<i32>} : memref<2048xf32, #tpu.memory_space<vmem>>, vector<16xf32>,
    %broadcast_in_dim3A_478 = arith.constant 0.000000e+00 : f32
    %broadcast_in_dim3A_479 = vector.broadcast %broadcast_in_dim3A_478 : f32 to vector<16xf32>
    %swap3A_480 = arith.constant 1216 : index
    %swap3A_481 = tpu.vector_load %arg10[%swap3A_480] {strides = array<i32>} : memref<2048xf32, #tpu.memory_space<vmem>>, vector<16xf32>,
    %swap3A_482 = vector.shape_cast %swap3A_481 : vector<16xf32> to vector<16xf32>
    %swap3A_483 = vector.shape_cast %broadcast_in_dim3A_479 : vector<16xf32> to vector<16xf32>
    tpu.vector_store %arg10[%swap3A_480], %swap3A_483 {strides = array<i32>} : memref<2048xf32, #tpu.memory_space<vmem>>, vector<16xf32>,
    %broadcast_in_dim3A_484 = arith.constant 0.000000e+00 : f32
    %broadcast_in_dim3A_485 = vector.broadcast %broadcast_in_dim3A_484 : f32 to vector<16xf32>
    %swap3A_486 = arith.constant 1232 : index
    %swap3A_487 = tpu.vector_load %arg10[%swap3A_486] {strides = array<i32>} : memref<2048xf32, #tpu.memory_space<vmem>>, vector<16xf32>,
    %swap3A_488 = vector.shape_cast %swap3A_487 : vector<16xf32> to vector<16xf32>
    %swap3A_489 = vector.shape_cast %broadcast_in_dim3A_485 : vector<16xf32> to vector<16xf32>
    tpu.vector_store %arg10[%swap3A_486], %swap3A_489 {strides = array<i32>} : memref<2048xf32, #tpu.memory_space<vmem>>, vector<16xf32>,
    %broadcast_in_dim3A_490 = arith.constant 0.000000e+00 : f32
    %broadcast_in_dim3A_491 = vector.broadcast %broadcast_in_dim3A_490 : f32 to vector<16xf32>
    %swap3A_492 = arith.constant 1248 : index
    %swap3A_493 = tpu.vector_load %arg10[%swap3A_492] {strides = array<i32>} : memref<2048xf32, #tpu.memory_space<vmem>>, vector<16xf32>,
    %swap3A_494 = vector.shape_cast %swap3A_493 : vector<16xf32> to vector<16xf32>
    %swap3A_495 = vector.shape_cast %broadcast_in_dim3A_491 : vector<16xf32> to vector<16xf32>
    tpu.vector_store %arg10[%swap3A_492], %swap3A_495 {strides = array<i32>} : memref<2048xf32, #tpu.memory_space<vmem>>, vector<16xf32>,
    %broadcast_in_dim3A_496 = arith.constant 0.000000e+00 : f32
    %broadcast_in_dim3A_497 = vector.broadcast %broadcast_in_dim3A_496 : f32 to vector<16xf32>
    %swap3A_498 = arith.constant 1264 : index
    %swap3A_499 = tpu.vector_load %arg10[%swap3A_498] {strides = array<i32>} : memref<2048xf32, #tpu.memory_space<vmem>>, vector<16xf32>,
    %swap3A_500 = vector.shape_cast %swap3A_499 : vector<16xf32> to vector<16xf32>
    %swap3A_501 = vector.shape_cast %broadcast_in_dim3A_497 : vector<16xf32> to vector<16xf32>
    tpu.vector_store %arg10[%swap3A_498], %swap3A_501 {strides = array<i32>} : memref<2048xf32, #tpu.memory_space<vmem>>, vector<16xf32>,
    %broadcast_in_dim3A_502 = arith.constant 0.000000e+00 : f32
    %broadcast_in_dim3A_503 = vector.broadcast %broadcast_in_dim3A_502 : f32 to vector<16xf32>
    %swap3A_504 = arith.constant 1280 : index
    %swap3A_505 = tpu.vector_load %arg10[%swap3A_504] {strides = array<i32>} : memref<2048xf32, #tpu.memory_space<vmem>>, vector<16xf32>,
    %swap3A_506 = vector.shape_cast %swap3A_505 : vector<16xf32> to vector<16xf32>
    %swap3A_507 = vector.shape_cast %broadcast_in_dim3A_503 : vector<16xf32> to vector<16xf32>
    tpu.vector_store %arg10[%swap3A_504], %swap3A_507 {strides = array<i32>} : memref<2048xf32, #tpu.memory_space<vmem>>, vector<16xf32>,
    %broadcast_in_dim3A_508 = arith.constant 0.000000e+00 : f32
    %broadcast_in_dim3A_509 = vector.broadcast %broadcast_in_dim3A_508 : f32 to vector<16xf32>
    %swap3A_510 = arith.constant 1296 : index
    %swap3A_511 = tpu.vector_load %arg10[%swap3A_510] {strides = array<i32>} : memref<2048xf32, #tpu.memory_space<vmem>>, vector<16xf32>,
    %swap3A_512 = vector.shape_cast %swap3A_511 : vector<16xf32> to vector<16xf32>
    %swap3A_513 = vector.shape_cast %broadcast_in_dim3A_509 : vector<16xf32> to vector<16xf32>
    tpu.vector_store %arg10[%swap3A_510], %swap3A_513 {strides = array<i32>} : memref<2048xf32, #tpu.memory_space<vmem>>, vector<16xf32>,
    %broadcast_in_dim3A_514 = arith.constant 0.000000e+00 : f32
    %broadcast_in_dim3A_515 = vector.broadcast %broadcast_in_dim3A_514 : f32 to vector<16xf32>
    %swap3A_516 = arith.constant 1312 : index
    %swap3A_517 = tpu.vector_load %arg10[%swap3A_516] {strides = array<i32>} : memref<2048xf32, #tpu.memory_space<vmem>>, vector<16xf32>,
    %swap3A_518 = vector.shape_cast %swap3A_517 : vector<16xf32> to vector<16xf32>
    %swap3A_519 = vector.shape_cast %broadcast_in_dim3A_515 : vector<16xf32> to vector<16xf32>
    tpu.vector_store %arg10[%swap3A_516], %swap3A_519 {strides = array<i32>} : memref<2048xf32, #tpu.memory_space<vmem>>, vector<16xf32>,
    %broadcast_in_dim3A_520 = arith.constant 0.000000e+00 : f32
    %broadcast_in_dim3A_521 = vector.broadcast %broadcast_in_dim3A_520 : f32 to vector<16xf32>
    %swap3A_522 = arith.constant 1328 : index
    %swap3A_523 = tpu.vector_load %arg10[%swap3A_522] {strides = array<i32>} : memref<2048xf32, #tpu.memory_space<vmem>>, vector<16xf32>,
    %swap3A_524 = vector.shape_cast %swap3A_523 : vector<16xf32> to vector<16xf32>
    %swap3A_525 = vector.shape_cast %broadcast_in_dim3A_521 : vector<16xf32> to vector<16xf32>
    tpu.vector_store %arg10[%swap3A_522], %swap3A_525 {strides = array<i32>} : memref<2048xf32, #tpu.memory_space<vmem>>, vector<16xf32>,
    %broadcast_in_dim3A_526 = arith.constant 0.000000e+00 : f32
    %broadcast_in_dim3A_527 = vector.broadcast %broadcast_in_dim3A_526 : f32 to vector<16xf32>
    %swap3A_528 = arith.constant 1344 : index
    %swap3A_529 = tpu.vector_load %arg10[%swap3A_528] {strides = array<i32>} : memref<2048xf32, #tpu.memory_space<vmem>>, vector<16xf32>,
    %swap3A_530 = vector.shape_cast %swap3A_529 : vector<16xf32> to vector<16xf32>
    %swap3A_531 = vector.shape_cast %broadcast_in_dim3A_527 : vector<16xf32> to vector<16xf32>
    tpu.vector_store %arg10[%swap3A_528], %swap3A_531 {strides = array<i32>} : memref<2048xf32, #tpu.memory_space<vmem>>, vector<16xf32>,
    %broadcast_in_dim3A_532 = arith.constant 0.000000e+00 : f32
    %broadcast_in_dim3A_533 = vector.broadcast %broadcast_in_dim3A_532 : f32 to vector<16xf32>
    %swap3A_534 = arith.constant 1360 : index
    %swap3A_535 = tpu.vector_load %arg10[%swap3A_534] {strides = array<i32>} : memref<2048xf32, #tpu.memory_space<vmem>>, vector<16xf32>,
    %swap3A_536 = vector.shape_cast %swap3A_535 : vector<16xf32> to vector<16xf32>
    %swap3A_537 = vector.shape_cast %broadcast_in_dim3A_533 : vector<16xf32> to vector<16xf32>
    tpu.vector_store %arg10[%swap3A_534], %swap3A_537 {strides = array<i32>} : memref<2048xf32, #tpu.memory_space<vmem>>, vector<16xf32>,
    %broadcast_in_dim3A_538 = arith.constant 0.000000e+00 : f32
    %broadcast_in_dim3A_539 = vector.broadcast %broadcast_in_dim3A_538 : f32 to vector<16xf32>
    %swap3A_540 = arith.constant 1376 : index
    %swap3A_541 = tpu.vector_load %arg10[%swap3A_540] {strides = array<i32>} : memref<2048xf32, #tpu.memory_space<vmem>>, vector<16xf32>,
    %swap3A_542 = vector.shape_cast %swap3A_541 : vector<16xf32> to vector<16xf32>
    %swap3A_543 = vector.shape_cast %broadcast_in_dim3A_539 : vector<16xf32> to vector<16xf32>
    tpu.vector_store %arg10[%swap3A_540], %swap3A_543 {strides = array<i32>} : memref<2048xf32, #tpu.memory_space<vmem>>, vector<16xf32>,
    %broadcast_in_dim3A_544 = arith.constant 0.000000e+00 : f32
    %broadcast_in_dim3A_545 = vector.broadcast %broadcast_in_dim3A_544 : f32 to vector<16xf32>
    %swap3A_546 = arith.constant 1392 : index
    %swap3A_547 = tpu.vector_load %arg10[%swap3A_546] {strides = array<i32>} : memref<2048xf32, #tpu.memory_space<vmem>>, vector<16xf32>,
    %swap3A_548 = vector.shape_cast %swap3A_547 : vector<16xf32> to vector<16xf32>
    %swap3A_549 = vector.shape_cast %broadcast_in_dim3A_545 : vector<16xf32> to vector<16xf32>
    tpu.vector_store %arg10[%swap3A_546], %swap3A_549 {strides = array<i32>} : memref<2048xf32, #tpu.memory_space<vmem>>, vector<16xf32>,
    %broadcast_in_dim3A_550 = arith.constant 0.000000e+00 : f32
    %broadcast_in_dim3A_551 = vector.broadcast %broadcast_in_dim3A_550 : f32 to vector<16xf32>
    %swap3A_552 = arith.constant 1408 : index
    %swap3A_553 = tpu.vector_load %arg10[%swap3A_552] {strides = array<i32>} : memref<2048xf32, #tpu.memory_space<vmem>>, vector<16xf32>,
    %swap3A_554 = vector.shape_cast %swap3A_553 : vector<16xf32> to vector<16xf32>
    %swap3A_555 = vector.shape_cast %broadcast_in_dim3A_551 : vector<16xf32> to vector<16xf32>
    tpu.vector_store %arg10[%swap3A_552], %swap3A_555 {strides = array<i32>} : memref<2048xf32, #tpu.memory_space<vmem>>, vector<16xf32>,
    %broadcast_in_dim3A_556 = arith.constant 0.000000e+00 : f32
    %broadcast_in_dim3A_557 = vector.broadcast %broadcast_in_dim3A_556 : f32 to vector<16xf32>
    %swap3A_558 = arith.constant 1424 : index
    %swap3A_559 = tpu.vector_load %arg10[%swap3A_558] {strides = array<i32>} : memref<2048xf32, #tpu.memory_space<vmem>>, vector<16xf32>,
    %swap3A_560 = vector.shape_cast %swap3A_559 : vector<16xf32> to vector<16xf32>
    %swap3A_561 = vector.shape_cast %broadcast_in_dim3A_557 : vector<16xf32> to vector<16xf32>
    tpu.vector_store %arg10[%swap3A_558], %swap3A_561 {strides = array<i32>} : memref<2048xf32, #tpu.memory_space<vmem>>, vector<16xf32>,
    %broadcast_in_dim3A_562 = arith.constant 0.000000e+00 : f32
    %broadcast_in_dim3A_563 = vector.broadcast %broadcast_in_dim3A_562 : f32 to vector<16xf32>
    %swap3A_564 = arith.constant 1440 : index
    %swap3A_565 = tpu.vector_load %arg10[%swap3A_564] {strides = array<i32>} : memref<2048xf32, #tpu.memory_space<vmem>>, vector<16xf32>,
    %swap3A_566 = vector.shape_cast %swap3A_565 : vector<16xf32> to vector<16xf32>
    %swap3A_567 = vector.shape_cast %broadcast_in_dim3A_563 : vector<16xf32> to vector<16xf32>
    tpu.vector_store %arg10[%swap3A_564], %swap3A_567 {strides = array<i32>} : memref<2048xf32, #tpu.memory_space<vmem>>, vector<16xf32>,
    %broadcast_in_dim3A_568 = arith.constant 0.000000e+00 : f32
    %broadcast_in_dim3A_569 = vector.broadcast %broadcast_in_dim3A_568 : f32 to vector<16xf32>
    %swap3A_570 = arith.constant 1456 : index
    %swap3A_571 = tpu.vector_load %arg10[%swap3A_570] {strides = array<i32>} : memref<2048xf32, #tpu.memory_space<vmem>>, vector<16xf32>,
    %swap3A_572 = vector.shape_cast %swap3A_571 : vector<16xf32> to vector<16xf32>
    %swap3A_573 = vector.shape_cast %broadcast_in_dim3A_569 : vector<16xf32> to vector<16xf32>
    tpu.vector_store %arg10[%swap3A_570], %swap3A_573 {strides = array<i32>} : memref<2048xf32, #tpu.memory_space<vmem>>, vector<16xf32>,
    %broadcast_in_dim3A_574 = arith.constant 0.000000e+00 : f32
    %broadcast_in_dim3A_575 = vector.broadcast %broadcast_in_dim3A_574 : f32 to vector<16xf32>
    %swap3A_576 = arith.constant 1472 : index
    %swap3A_577 = tpu.vector_load %arg10[%swap3A_576] {strides = array<i32>} : memref<2048xf32, #tpu.memory_space<vmem>>, vector<16xf32>,
    %swap3A_578 = vector.shape_cast %swap3A_577 : vector<16xf32> to vector<16xf32>
    %swap3A_579 = vector.shape_cast %broadcast_in_dim3A_575 : vector<16xf32> to vector<16xf32>
    tpu.vector_store %arg10[%swap3A_576], %swap3A_579 {strides = array<i32>} : memref<2048xf32, #tpu.memory_space<vmem>>, vector<16xf32>,
    %broadcast_in_dim3A_580 = arith.constant 0.000000e+00 : f32
    %broadcast_in_dim3A_581 = vector.broadcast %broadcast_in_dim3A_580 : f32 to vector<16xf32>
    %swap3A_582 = arith.constant 1488 : index
    %swap3A_583 = tpu.vector_load %arg10[%swap3A_582] {strides = array<i32>} : memref<2048xf32, #tpu.memory_space<vmem>>, vector<16xf32>,
    %swap3A_584 = vector.shape_cast %swap3A_583 : vector<16xf32> to vector<16xf32>
    %swap3A_585 = vector.shape_cast %broadcast_in_dim3A_581 : vector<16xf32> to vector<16xf32>
    tpu.vector_store %arg10[%swap3A_582], %swap3A_585 {strides = array<i32>} : memref<2048xf32, #tpu.memory_space<vmem>>, vector<16xf32>,
    %broadcast_in_dim3A_586 = arith.constant 0.000000e+00 : f32
    %broadcast_in_dim3A_587 = vector.broadcast %broadcast_in_dim3A_586 : f32 to vector<16xf32>
    %swap3A_588 = arith.constant 1504 : index
    %swap3A_589 = tpu.vector_load %arg10[%swap3A_588] {strides = array<i32>} : memref<2048xf32, #tpu.memory_space<vmem>>, vector<16xf32>,
    %swap3A_590 = vector.shape_cast %swap3A_589 : vector<16xf32> to vector<16xf32>
    %swap3A_591 = vector.shape_cast %broadcast_in_dim3A_587 : vector<16xf32> to vector<16xf32>
    tpu.vector_store %arg10[%swap3A_588], %swap3A_591 {strides = array<i32>} : memref<2048xf32, #tpu.memory_space<vmem>>, vector<16xf32>,
    %broadcast_in_dim3A_592 = arith.constant 0.000000e+00 : f32
    %broadcast_in_dim3A_593 = vector.broadcast %broadcast_in_dim3A_592 : f32 to vector<16xf32>
    %swap3A_594 = arith.constant 1520 : index
    %swap3A_595 = tpu.vector_load %arg10[%swap3A_594] {strides = array<i32>} : memref<2048xf32, #tpu.memory_space<vmem>>, vector<16xf32>,
    %swap3A_596 = vector.shape_cast %swap3A_595 : vector<16xf32> to vector<16xf32>
    %swap3A_597 = vector.shape_cast %broadcast_in_dim3A_593 : vector<16xf32> to vector<16xf32>
    tpu.vector_store %arg10[%swap3A_594], %swap3A_597 {strides = array<i32>} : memref<2048xf32, #tpu.memory_space<vmem>>, vector<16xf32>,
    %broadcast_in_dim3A_598 = arith.constant 0.000000e+00 : f32
    %broadcast_in_dim3A_599 = vector.broadcast %broadcast_in_dim3A_598 : f32 to vector<16xf32>
    %swap3A_600 = arith.constant 1536 : index
    %swap3A_601 = tpu.vector_load %arg10[%swap3A_600] {strides = array<i32>} : memref<2048xf32, #tpu.memory_space<vmem>>, vector<16xf32>,
    %swap3A_602 = vector.shape_cast %swap3A_601 : vector<16xf32> to vector<16xf32>
    %swap3A_603 = vector.shape_cast %broadcast_in_dim3A_599 : vector<16xf32> to vector<16xf32>
    tpu.vector_store %arg10[%swap3A_600], %swap3A_603 {strides = array<i32>} : memref<2048xf32, #tpu.memory_space<vmem>>, vector<16xf32>,
    %broadcast_in_dim3A_604 = arith.constant 0.000000e+00 : f32
    %broadcast_in_dim3A_605 = vector.broadcast %broadcast_in_dim3A_604 : f32 to vector<16xf32>
    %swap3A_606 = arith.constant 1552 : index
    %swap3A_607 = tpu.vector_load %arg10[%swap3A_606] {strides = array<i32>} : memref<2048xf32, #tpu.memory_space<vmem>>, vector<16xf32>,
    %swap3A_608 = vector.shape_cast %swap3A_607 : vector<16xf32> to vector<16xf32>
    %swap3A_609 = vector.shape_cast %broadcast_in_dim3A_605 : vector<16xf32> to vector<16xf32>
    tpu.vector_store %arg10[%swap3A_606], %swap3A_609 {strides = array<i32>} : memref<2048xf32, #tpu.memory_space<vmem>>, vector<16xf32>,
    %broadcast_in_dim3A_610 = arith.constant 0.000000e+00 : f32
    %broadcast_in_dim3A_611 = vector.broadcast %broadcast_in_dim3A_610 : f32 to vector<16xf32>
    %swap3A_612 = arith.constant 1568 : index
    %swap3A_613 = tpu.vector_load %arg10[%swap3A_612] {strides = array<i32>} : memref<2048xf32, #tpu.memory_space<vmem>>, vector<16xf32>,
    %swap3A_614 = vector.shape_cast %swap3A_613 : vector<16xf32> to vector<16xf32>
    %swap3A_615 = vector.shape_cast %broadcast_in_dim3A_611 : vector<16xf32> to vector<16xf32>
    tpu.vector_store %arg10[%swap3A_612], %swap3A_615 {strides = array<i32>} : memref<2048xf32, #tpu.memory_space<vmem>>, vector<16xf32>,
    %broadcast_in_dim3A_616 = arith.constant 0.000000e+00 : f32
    %broadcast_in_dim3A_617 = vector.broadcast %broadcast_in_dim3A_616 : f32 to vector<16xf32>
    %swap3A_618 = arith.constant 1584 : index
    %swap3A_619 = tpu.vector_load %arg10[%swap3A_618] {strides = array<i32>} : memref<2048xf32, #tpu.memory_space<vmem>>, vector<16xf32>,
    %swap3A_620 = vector.shape_cast %swap3A_619 : vector<16xf32> to vector<16xf32>
    %swap3A_621 = vector.shape_cast %broadcast_in_dim3A_617 : vector<16xf32> to vector<16xf32>
    tpu.vector_store %arg10[%swap3A_618], %swap3A_621 {strides = array<i32>} : memref<2048xf32, #tpu.memory_space<vmem>>, vector<16xf32>,
    %broadcast_in_dim3A_622 = arith.constant 0.000000e+00 : f32
    %broadcast_in_dim3A_623 = vector.broadcast %broadcast_in_dim3A_622 : f32 to vector<16xf32>
    %swap3A_624 = arith.constant 1600 : index
    %swap3A_625 = tpu.vector_load %arg10[%swap3A_624] {strides = array<i32>} : memref<2048xf32, #tpu.memory_space<vmem>>, vector<16xf32>,
    %swap3A_626 = vector.shape_cast %swap3A_625 : vector<16xf32> to vector<16xf32>
    %swap3A_627 = vector.shape_cast %broadcast_in_dim3A_623 : vector<16xf32> to vector<16xf32>
    tpu.vector_store %arg10[%swap3A_624], %swap3A_627 {strides = array<i32>} : memref<2048xf32, #tpu.memory_space<vmem>>, vector<16xf32>,
    %broadcast_in_dim3A_628 = arith.constant 0.000000e+00 : f32
    %broadcast_in_dim3A_629 = vector.broadcast %broadcast_in_dim3A_628 : f32 to vector<16xf32>
    %swap3A_630 = arith.constant 1616 : index
    %swap3A_631 = tpu.vector_load %arg10[%swap3A_630] {strides = array<i32>} : memref<2048xf32, #tpu.memory_space<vmem>>, vector<16xf32>,
    %swap3A_632 = vector.shape_cast %swap3A_631 : vector<16xf32> to vector<16xf32>
    %swap3A_633 = vector.shape_cast %broadcast_in_dim3A_629 : vector<16xf32> to vector<16xf32>
    tpu.vector_store %arg10[%swap3A_630], %swap3A_633 {strides = array<i32>} : memref<2048xf32, #tpu.memory_space<vmem>>, vector<16xf32>,
    %broadcast_in_dim3A_634 = arith.constant 0.000000e+00 : f32
    %broadcast_in_dim3A_635 = vector.broadcast %broadcast_in_dim3A_634 : f32 to vector<16xf32>
    %swap3A_636 = arith.constant 1632 : index
    %swap3A_637 = tpu.vector_load %arg10[%swap3A_636] {strides = array<i32>} : memref<2048xf32, #tpu.memory_space<vmem>>, vector<16xf32>,
    %swap3A_638 = vector.shape_cast %swap3A_637 : vector<16xf32> to vector<16xf32>
    %swap3A_639 = vector.shape_cast %broadcast_in_dim3A_635 : vector<16xf32> to vector<16xf32>
    tpu.vector_store %arg10[%swap3A_636], %swap3A_639 {strides = array<i32>} : memref<2048xf32, #tpu.memory_space<vmem>>, vector<16xf32>,
    %broadcast_in_dim3A_640 = arith.constant 0.000000e+00 : f32
    %broadcast_in_dim3A_641 = vector.broadcast %broadcast_in_dim3A_640 : f32 to vector<16xf32>
    %swap3A_642 = arith.constant 1648 : index
    %swap3A_643 = tpu.vector_load %arg10[%swap3A_642] {strides = array<i32>} : memref<2048xf32, #tpu.memory_space<vmem>>, vector<16xf32>,
    %swap3A_644 = vector.shape_cast %swap3A_643 : vector<16xf32> to vector<16xf32>
    %swap3A_645 = vector.shape_cast %broadcast_in_dim3A_641 : vector<16xf32> to vector<16xf32>
    tpu.vector_store %arg10[%swap3A_642], %swap3A_645 {strides = array<i32>} : memref<2048xf32, #tpu.memory_space<vmem>>, vector<16xf32>,
    %broadcast_in_dim3A_646 = arith.constant 0.000000e+00 : f32
    %broadcast_in_dim3A_647 = vector.broadcast %broadcast_in_dim3A_646 : f32 to vector<16xf32>
    %swap3A_648 = arith.constant 1664 : index
    %swap3A_649 = tpu.vector_load %arg10[%swap3A_648] {strides = array<i32>} : memref<2048xf32, #tpu.memory_space<vmem>>, vector<16xf32>,
    %swap3A_650 = vector.shape_cast %swap3A_649 : vector<16xf32> to vector<16xf32>
    %swap3A_651 = vector.shape_cast %broadcast_in_dim3A_647 : vector<16xf32> to vector<16xf32>
    tpu.vector_store %arg10[%swap3A_648], %swap3A_651 {strides = array<i32>} : memref<2048xf32, #tpu.memory_space<vmem>>, vector<16xf32>,
    %broadcast_in_dim3A_652 = arith.constant 0.000000e+00 : f32
    %broadcast_in_dim3A_653 = vector.broadcast %broadcast_in_dim3A_652 : f32 to vector<16xf32>
    %swap3A_654 = arith.constant 1680 : index
    %swap3A_655 = tpu.vector_load %arg10[%swap3A_654] {strides = array<i32>} : memref<2048xf32, #tpu.memory_space<vmem>>, vector<16xf32>,
    %swap3A_656 = vector.shape_cast %swap3A_655 : vector<16xf32> to vector<16xf32>
    %swap3A_657 = vector.shape_cast %broadcast_in_dim3A_653 : vector<16xf32> to vector<16xf32>
    tpu.vector_store %arg10[%swap3A_654], %swap3A_657 {strides = array<i32>} : memref<2048xf32, #tpu.memory_space<vmem>>, vector<16xf32>,
    %broadcast_in_dim3A_658 = arith.constant 0.000000e+00 : f32
    %broadcast_in_dim3A_659 = vector.broadcast %broadcast_in_dim3A_658 : f32 to vector<16xf32>
    %swap3A_660 = arith.constant 1696 : index
    %swap3A_661 = tpu.vector_load %arg10[%swap3A_660] {strides = array<i32>} : memref<2048xf32, #tpu.memory_space<vmem>>, vector<16xf32>,
    %swap3A_662 = vector.shape_cast %swap3A_661 : vector<16xf32> to vector<16xf32>
    %swap3A_663 = vector.shape_cast %broadcast_in_dim3A_659 : vector<16xf32> to vector<16xf32>
    tpu.vector_store %arg10[%swap3A_660], %swap3A_663 {strides = array<i32>} : memref<2048xf32, #tpu.memory_space<vmem>>, vector<16xf32>,
    %broadcast_in_dim3A_664 = arith.constant 0.000000e+00 : f32
    %broadcast_in_dim3A_665 = vector.broadcast %broadcast_in_dim3A_664 : f32 to vector<16xf32>
    %swap3A_666 = arith.constant 1712 : index
    %swap3A_667 = tpu.vector_load %arg10[%swap3A_666] {strides = array<i32>} : memref<2048xf32, #tpu.memory_space<vmem>>, vector<16xf32>,
    %swap3A_668 = vector.shape_cast %swap3A_667 : vector<16xf32> to vector<16xf32>
    %swap3A_669 = vector.shape_cast %broadcast_in_dim3A_665 : vector<16xf32> to vector<16xf32>
    tpu.vector_store %arg10[%swap3A_666], %swap3A_669 {strides = array<i32>} : memref<2048xf32, #tpu.memory_space<vmem>>, vector<16xf32>,
    %broadcast_in_dim3A_670 = arith.constant 0.000000e+00 : f32
    %broadcast_in_dim3A_671 = vector.broadcast %broadcast_in_dim3A_670 : f32 to vector<16xf32>
    %swap3A_672 = arith.constant 1728 : index
    %swap3A_673 = tpu.vector_load %arg10[%swap3A_672] {strides = array<i32>} : memref<2048xf32, #tpu.memory_space<vmem>>, vector<16xf32>,
    %swap3A_674 = vector.shape_cast %swap3A_673 : vector<16xf32> to vector<16xf32>
    %swap3A_675 = vector.shape_cast %broadcast_in_dim3A_671 : vector<16xf32> to vector<16xf32>
    tpu.vector_store %arg10[%swap3A_672], %swap3A_675 {strides = array<i32>} : memref<2048xf32, #tpu.memory_space<vmem>>, vector<16xf32>,
    %broadcast_in_dim3A_676 = arith.constant 0.000000e+00 : f32
    %broadcast_in_dim3A_677 = vector.broadcast %broadcast_in_dim3A_676 : f32 to vector<16xf32>
    %swap3A_678 = arith.constant 1744 : index
    %swap3A_679 = tpu.vector_load %arg10[%swap3A_678] {strides = array<i32>} : memref<2048xf32, #tpu.memory_space<vmem>>, vector<16xf32>,
    %swap3A_680 = vector.shape_cast %swap3A_679 : vector<16xf32> to vector<16xf32>
    %swap3A_681 = vector.shape_cast %broadcast_in_dim3A_677 : vector<16xf32> to vector<16xf32>
    tpu.vector_store %arg10[%swap3A_678], %swap3A_681 {strides = array<i32>} : memref<2048xf32, #tpu.memory_space<vmem>>, vector<16xf32>,
    %broadcast_in_dim3A_682 = arith.constant 0.000000e+00 : f32
    %broadcast_in_dim3A_683 = vector.broadcast %broadcast_in_dim3A_682 : f32 to vector<16xf32>
    %swap3A_684 = arith.constant 1760 : index
    %swap3A_685 = tpu.vector_load %arg10[%swap3A_684] {strides = array<i32>} : memref<2048xf32, #tpu.memory_space<vmem>>, vector<16xf32>,
    %swap3A_686 = vector.shape_cast %swap3A_685 : vector<16xf32> to vector<16xf32>
    %swap3A_687 = vector.shape_cast %broadcast_in_dim3A_683 : vector<16xf32> to vector<16xf32>
    tpu.vector_store %arg10[%swap3A_684], %swap3A_687 {strides = array<i32>} : memref<2048xf32, #tpu.memory_space<vmem>>, vector<16xf32>,
    %broadcast_in_dim3A_688 = arith.constant 0.000000e+00 : f32
    %broadcast_in_dim3A_689 = vector.broadcast %broadcast_in_dim3A_688 : f32 to vector<16xf32>
    %swap3A_690 = arith.constant 1776 : index
    %swap3A_691 = tpu.vector_load %arg10[%swap3A_690] {strides = array<i32>} : memref<2048xf32, #tpu.memory_space<vmem>>, vector<16xf32>,
    %swap3A_692 = vector.shape_cast %swap3A_691 : vector<16xf32> to vector<16xf32>
    %swap3A_693 = vector.shape_cast %broadcast_in_dim3A_689 : vector<16xf32> to vector<16xf32>
    tpu.vector_store %arg10[%swap3A_690], %swap3A_693 {strides = array<i32>} : memref<2048xf32, #tpu.memory_space<vmem>>, vector<16xf32>,
    %broadcast_in_dim3A_694 = arith.constant 0.000000e+00 : f32
    %broadcast_in_dim3A_695 = vector.broadcast %broadcast_in_dim3A_694 : f32 to vector<16xf32>
    %swap3A_696 = arith.constant 1792 : index
    %swap3A_697 = tpu.vector_load %arg10[%swap3A_696] {strides = array<i32>} : memref<2048xf32, #tpu.memory_space<vmem>>, vector<16xf32>,
    %swap3A_698 = vector.shape_cast %swap3A_697 : vector<16xf32> to vector<16xf32>
    %swap3A_699 = vector.shape_cast %broadcast_in_dim3A_695 : vector<16xf32> to vector<16xf32>
    tpu.vector_store %arg10[%swap3A_696], %swap3A_699 {strides = array<i32>} : memref<2048xf32, #tpu.memory_space<vmem>>, vector<16xf32>,
    %broadcast_in_dim3A_700 = arith.constant 0.000000e+00 : f32
    %broadcast_in_dim3A_701 = vector.broadcast %broadcast_in_dim3A_700 : f32 to vector<16xf32>
    %swap3A_702 = arith.constant 1808 : index
    %swap3A_703 = tpu.vector_load %arg10[%swap3A_702] {strides = array<i32>} : memref<2048xf32, #tpu.memory_space<vmem>>, vector<16xf32>,
    %swap3A_704 = vector.shape_cast %swap3A_703 : vector<16xf32> to vector<16xf32>
    %swap3A_705 = vector.shape_cast %broadcast_in_dim3A_701 : vector<16xf32> to vector<16xf32>
    tpu.vector_store %arg10[%swap3A_702], %swap3A_705 {strides = array<i32>} : memref<2048xf32, #tpu.memory_space<vmem>>, vector<16xf32>,
    %broadcast_in_dim3A_706 = arith.constant 0.000000e+00 : f32
    %broadcast_in_dim3A_707 = vector.broadcast %broadcast_in_dim3A_706 : f32 to vector<16xf32>
    %swap3A_708 = arith.constant 1824 : index
    %swap3A_709 = tpu.vector_load %arg10[%swap3A_708] {strides = array<i32>} : memref<2048xf32, #tpu.memory_space<vmem>>, vector<16xf32>,
    %swap3A_710 = vector.shape_cast %swap3A_709 : vector<16xf32> to vector<16xf32>
    %swap3A_711 = vector.shape_cast %broadcast_in_dim3A_707 : vector<16xf32> to vector<16xf32>
    tpu.vector_store %arg10[%swap3A_708], %swap3A_711 {strides = array<i32>} : memref<2048xf32, #tpu.memory_space<vmem>>, vector<16xf32>,
    %broadcast_in_dim3A_712 = arith.constant 0.000000e+00 : f32
    %broadcast_in_dim3A_713 = vector.broadcast %broadcast_in_dim3A_712 : f32 to vector<16xf32>
    %swap3A_714 = arith.constant 1840 : index
    %swap3A_715 = tpu.vector_load %arg10[%swap3A_714] {strides = array<i32>} : memref<2048xf32, #tpu.memory_space<vmem>>, vector<16xf32>,
    %swap3A_716 = vector.shape_cast %swap3A_715 : vector<16xf32> to vector<16xf32>
    %swap3A_717 = vector.shape_cast %broadcast_in_dim3A_713 : vector<16xf32> to vector<16xf32>
    tpu.vector_store %arg10[%swap3A_714], %swap3A_717 {strides = array<i32>} : memref<2048xf32, #tpu.memory_space<vmem>>, vector<16xf32>,
    %broadcast_in_dim3A_718 = arith.constant 0.000000e+00 : f32
    %broadcast_in_dim3A_719 = vector.broadcast %broadcast_in_dim3A_718 : f32 to vector<16xf32>
    %swap3A_720 = arith.constant 1856 : index
    %swap3A_721 = tpu.vector_load %arg10[%swap3A_720] {strides = array<i32>} : memref<2048xf32, #tpu.memory_space<vmem>>, vector<16xf32>,
    %swap3A_722 = vector.shape_cast %swap3A_721 : vector<16xf32> to vector<16xf32>
    %swap3A_723 = vector.shape_cast %broadcast_in_dim3A_719 : vector<16xf32> to vector<16xf32>
    tpu.vector_store %arg10[%swap3A_720], %swap3A_723 {strides = array<i32>} : memref<2048xf32, #tpu.memory_space<vmem>>, vector<16xf32>,
    %broadcast_in_dim3A_724 = arith.constant 0.000000e+00 : f32
    %broadcast_in_dim3A_725 = vector.broadcast %broadcast_in_dim3A_724 : f32 to vector<16xf32>
    %swap3A_726 = arith.constant 1872 : index
    %swap3A_727 = tpu.vector_load %arg10[%swap3A_726] {strides = array<i32>} : memref<2048xf32, #tpu.memory_space<vmem>>, vector<16xf32>,
    %swap3A_728 = vector.shape_cast %swap3A_727 : vector<16xf32> to vector<16xf32>
    %swap3A_729 = vector.shape_cast %broadcast_in_dim3A_725 : vector<16xf32> to vector<16xf32>
    tpu.vector_store %arg10[%swap3A_726], %swap3A_729 {strides = array<i32>} : memref<2048xf32, #tpu.memory_space<vmem>>, vector<16xf32>,
    %broadcast_in_dim3A_730 = arith.constant 0.000000e+00 : f32
    %broadcast_in_dim3A_731 = vector.broadcast %broadcast_in_dim3A_730 : f32 to vector<16xf32>
    %swap3A_732 = arith.constant 1888 : index
    %swap3A_733 = tpu.vector_load %arg10[%swap3A_732] {strides = array<i32>} : memref<2048xf32, #tpu.memory_space<vmem>>, vector<16xf32>,
    %swap3A_734 = vector.shape_cast %swap3A_733 : vector<16xf32> to vector<16xf32>
    %swap3A_735 = vector.shape_cast %broadcast_in_dim3A_731 : vector<16xf32> to vector<16xf32>
    tpu.vector_store %arg10[%swap3A_732], %swap3A_735 {strides = array<i32>} : memref<2048xf32, #tpu.memory_space<vmem>>, vector<16xf32>,
    %broadcast_in_dim3A_736 = arith.constant 0.000000e+00 : f32
    %broadcast_in_dim3A_737 = vector.broadcast %broadcast_in_dim3A_736 : f32 to vector<16xf32>
    %swap3A_738 = arith.constant 1904 : index
    %swap3A_739 = tpu.vector_load %arg10[%swap3A_738] {strides = array<i32>} : memref<2048xf32, #tpu.memory_space<vmem>>, vector<16xf32>,
    %swap3A_740 = vector.shape_cast %swap3A_739 : vector<16xf32> to vector<16xf32>
    %swap3A_741 = vector.shape_cast %broadcast_in_dim3A_737 : vector<16xf32> to vector<16xf32>
    tpu.vector_store %arg10[%swap3A_738], %swap3A_741 {strides = array<i32>} : memref<2048xf32, #tpu.memory_space<vmem>>, vector<16xf32>,
    %broadcast_in_dim3A_742 = arith.constant 0.000000e+00 : f32
    %broadcast_in_dim3A_743 = vector.broadcast %broadcast_in_dim3A_742 : f32 to vector<16xf32>
    %swap3A_744 = arith.constant 1920 : index
    %swap3A_745 = tpu.vector_load %arg10[%swap3A_744] {strides = array<i32>} : memref<2048xf32, #tpu.memory_space<vmem>>, vector<16xf32>,
    %swap3A_746 = vector.shape_cast %swap3A_745 : vector<16xf32> to vector<16xf32>
    %swap3A_747 = vector.shape_cast %broadcast_in_dim3A_743 : vector<16xf32> to vector<16xf32>
    tpu.vector_store %arg10[%swap3A_744], %swap3A_747 {strides = array<i32>} : memref<2048xf32, #tpu.memory_space<vmem>>, vector<16xf32>,
    %broadcast_in_dim3A_748 = arith.constant 0.000000e+00 : f32
    %broadcast_in_dim3A_749 = vector.broadcast %broadcast_in_dim3A_748 : f32 to vector<16xf32>
    %swap3A_750 = arith.constant 1936 : index
    %swap3A_751 = tpu.vector_load %arg10[%swap3A_750] {strides = array<i32>} : memref<2048xf32, #tpu.memory_space<vmem>>, vector<16xf32>,
    %swap3A_752 = vector.shape_cast %swap3A_751 : vector<16xf32> to vector<16xf32>
    %swap3A_753 = vector.shape_cast %broadcast_in_dim3A_749 : vector<16xf32> to vector<16xf32>
    tpu.vector_store %arg10[%swap3A_750], %swap3A_753 {strides = array<i32>} : memref<2048xf32, #tpu.memory_space<vmem>>, vector<16xf32>,
    %broadcast_in_dim3A_754 = arith.constant 0.000000e+00 : f32
    %broadcast_in_dim3A_755 = vector.broadcast %broadcast_in_dim3A_754 : f32 to vector<16xf32>
    %swap3A_756 = arith.constant 1952 : index
    %swap3A_757 = tpu.vector_load %arg10[%swap3A_756] {strides = array<i32>} : memref<2048xf32, #tpu.memory_space<vmem>>, vector<16xf32>,
    %swap3A_758 = vector.shape_cast %swap3A_757 : vector<16xf32> to vector<16xf32>
    %swap3A_759 = vector.shape_cast %broadcast_in_dim3A_755 : vector<16xf32> to vector<16xf32>
    tpu.vector_store %arg10[%swap3A_756], %swap3A_759 {strides = array<i32>} : memref<2048xf32, #tpu.memory_space<vmem>>, vector<16xf32>,
    %broadcast_in_dim3A_760 = arith.constant 0.000000e+00 : f32
    %broadcast_in_dim3A_761 = vector.broadcast %broadcast_in_dim3A_760 : f32 to vector<16xf32>
    %swap3A_762 = arith.constant 1968 : index
    %swap3A_763 = tpu.vector_load %arg10[%swap3A_762] {strides = array<i32>} : memref<2048xf32, #tpu.memory_space<vmem>>, vector<16xf32>,
    %swap3A_764 = vector.shape_cast %swap3A_763 : vector<16xf32> to vector<16xf32>
    %swap3A_765 = vector.shape_cast %broadcast_in_dim3A_761 : vector<16xf32> to vector<16xf32>
    tpu.vector_store %arg10[%swap3A_762], %swap3A_765 {strides = array<i32>} : memref<2048xf32, #tpu.memory_space<vmem>>, vector<16xf32>,
    %broadcast_in_dim3A_766 = arith.constant 0.000000e+00 : f32
    %broadcast_in_dim3A_767 = vector.broadcast %broadcast_in_dim3A_766 : f32 to vector<16xf32>
    %swap3A_768 = arith.constant 1984 : index
    %swap3A_769 = tpu.vector_load %arg10[%swap3A_768] {strides = array<i32>} : memref<2048xf32, #tpu.memory_space<vmem>>, vector<16xf32>,
    %swap3A_770 = vector.shape_cast %swap3A_769 : vector<16xf32> to vector<16xf32>
    %swap3A_771 = vector.shape_cast %broadcast_in_dim3A_767 : vector<16xf32> to vector<16xf32>
    tpu.vector_store %arg10[%swap3A_768], %swap3A_771 {strides = array<i32>} : memref<2048xf32, #tpu.memory_space<vmem>>, vector<16xf32>,
    %broadcast_in_dim3A_772 = arith.constant 0.000000e+00 : f32
    %broadcast_in_dim3A_773 = vector.broadcast %broadcast_in_dim3A_772 : f32 to vector<16xf32>
    %swap3A_774 = arith.constant 2000 : index
    %swap3A_775 = tpu.vector_load %arg10[%swap3A_774] {strides = array<i32>} : memref<2048xf32, #tpu.memory_space<vmem>>, vector<16xf32>,
    %swap3A_776 = vector.shape_cast %swap3A_775 : vector<16xf32> to vector<16xf32>
    %swap3A_777 = vector.shape_cast %broadcast_in_dim3A_773 : vector<16xf32> to vector<16xf32>
    tpu.vector_store %arg10[%swap3A_774], %swap3A_777 {strides = array<i32>} : memref<2048xf32, #tpu.memory_space<vmem>>, vector<16xf32>,
    %broadcast_in_dim3A_778 = arith.constant 0.000000e+00 : f32
    %broadcast_in_dim3A_779 = vector.broadcast %broadcast_in_dim3A_778 : f32 to vector<16xf32>
    %swap3A_780 = arith.constant 2016 : index
    %swap3A_781 = tpu.vector_load %arg10[%swap3A_780] {strides = array<i32>} : memref<2048xf32, #tpu.memory_space<vmem>>, vector<16xf32>,
    %swap3A_782 = vector.shape_cast %swap3A_781 : vector<16xf32> to vector<16xf32>
    %swap3A_783 = vector.shape_cast %broadcast_in_dim3A_779 : vector<16xf32> to vector<16xf32>
    tpu.vector_store %arg10[%swap3A_780], %swap3A_783 {strides = array<i32>} : memref<2048xf32, #tpu.memory_space<vmem>>, vector<16xf32>,
    %broadcast_in_dim3A_784 = arith.constant 0.000000e+00 : f32
    %broadcast_in_dim3A_785 = vector.broadcast %broadcast_in_dim3A_784 : f32 to vector<16xf32>
    %swap3A_786 = arith.constant 2032 : index
    %swap3A_787 = tpu.vector_load %arg10[%swap3A_786] {strides = array<i32>} : memref<2048xf32, #tpu.memory_space<vmem>>, vector<16xf32>,
    %swap3A_788 = vector.shape_cast %swap3A_787 : vector<16xf32> to vector<16xf32>
    %swap3A_789 = vector.shape_cast %broadcast_in_dim3A_785 : vector<16xf32> to vector<16xf32>
    tpu.vector_store %arg10[%swap3A_786], %swap3A_789 {strides = array<i32>} : memref<2048xf32, #tpu.memory_space<vmem>>, vector<16xf32>,
    %mul3A_790 = arith.constant 16384 : i32
    %mul3A_791 = arith.muli %arg1, %mul3A_790 : i32
    %add3A_792 = arith.constant 0 : i32
    %add3A_793 = arith.addi %mul3A_791, %add3A_792 : i32
    %dma_start3A_794 = tpu.memref_slice %arg11[%add3A_793] : memref<262144xf32, #tpu.memory_space<vmem_shared>> -> memref<2048xf32, #tpu.memory_space<vmem_shared>>
    %dma_start3A_795 = tpu.memref_slice %arg11[%add3A_793] : memref<262144xf32, #tpu.memory_space<vmem_shared>> -> memref<2048xf32, #tpu.memory_space<vmem_shared>>
    tpu.enqueue_dma source(%arg10 : memref<2048xf32, #tpu.memory_space<vmem>>) target(%dma_start3A_795 : memref<2048xf32, #tpu.memory_space<vmem_shared>>) target_semaphore(%arg13 : memref<!tpu.dma_semaphore, #tpu.memory_space<semaphore_mem>>)
    %mul3A_796 = arith.constant 16384 : i32
    %mul3A_797 = arith.muli %arg1, %mul3A_796 : i32
    %add3A_798 = arith.constant 2048 : i32
    %add3A_799 = arith.addi %mul3A_797, %add3A_798 : i32
    %dma_start3A_800 = tpu.memref_slice %arg11[%add3A_799] : memref<262144xf32, #tpu.memory_space<vmem_shared>> -> memref<2048xf32, #tpu.memory_space<vmem_shared>>
    %dma_start3A_801 = tpu.memref_slice %arg11[%add3A_799] : memref<262144xf32, #tpu.memory_space<vmem_shared>> -> memref<2048xf32, #tpu.memory_space<vmem_shared>>
    tpu.enqueue_dma source(%arg10 : memref<2048xf32, #tpu.memory_space<vmem>>) target(%dma_start3A_801 : memref<2048xf32, #tpu.memory_space<vmem_shared>>) target_semaphore(%arg13 : memref<!tpu.dma_semaphore, #tpu.memory_space<semaphore_mem>>)
    %mul3A_802 = arith.constant 16384 : i32
    %mul3A_803 = arith.muli %arg1, %mul3A_802 : i32
    %add3A_804 = arith.constant 4096 : i32
    %add3A_805 = arith.addi %mul3A_803, %add3A_804 : i32
    %dma_start3A_806 = tpu.memref_slice %arg11[%add3A_805] : memref<262144xf32, #tpu.memory_space<vmem_shared>> -> memref<2048xf32, #tpu.memory_space<vmem_shared>>
    %dma_start3A_807 = tpu.memref_slice %arg11[%add3A_805] : memref<262144xf32, #tpu.memory_space<vmem_shared>> -> memref<2048xf32, #tpu.memory_space<vmem_shared>>
    tpu.enqueue_dma source(%arg10 : memref<2048xf32, #tpu.memory_space<vmem>>) target(%dma_start3A_807 : memref<2048xf32, #tpu.memory_space<vmem_shared>>) target_semaphore(%arg13 : memref<!tpu.dma_semaphore, #tpu.memory_space<semaphore_mem>>)
    %mul3A_808 = arith.constant 16384 : i32
    %mul3A_809 = arith.muli %arg1, %mul3A_808 : i32
    %add3A_810 = arith.constant 6144 : i32
    %add3A_811 = arith.addi %mul3A_809, %add3A_810 : i32
    %dma_start3A_812 = tpu.memref_slice %arg11[%add3A_811] : memref<262144xf32, #tpu.memory_space<vmem_shared>> -> memref<2048xf32, #tpu.memory_space<vmem_shared>>
    %dma_start3A_813 = tpu.memref_slice %arg11[%add3A_811] : memref<262144xf32, #tpu.memory_space<vmem_shared>> -> memref<2048xf32, #tpu.memory_space<vmem_shared>>
    tpu.enqueue_dma source(%arg10 : memref<2048xf32, #tpu.memory_space<vmem>>) target(%dma_start3A_813 : memref<2048xf32, #tpu.memory_space<vmem_shared>>) target_semaphore(%arg13 : memref<!tpu.dma_semaphore, #tpu.memory_space<semaphore_mem>>)
    %mul3A_814 = arith.constant 16384 : i32
    %mul3A_815 = arith.muli %arg1, %mul3A_814 : i32
    %add3A_816 = arith.constant 8192 : i32
    %add3A_817 = arith.addi %mul3A_815, %add3A_816 : i32
    %dma_start3A_818 = tpu.memref_slice %arg11[%add3A_817] : memref<262144xf32, #tpu.memory_space<vmem_shared>> -> memref<2048xf32, #tpu.memory_space<vmem_shared>>
    %dma_start3A_819 = tpu.memref_slice %arg11[%add3A_817] : memref<262144xf32, #tpu.memory_space<vmem_shared>> -> memref<2048xf32, #tpu.memory_space<vmem_shared>>
    tpu.enqueue_dma source(%arg10 : memref<2048xf32, #tpu.memory_space<vmem>>) target(%dma_start3A_819 : memref<2048xf32, #tpu.memory_space<vmem_shared>>) target_semaphore(%arg13 : memref<!tpu.dma_semaphore, #tpu.memory_space<semaphore_mem>>)
    %mul3A_820 = arith.constant 16384 : i32
    %mul3A_821 = arith.muli %arg1, %mul3A_820 : i32
    %add3A_822 = arith.constant 10240 : i32
    %add3A_823 = arith.addi %mul3A_821, %add3A_822 : i32
    %dma_start3A_824 = tpu.memref_slice %arg11[%add3A_823] : memref<262144xf32, #tpu.memory_space<vmem_shared>> -> memref<2048xf32, #tpu.memory_space<vmem_shared>>
    %dma_start3A_825 = tpu.memref_slice %arg11[%add3A_823] : memref<262144xf32, #tpu.memory_space<vmem_shared>> -> memref<2048xf32, #tpu.memory_space<vmem_shared>>
    tpu.enqueue_dma source(%arg10 : memref<2048xf32, #tpu.memory_space<vmem>>) target(%dma_start3A_825 : memref<2048xf32, #tpu.memory_space<vmem_shared>>) target_semaphore(%arg13 : memref<!tpu.dma_semaphore, #tpu.memory_space<semaphore_mem>>)
    %mul3A_826 = arith.constant 16384 : i32
    %mul3A_827 = arith.muli %arg1, %mul3A_826 : i32
    %add3A_828 = arith.constant 12288 : i32
    %add3A_829 = arith.addi %mul3A_827, %add3A_828 : i32
    %dma_start3A_830 = tpu.memref_slice %arg11[%add3A_829] : memref<262144xf32, #tpu.memory_space<vmem_shared>> -> memref<2048xf32, #tpu.memory_space<vmem_shared>>
    %dma_start3A_831 = tpu.memref_slice %arg11[%add3A_829] : memref<262144xf32, #tpu.memory_space<vmem_shared>> -> memref<2048xf32, #tpu.memory_space<vmem_shared>>
    tpu.enqueue_dma source(%arg10 : memref<2048xf32, #tpu.memory_space<vmem>>) target(%dma_start3A_831 : memref<2048xf32, #tpu.memory_space<vmem_shared>>) target_semaphore(%arg13 : memref<!tpu.dma_semaphore, #tpu.memory_space<semaphore_mem>>)
    %mul3A_832 = arith.constant 16384 : i32
    %mul3A_833 = arith.muli %arg1, %mul3A_832 : i32
    %add3A_834 = arith.constant 14336 : i32
    %add3A_835 = arith.addi %mul3A_833, %add3A_834 : i32
    %dma_start3A_836 = tpu.memref_slice %arg11[%add3A_835] : memref<262144xf32, #tpu.memory_space<vmem_shared>> -> memref<2048xf32, #tpu.memory_space<vmem_shared>>
    %dma_start3A_837 = tpu.memref_slice %arg11[%add3A_835] : memref<262144xf32, #tpu.memory_space<vmem_shared>> -> memref<2048xf32, #tpu.memory_space<vmem_shared>>
    tpu.enqueue_dma source(%arg10 : memref<2048xf32, #tpu.memory_space<vmem>>) target(%dma_start3A_837 : memref<2048xf32, #tpu.memory_space<vmem_shared>>) target_semaphore(%arg13 : memref<!tpu.dma_semaphore, #tpu.memory_space<semaphore_mem>>)
    %dma_wait3A = arith.constant 0 : i32
    %dma_wait3A_838 = arith.constant 0 : i32
    %dma_wait3A_839 = tpu.memref_slice %arg2[%add3A, %dma_wait3A, %dma_wait3A_838] : memref<32x3x128xi32, #tpu.memory_space<hbm>> -> memref<1x3x128xi32, #tpu.memory_space<hbm>>
    %dma_wait3A_840 = tpu.memref_squeeze %dma_wait3A_839 : memref<1x3x128xi32, #tpu.memory_space<hbm>> -> memref<3x128xi32, #tpu.memory_space<hbm>>
    %dma_wait3A_841 = arith.constant 0 : i32
    %dma_wait3A_842 = arith.constant 0 : i32
    %dma_wait3A_843 = tpu.memref_slice %arg2[%add3A, %dma_wait3A_841, %dma_wait3A_842] : memref<32x3x128xi32, #tpu.memory_space<hbm>> -> memref<1x3x128xi32, #tpu.memory_space<hbm>>
    %dma_wait3A_844 = tpu.memref_squeeze %dma_wait3A_843 : memref<1x3x128xi32, #tpu.memory_space<hbm>> -> memref<3x128xi32, #tpu.memory_space<hbm>>
    tpu.wait_dma2 semaphore(%arg12 : memref<!tpu.dma_semaphore, #tpu.memory_space<semaphore_mem>>) src(%dma_wait3A_844 : memref<3x128xi32, #tpu.memory_space<hbm>>) dst(%arg6 : memref<3x128xi32, #tpu.memory_space<vmem>>)
    %dma_wait3A_845 = arith.constant 0 : i32
    %dma_wait3A_846 = arith.constant 0 : i32
    %dma_wait3A_847 = tpu.memref_slice %arg3[%add3A, %dma_wait3A_845, %dma_wait3A_846] : memref<32x3x128xf32, #tpu.memory_space<hbm>> -> memref<1x3x128xf32, #tpu.memory_space<hbm>>
    %dma_wait3A_848 = tpu.memref_squeeze %dma_wait3A_847 : memref<1x3x128xf32, #tpu.memory_space<hbm>> -> memref<3x128xf32, #tpu.memory_space<hbm>>
    %dma_wait3A_849 = arith.constant 0 : i32
    %dma_wait3A_850 = arith.constant 0 : i32
    %dma_wait3A_851 = tpu.memref_slice %arg3[%add3A, %dma_wait3A_849, %dma_wait3A_850] : memref<32x3x128xf32, #tpu.memory_space<hbm>> -> memref<1x3x128xf32, #tpu.memory_space<hbm>>
    %dma_wait3A_852 = tpu.memref_squeeze %dma_wait3A_851 : memref<1x3x128xf32, #tpu.memory_space<hbm>> -> memref<3x128xf32, #tpu.memory_space<hbm>>
    tpu.wait_dma2 semaphore(%arg12 : memref<!tpu.dma_semaphore, #tpu.memory_space<semaphore_mem>>) src(%dma_wait3A_852 : memref<3x128xf32, #tpu.memory_space<hbm>>) dst(%arg8 : memref<3x128xf32, #tpu.memory_space<vmem>>)
    %dma_wait3A_853 = arith.constant 0 : i32
    %dma_wait3A_854 = arith.constant 0 : i32
    %dma_wait3A_855 = tpu.memref_slice %arg4[%add3A, %dma_wait3A_853, %dma_wait3A_854] : memref<32x3x128xf32, #tpu.memory_space<hbm>> -> memref<1x3x128xf32, #tpu.memory_space<hbm>>
    %dma_wait3A_856 = tpu.memref_squeeze %dma_wait3A_855 : memref<1x3x128xf32, #tpu.memory_space<hbm>> -> memref<3x128xf32, #tpu.memory_space<hbm>>
    %dma_wait3A_857 = arith.constant 0 : i32
    %dma_wait3A_858 = arith.constant 0 : i32
    %dma_wait3A_859 = tpu.memref_slice %arg4[%add3A, %dma_wait3A_857, %dma_wait3A_858] : memref<32x3x128xf32, #tpu.memory_space<hbm>> -> memref<1x3x128xf32, #tpu.memory_space<hbm>>
    %dma_wait3A_860 = tpu.memref_squeeze %dma_wait3A_859 : memref<1x3x128xf32, #tpu.memory_space<hbm>> -> memref<3x128xf32, #tpu.memory_space<hbm>>
    tpu.wait_dma2 semaphore(%arg12 : memref<!tpu.dma_semaphore, #tpu.memory_space<semaphore_mem>>) src(%dma_wait3A_860 : memref<3x128xf32, #tpu.memory_space<hbm>>) dst(%arg9 : memref<3x128xf32, #tpu.memory_space<vmem>>)
    %get3A = arith.constant 0 : i32
    %get3A_861 = arith.index_cast %get3A : i32 to index
    %get3A_862 = arith.constant 0 : index
    %get3A_863 = tpu.vector_load %arg6[%get3A_861, %get3A_862] {strides = array<i32>} : memref<3x128xi32, #tpu.memory_space<vmem>>, vector<1x16xi32>,
    %get3A_864 = vector.shape_cast %get3A_863 : vector<1x16xi32> to vector<16xi32>
    %add3A_865 = arith.constant 131072 : i32
    %add3A_866 = vector.broadcast %add3A_865 : i32 to vector<16xi32>
    %add3A_867 = arith.addi %get3A_864, %add3A_866 : vector<16xi32>
    %swap3A_868 = arith.constant 0 : i32
    %swap3A_869 = arith.index_cast %swap3A_868 : i32 to index
    %swap3A_870 = arith.constant 0 : index
    %swap3A_871 = tpu.vector_load %arg7[%swap3A_869, %swap3A_870] {strides = array<i32>} : memref<3x128xi32, #tpu.memory_space<vmem>>, vector<1x16xi32>,
    %swap3A_872 = vector.shape_cast %swap3A_871 : vector<1x16xi32> to vector<16xi32>
    %swap3A_873 = vector.shape_cast %add3A_867 : vector<16xi32> to vector<1x16xi32>
    tpu.vector_store %arg7[%swap3A_869, %swap3A_870], %swap3A_873 {strides = array<i32>} : memref<3x128xi32, #tpu.memory_space<vmem>>, vector<1x16xi32>,
    %get3A_874 = arith.constant 0 : i32
    %get3A_875 = arith.index_cast %get3A_874 : i32 to index
    %get3A_876 = arith.constant 16 : index
    %get3A_877 = tpu.vector_load %arg6[%get3A_875, %get3A_876] {strides = array<i32>} : memref<3x128xi32, #tpu.memory_space<vmem>>, vector<1x16xi32>,
    %get3A_878 = vector.shape_cast %get3A_877 : vector<1x16xi32> to vector<16xi32>
    %add3A_879 = arith.constant 131072 : i32
    %add3A_880 = vector.broadcast %add3A_879 : i32 to vector<16xi32>
    %add3A_881 = arith.addi %get3A_878, %add3A_880 : vector<16xi32>
    %swap3A_882 = arith.constant 0 : i32
    %swap3A_883 = arith.index_cast %swap3A_882 : i32 to index
    %swap3A_884 = arith.constant 16 : index
    %swap3A_885 = tpu.vector_load %arg7[%swap3A_883, %swap3A_884] {strides = array<i32>} : memref<3x128xi32, #tpu.memory_space<vmem>>, vector<1x16xi32>,
    %swap3A_886 = vector.shape_cast %swap3A_885 : vector<1x16xi32> to vector<16xi32>
    %swap3A_887 = vector.shape_cast %add3A_881 : vector<16xi32> to vector<1x16xi32>
    tpu.vector_store %arg7[%swap3A_883, %swap3A_884], %swap3A_887 {strides = array<i32>} : memref<3x128xi32, #tpu.memory_space<vmem>>, vector<1x16xi32>,
    %get3A_888 = arith.constant 0 : i32
    %get3A_889 = arith.index_cast %get3A_888 : i32 to index
    %get3A_890 = arith.constant 32 : index
    %get3A_891 = tpu.vector_load %arg6[%get3A_889, %get3A_890] {strides = array<i32>} : memref<3x128xi32, #tpu.memory_space<vmem>>, vector<1x16xi32>,
    %get3A_892 = vector.shape_cast %get3A_891 : vector<1x16xi32> to vector<16xi32>
    %add3A_893 = arith.constant 131072 : i32
    %add3A_894 = vector.broadcast %add3A_893 : i32 to vector<16xi32>
    %add3A_895 = arith.addi %get3A_892, %add3A_894 : vector<16xi32>
    %swap3A_896 = arith.constant 0 : i32
    %swap3A_897 = arith.index_cast %swap3A_896 : i32 to index
    %swap3A_898 = arith.constant 32 : index
    %swap3A_899 = tpu.vector_load %arg7[%swap3A_897, %swap3A_898] {strides = array<i32>} : memref<3x128xi32, #tpu.memory_space<vmem>>, vector<1x16xi32>,
    %swap3A_900 = vector.shape_cast %swap3A_899 : vector<1x16xi32> to vector<16xi32>
    %swap3A_901 = vector.shape_cast %add3A_895 : vector<16xi32> to vector<1x16xi32>
    tpu.vector_store %arg7[%swap3A_897, %swap3A_898], %swap3A_901 {strides = array<i32>} : memref<3x128xi32, #tpu.memory_space<vmem>>, vector<1x16xi32>,
    %get3A_902 = arith.constant 0 : i32
    %get3A_903 = arith.index_cast %get3A_902 : i32 to index
    %get3A_904 = arith.constant 48 : index
    %get3A_905 = tpu.vector_load %arg6[%get3A_903, %get3A_904] {strides = array<i32>} : memref<3x128xi32, #tpu.memory_space<vmem>>, vector<1x16xi32>,
    %get3A_906 = vector.shape_cast %get3A_905 : vector<1x16xi32> to vector<16xi32>
    %add3A_907 = arith.constant 131072 : i32
    %add3A_908 = vector.broadcast %add3A_907 : i32 to vector<16xi32>
    %add3A_909 = arith.addi %get3A_906, %add3A_908 : vector<16xi32>
    %swap3A_910 = arith.constant 0 : i32
    %swap3A_911 = arith.index_cast %swap3A_910 : i32 to index
    %swap3A_912 = arith.constant 48 : index
    %swap3A_913 = tpu.vector_load %arg7[%swap3A_911, %swap3A_912] {strides = array<i32>} : memref<3x128xi32, #tpu.memory_space<vmem>>, vector<1x16xi32>,
    %swap3A_914 = vector.shape_cast %swap3A_913 : vector<1x16xi32> to vector<16xi32>
    %swap3A_915 = vector.shape_cast %add3A_909 : vector<16xi32> to vector<1x16xi32>
    tpu.vector_store %arg7[%swap3A_911, %swap3A_912], %swap3A_915 {strides = array<i32>} : memref<3x128xi32, #tpu.memory_space<vmem>>, vector<1x16xi32>,
    %get3A_916 = arith.constant 0 : i32
    %get3A_917 = arith.index_cast %get3A_916 : i32 to index
    %get3A_918 = arith.constant 64 : index
    %get3A_919 = tpu.vector_load %arg6[%get3A_917, %get3A_918] {strides = array<i32>} : memref<3x128xi32, #tpu.memory_space<vmem>>, vector<1x16xi32>,
    %get3A_920 = vector.shape_cast %get3A_919 : vector<1x16xi32> to vector<16xi32>
    %add3A_921 = arith.constant 131072 : i32
    %add3A_922 = vector.broadcast %add3A_921 : i32 to vector<16xi32>
    %add3A_923 = arith.addi %get3A_920, %add3A_922 : vector<16xi32>
    %swap3A_924 = arith.constant 0 : i32
    %swap3A_925 = arith.index_cast %swap3A_924 : i32 to index
    %swap3A_926 = arith.constant 64 : index
    %swap3A_927 = tpu.vector_load %arg7[%swap3A_925, %swap3A_926] {strides = array<i32>} : memref<3x128xi32, #tpu.memory_space<vmem>>, vector<1x16xi32>,
    %swap3A_928 = vector.shape_cast %swap3A_927 : vector<1x16xi32> to vector<16xi32>
    %swap3A_929 = vector.shape_cast %add3A_923 : vector<16xi32> to vector<1x16xi32>
    tpu.vector_store %arg7[%swap3A_925, %swap3A_926], %swap3A_929 {strides = array<i32>} : memref<3x128xi32, #tpu.memory_space<vmem>>, vector<1x16xi32>,
    %get3A_930 = arith.constant 0 : i32
    %get3A_931 = arith.index_cast %get3A_930 : i32 to index
    %get3A_932 = arith.constant 80 : index
    %get3A_933 = tpu.vector_load %arg6[%get3A_931, %get3A_932] {strides = array<i32>} : memref<3x128xi32, #tpu.memory_space<vmem>>, vector<1x16xi32>,
    %get3A_934 = vector.shape_cast %get3A_933 : vector<1x16xi32> to vector<16xi32>
    %add3A_935 = arith.constant 131072 : i32
    %add3A_936 = vector.broadcast %add3A_935 : i32 to vector<16xi32>
    %add3A_937 = arith.addi %get3A_934, %add3A_936 : vector<16xi32>
    %swap3A_938 = arith.constant 0 : i32
    %swap3A_939 = arith.index_cast %swap3A_938 : i32 to index
    %swap3A_940 = arith.constant 80 : index
    %swap3A_941 = tpu.vector_load %arg7[%swap3A_939, %swap3A_940] {strides = array<i32>} : memref<3x128xi32, #tpu.memory_space<vmem>>, vector<1x16xi32>,
    %swap3A_942 = vector.shape_cast %swap3A_941 : vector<1x16xi32> to vector<16xi32>
    %swap3A_943 = vector.shape_cast %add3A_937 : vector<16xi32> to vector<1x16xi32>
    tpu.vector_store %arg7[%swap3A_939, %swap3A_940], %swap3A_943 {strides = array<i32>} : memref<3x128xi32, #tpu.memory_space<vmem>>, vector<1x16xi32>,
    %get3A_944 = arith.constant 0 : i32
    %get3A_945 = arith.index_cast %get3A_944 : i32 to index
    %get3A_946 = arith.constant 96 : index
    %get3A_947 = tpu.vector_load %arg6[%get3A_945, %get3A_946] {strides = array<i32>} : memref<3x128xi32, #tpu.memory_space<vmem>>, vector<1x16xi32>,
    %get3A_948 = vector.shape_cast %get3A_947 : vector<1x16xi32> to vector<16xi32>
    %add3A_949 = arith.constant 131072 : i32
    %add3A_950 = vector.broadcast %add3A_949 : i32 to vector<16xi32>
    %add3A_951 = arith.addi %get3A_948, %add3A_950 : vector<16xi32>
    %swap3A_952 = arith.constant 0 : i32
    %swap3A_953 = arith.index_cast %swap3A_952 : i32 to index
    %swap3A_954 = arith.constant 96 : index
    %swap3A_955 = tpu.vector_load %arg7[%swap3A_953, %swap3A_954] {strides = array<i32>} : memref<3x128xi32, #tpu.memory_space<vmem>>, vector<1x16xi32>,
    %swap3A_956 = vector.shape_cast %swap3A_955 : vector<1x16xi32> to vector<16xi32>
    %swap3A_957 = vector.shape_cast %add3A_951 : vector<16xi32> to vector<1x16xi32>
    tpu.vector_store %arg7[%swap3A_953, %swap3A_954], %swap3A_957 {strides = array<i32>} : memref<3x128xi32, #tpu.memory_space<vmem>>, vector<1x16xi32>,
    %get3A_958 = arith.constant 0 : i32
    %get3A_959 = arith.index_cast %get3A_958 : i32 to index
    %get3A_960 = arith.constant 112 : index
    %get3A_961 = tpu.vector_load %arg6[%get3A_959, %get3A_960] {strides = array<i32>} : memref<3x128xi32, #tpu.memory_space<vmem>>, vector<1x16xi32>,
    %get3A_962 = vector.shape_cast %get3A_961 : vector<1x16xi32> to vector<16xi32>
    %add3A_963 = arith.constant 131072 : i32
    %add3A_964 = vector.broadcast %add3A_963 : i32 to vector<16xi32>
    %add3A_965 = arith.addi %get3A_962, %add3A_964 : vector<16xi32>
    %swap3A_966 = arith.constant 0 : i32
    %swap3A_967 = arith.index_cast %swap3A_966 : i32 to index
    %swap3A_968 = arith.constant 112 : index
    %swap3A_969 = tpu.vector_load %arg7[%swap3A_967, %swap3A_968] {strides = array<i32>} : memref<3x128xi32, #tpu.memory_space<vmem>>, vector<1x16xi32>,
    %swap3A_970 = vector.shape_cast %swap3A_969 : vector<1x16xi32> to vector<16xi32>
    %swap3A_971 = vector.shape_cast %add3A_965 : vector<16xi32> to vector<1x16xi32>
    tpu.vector_store %arg7[%swap3A_967, %swap3A_968], %swap3A_971 {strides = array<i32>} : memref<3x128xi32, #tpu.memory_space<vmem>>, vector<1x16xi32>,
    %get3A_972 = arith.constant 1 : i32
    %get3A_973 = arith.index_cast %get3A_972 : i32 to index
    %get3A_974 = arith.constant 0 : index
    %get3A_975 = tpu.vector_load %arg6[%get3A_973, %get3A_974] {strides = array<i32>} : memref<3x128xi32, #tpu.memory_space<vmem>>, vector<1x16xi32>,
    %get3A_976 = vector.shape_cast %get3A_975 : vector<1x16xi32> to vector<16xi32>
    %add3A_977 = arith.constant 131072 : i32
    %add3A_978 = vector.broadcast %add3A_977 : i32 to vector<16xi32>
    %add3A_979 = arith.addi %get3A_976, %add3A_978 : vector<16xi32>
    %swap3A_980 = arith.constant 1 : i32
    %swap3A_981 = arith.index_cast %swap3A_980 : i32 to index
    %swap3A_982 = arith.constant 0 : index
    %swap3A_983 = tpu.vector_load %arg7[%swap3A_981, %swap3A_982] {strides = array<i32>} : memref<3x128xi32, #tpu.memory_space<vmem>>, vector<1x16xi32>,
    %swap3A_984 = vector.shape_cast %swap3A_983 : vector<1x16xi32> to vector<16xi32>
    %swap3A_985 = vector.shape_cast %add3A_979 : vector<16xi32> to vector<1x16xi32>
    tpu.vector_store %arg7[%swap3A_981, %swap3A_982], %swap3A_985 {strides = array<i32>} : memref<3x128xi32, #tpu.memory_space<vmem>>, vector<1x16xi32>,
    %get3A_986 = arith.constant 1 : i32
    %get3A_987 = arith.index_cast %get3A_986 : i32 to index
    %get3A_988 = arith.constant 16 : index
    %get3A_989 = tpu.vector_load %arg6[%get3A_987, %get3A_988] {strides = array<i32>} : memref<3x128xi32, #tpu.memory_space<vmem>>, vector<1x16xi32>,
    %get3A_990 = vector.shape_cast %get3A_989 : vector<1x16xi32> to vector<16xi32>
    %add3A_991 = arith.constant 131072 : i32
    %add3A_992 = vector.broadcast %add3A_991 : i32 to vector<16xi32>
    %add3A_993 = arith.addi %get3A_990, %add3A_992 : vector<16xi32>
    %swap3A_994 = arith.constant 1 : i32
    %swap3A_995 = arith.index_cast %swap3A_994 : i32 to index
    %swap3A_996 = arith.constant 16 : index
    %swap3A_997 = tpu.vector_load %arg7[%swap3A_995, %swap3A_996] {strides = array<i32>} : memref<3x128xi32, #tpu.memory_space<vmem>>, vector<1x16xi32>,
    %swap3A_998 = vector.shape_cast %swap3A_997 : vector<1x16xi32> to vector<16xi32>
    %swap3A_999 = vector.shape_cast %add3A_993 : vector<16xi32> to vector<1x16xi32>
    tpu.vector_store %arg7[%swap3A_995, %swap3A_996], %swap3A_999 {strides = array<i32>} : memref<3x128xi32, #tpu.memory_space<vmem>>, vector<1x16xi32>,
    %get3A_1000 = arith.constant 1 : i32
    %get3A_1001 = arith.index_cast %get3A_1000 : i32 to index
    %get3A_1002 = arith.constant 32 : index
    %get3A_1003 = tpu.vector_load %arg6[%get3A_1001, %get3A_1002] {strides = array<i32>} : memref<3x128xi32, #tpu.memory_space<vmem>>, vector<1x16xi32>,
    %get3A_1004 = vector.shape_cast %get3A_1003 : vector<1x16xi32> to vector<16xi32>
    %add3A_1005 = arith.constant 131072 : i32
    %add3A_1006 = vector.broadcast %add3A_1005 : i32 to vector<16xi32>
    %add3A_1007 = arith.addi %get3A_1004, %add3A_1006 : vector<16xi32>
    %swap3A_1008 = arith.constant 1 : i32
    %swap3A_1009 = arith.index_cast %swap3A_1008 : i32 to index
    %swap3A_1010 = arith.constant 32 : index
    %swap3A_1011 = tpu.vector_load %arg7[%swap3A_1009, %swap3A_1010] {strides = array<i32>} : memref<3x128xi32, #tpu.memory_space<vmem>>, vector<1x16xi32>,
    %swap3A_1012 = vector.shape_cast %swap3A_1011 : vector<1x16xi32> to vector<16xi32>
    %swap3A_1013 = vector.shape_cast %add3A_1007 : vector<16xi32> to vector<1x16xi32>
    tpu.vector_store %arg7[%swap3A_1009, %swap3A_1010], %swap3A_1013 {strides = array<i32>} : memref<3x128xi32, #tpu.memory_space<vmem>>, vector<1x16xi32>,
    %get3A_1014 = arith.constant 1 : i32
    %get3A_1015 = arith.index_cast %get3A_1014 : i32 to index
    %get3A_1016 = arith.constant 48 : index
    %get3A_1017 = tpu.vector_load %arg6[%get3A_1015, %get3A_1016] {strides = array<i32>} : memref<3x128xi32, #tpu.memory_space<vmem>>, vector<1x16xi32>,
    %get3A_1018 = vector.shape_cast %get3A_1017 : vector<1x16xi32> to vector<16xi32>
    %add3A_1019 = arith.constant 131072 : i32
    %add3A_1020 = vector.broadcast %add3A_1019 : i32 to vector<16xi32>
    %add3A_1021 = arith.addi %get3A_1018, %add3A_1020 : vector<16xi32>
    %swap3A_1022 = arith.constant 1 : i32
    %swap3A_1023 = arith.index_cast %swap3A_1022 : i32 to index
    %swap3A_1024 = arith.constant 48 : index
    %swap3A_1025 = tpu.vector_load %arg7[%swap3A_1023, %swap3A_1024] {strides = array<i32>} : memref<3x128xi32, #tpu.memory_space<vmem>>, vector<1x16xi32>,
    %swap3A_1026 = vector.shape_cast %swap3A_1025 : vector<1x16xi32> to vector<16xi32>
    %swap3A_1027 = vector.shape_cast %add3A_1021 : vector<16xi32> to vector<1x16xi32>
    tpu.vector_store %arg7[%swap3A_1023, %swap3A_1024], %swap3A_1027 {strides = array<i32>} : memref<3x128xi32, #tpu.memory_space<vmem>>, vector<1x16xi32>,
    %get3A_1028 = arith.constant 1 : i32
    %get3A_1029 = arith.index_cast %get3A_1028 : i32 to index
    %get3A_1030 = arith.constant 64 : index
    %get3A_1031 = tpu.vector_load %arg6[%get3A_1029, %get3A_1030] {strides = array<i32>} : memref<3x128xi32, #tpu.memory_space<vmem>>, vector<1x16xi32>,
    %get3A_1032 = vector.shape_cast %get3A_1031 : vector<1x16xi32> to vector<16xi32>
    %add3A_1033 = arith.constant 131072 : i32
    %add3A_1034 = vector.broadcast %add3A_1033 : i32 to vector<16xi32>
    %add3A_1035 = arith.addi %get3A_1032, %add3A_1034 : vector<16xi32>
    %swap3A_1036 = arith.constant 1 : i32
    %swap3A_1037 = arith.index_cast %swap3A_1036 : i32 to index
    %swap3A_1038 = arith.constant 64 : index
    %swap3A_1039 = tpu.vector_load %arg7[%swap3A_1037, %swap3A_1038] {strides = array<i32>} : memref<3x128xi32, #tpu.memory_space<vmem>>, vector<1x16xi32>,
    %swap3A_1040 = vector.shape_cast %swap3A_1039 : vector<1x16xi32> to vector<16xi32>
    %swap3A_1041 = vector.shape_cast %add3A_1035 : vector<16xi32> to vector<1x16xi32>
    tpu.vector_store %arg7[%swap3A_1037, %swap3A_1038], %swap3A_1041 {strides = array<i32>} : memref<3x128xi32, #tpu.memory_space<vmem>>, vector<1x16xi32>,
    %get3A_1042 = arith.constant 1 : i32
    %get3A_1043 = arith.index_cast %get3A_1042 : i32 to index
    %get3A_1044 = arith.constant 80 : index
    %get3A_1045 = tpu.vector_load %arg6[%get3A_1043, %get3A_1044] {strides = array<i32>} : memref<3x128xi32, #tpu.memory_space<vmem>>, vector<1x16xi32>,
    %get3A_1046 = vector.shape_cast %get3A_1045 : vector<1x16xi32> to vector<16xi32>
    %add3A_1047 = arith.constant 131072 : i32
    %add3A_1048 = vector.broadcast %add3A_1047 : i32 to vector<16xi32>
    %add3A_1049 = arith.addi %get3A_1046, %add3A_1048 : vector<16xi32>
    %swap3A_1050 = arith.constant 1 : i32
    %swap3A_1051 = arith.index_cast %swap3A_1050 : i32 to index
    %swap3A_1052 = arith.constant 80 : index
    %swap3A_1053 = tpu.vector_load %arg7[%swap3A_1051, %swap3A_1052] {strides = array<i32>} : memref<3x128xi32, #tpu.memory_space<vmem>>, vector<1x16xi32>,
    %swap3A_1054 = vector.shape_cast %swap3A_1053 : vector<1x16xi32> to vector<16xi32>
    %swap3A_1055 = vector.shape_cast %add3A_1049 : vector<16xi32> to vector<1x16xi32>
    tpu.vector_store %arg7[%swap3A_1051, %swap3A_1052], %swap3A_1055 {strides = array<i32>} : memref<3x128xi32, #tpu.memory_space<vmem>>, vector<1x16xi32>,
    %get3A_1056 = arith.constant 1 : i32
    %get3A_1057 = arith.index_cast %get3A_1056 : i32 to index
    %get3A_1058 = arith.constant 96 : index
    %get3A_1059 = tpu.vector_load %arg6[%get3A_1057, %get3A_1058] {strides = array<i32>} : memref<3x128xi32, #tpu.memory_space<vmem>>, vector<1x16xi32>,
    %get3A_1060 = vector.shape_cast %get3A_1059 : vector<1x16xi32> to vector<16xi32>
    %add3A_1061 = arith.constant 131072 : i32
    %add3A_1062 = vector.broadcast %add3A_1061 : i32 to vector<16xi32>
    %add3A_1063 = arith.addi %get3A_1060, %add3A_1062 : vector<16xi32>
    %swap3A_1064 = arith.constant 1 : i32
    %swap3A_1065 = arith.index_cast %swap3A_1064 : i32 to index
    %swap3A_1066 = arith.constant 96 : index
    %swap3A_1067 = tpu.vector_load %arg7[%swap3A_1065, %swap3A_1066] {strides = array<i32>} : memref<3x128xi32, #tpu.memory_space<vmem>>, vector<1x16xi32>,
    %swap3A_1068 = vector.shape_cast %swap3A_1067 : vector<1x16xi32> to vector<16xi32>
    %swap3A_1069 = vector.shape_cast %add3A_1063 : vector<16xi32> to vector<1x16xi32>
    tpu.vector_store %arg7[%swap3A_1065, %swap3A_1066], %swap3A_1069 {strides = array<i32>} : memref<3x128xi32, #tpu.memory_space<vmem>>, vector<1x16xi32>,
    %get3A_1070 = arith.constant 1 : i32
    %get3A_1071 = arith.index_cast %get3A_1070 : i32 to index
    %get3A_1072 = arith.constant 112 : index
    %get3A_1073 = tpu.vector_load %arg6[%get3A_1071, %get3A_1072] {strides = array<i32>} : memref<3x128xi32, #tpu.memory_space<vmem>>, vector<1x16xi32>,
    %get3A_1074 = vector.shape_cast %get3A_1073 : vector<1x16xi32> to vector<16xi32>
    %add3A_1075 = arith.constant 131072 : i32
    %add3A_1076 = vector.broadcast %add3A_1075 : i32 to vector<16xi32>
    %add3A_1077 = arith.addi %get3A_1074, %add3A_1076 : vector<16xi32>
    %swap3A_1078 = arith.constant 1 : i32
    %swap3A_1079 = arith.index_cast %swap3A_1078 : i32 to index
    %swap3A_1080 = arith.constant 112 : index
    %swap3A_1081 = tpu.vector_load %arg7[%swap3A_1079, %swap3A_1080] {strides = array<i32>} : memref<3x128xi32, #tpu.memory_space<vmem>>, vector<1x16xi32>,
    %swap3A_1082 = vector.shape_cast %swap3A_1081 : vector<1x16xi32> to vector<16xi32>
    %swap3A_1083 = vector.shape_cast %add3A_1077 : vector<16xi32> to vector<1x16xi32>
    tpu.vector_store %arg7[%swap3A_1079, %swap3A_1080], %swap3A_1083 {strides = array<i32>} : memref<3x128xi32, #tpu.memory_space<vmem>>, vector<1x16xi32>,
    %get3A_1084 = arith.constant 2 : i32
    %get3A_1085 = arith.index_cast %get3A_1084 : i32 to index
    %get3A_1086 = arith.constant 0 : index
    %get3A_1087 = tpu.vector_load %arg6[%get3A_1085, %get3A_1086] {strides = array<i32>} : memref<3x128xi32, #tpu.memory_space<vmem>>, vector<1x16xi32>,
    %get3A_1088 = vector.shape_cast %get3A_1087 : vector<1x16xi32> to vector<16xi32>
    %add3A_1089 = arith.constant 131072 : i32
    %add3A_1090 = vector.broadcast %add3A_1089 : i32 to vector<16xi32>
    %add3A_1091 = arith.addi %get3A_1088, %add3A_1090 : vector<16xi32>
    %swap3A_1092 = arith.constant 2 : i32
    %swap3A_1093 = arith.index_cast %swap3A_1092 : i32 to index
    %swap3A_1094 = arith.constant 0 : index
    %swap3A_1095 = tpu.vector_load %arg7[%swap3A_1093, %swap3A_1094] {strides = array<i32>} : memref<3x128xi32, #tpu.memory_space<vmem>>, vector<1x16xi32>,
    %swap3A_1096 = vector.shape_cast %swap3A_1095 : vector<1x16xi32> to vector<16xi32>
    %swap3A_1097 = vector.shape_cast %add3A_1091 : vector<16xi32> to vector<1x16xi32>
    tpu.vector_store %arg7[%swap3A_1093, %swap3A_1094], %swap3A_1097 {strides = array<i32>} : memref<3x128xi32, #tpu.memory_space<vmem>>, vector<1x16xi32>,
    %get3A_1098 = arith.constant 2 : i32
    %get3A_1099 = arith.index_cast %get3A_1098 : i32 to index
    %get3A_1100 = arith.constant 16 : index
    %get3A_1101 = tpu.vector_load %arg6[%get3A_1099, %get3A_1100] {strides = array<i32>} : memref<3x128xi32, #tpu.memory_space<vmem>>, vector<1x16xi32>,
    %get3A_1102 = vector.shape_cast %get3A_1101 : vector<1x16xi32> to vector<16xi32>
    %add3A_1103 = arith.constant 131072 : i32
    %add3A_1104 = vector.broadcast %add3A_1103 : i32 to vector<16xi32>
    %add3A_1105 = arith.addi %get3A_1102, %add3A_1104 : vector<16xi32>
    %swap3A_1106 = arith.constant 2 : i32
    %swap3A_1107 = arith.index_cast %swap3A_1106 : i32 to index
    %swap3A_1108 = arith.constant 16 : index
    %swap3A_1109 = tpu.vector_load %arg7[%swap3A_1107, %swap3A_1108] {strides = array<i32>} : memref<3x128xi32, #tpu.memory_space<vmem>>, vector<1x16xi32>,
    %swap3A_1110 = vector.shape_cast %swap3A_1109 : vector<1x16xi32> to vector<16xi32>
    %swap3A_1111 = vector.shape_cast %add3A_1105 : vector<16xi32> to vector<1x16xi32>
    tpu.vector_store %arg7[%swap3A_1107, %swap3A_1108], %swap3A_1111 {strides = array<i32>} : memref<3x128xi32, #tpu.memory_space<vmem>>, vector<1x16xi32>,
    %get3A_1112 = arith.constant 2 : i32
    %get3A_1113 = arith.index_cast %get3A_1112 : i32 to index
    %get3A_1114 = arith.constant 32 : index
    %get3A_1115 = tpu.vector_load %arg6[%get3A_1113, %get3A_1114] {strides = array<i32>} : memref<3x128xi32, #tpu.memory_space<vmem>>, vector<1x16xi32>,
    %get3A_1116 = vector.shape_cast %get3A_1115 : vector<1x16xi32> to vector<16xi32>
    %add3A_1117 = arith.constant 131072 : i32
    %add3A_1118 = vector.broadcast %add3A_1117 : i32 to vector<16xi32>
    %add3A_1119 = arith.addi %get3A_1116, %add3A_1118 : vector<16xi32>
    %swap3A_1120 = arith.constant 2 : i32
    %swap3A_1121 = arith.index_cast %swap3A_1120 : i32 to index
    %swap3A_1122 = arith.constant 32 : index
    %swap3A_1123 = tpu.vector_load %arg7[%swap3A_1121, %swap3A_1122] {strides = array<i32>} : memref<3x128xi32, #tpu.memory_space<vmem>>, vector<1x16xi32>,
    %swap3A_1124 = vector.shape_cast %swap3A_1123 : vector<1x16xi32> to vector<16xi32>
    %swap3A_1125 = vector.shape_cast %add3A_1119 : vector<16xi32> to vector<1x16xi32>
    tpu.vector_store %arg7[%swap3A_1121, %swap3A_1122], %swap3A_1125 {strides = array<i32>} : memref<3x128xi32, #tpu.memory_space<vmem>>, vector<1x16xi32>,
    %get3A_1126 = arith.constant 2 : i32
    %get3A_1127 = arith.index_cast %get3A_1126 : i32 to index
    %get3A_1128 = arith.constant 48 : index
    %get3A_1129 = tpu.vector_load %arg6[%get3A_1127, %get3A_1128] {strides = array<i32>} : memref<3x128xi32, #tpu.memory_space<vmem>>, vector<1x16xi32>,
    %get3A_1130 = vector.shape_cast %get3A_1129 : vector<1x16xi32> to vector<16xi32>
    %add3A_1131 = arith.constant 131072 : i32
    %add3A_1132 = vector.broadcast %add3A_1131 : i32 to vector<16xi32>
    %add3A_1133 = arith.addi %get3A_1130, %add3A_1132 : vector<16xi32>
    %swap3A_1134 = arith.constant 2 : i32
    %swap3A_1135 = arith.index_cast %swap3A_1134 : i32 to index
    %swap3A_1136 = arith.constant 48 : index
    %swap3A_1137 = tpu.vector_load %arg7[%swap3A_1135, %swap3A_1136] {strides = array<i32>} : memref<3x128xi32, #tpu.memory_space<vmem>>, vector<1x16xi32>,
    %swap3A_1138 = vector.shape_cast %swap3A_1137 : vector<1x16xi32> to vector<16xi32>
    %swap3A_1139 = vector.shape_cast %add3A_1133 : vector<16xi32> to vector<1x16xi32>
    tpu.vector_store %arg7[%swap3A_1135, %swap3A_1136], %swap3A_1139 {strides = array<i32>} : memref<3x128xi32, #tpu.memory_space<vmem>>, vector<1x16xi32>,
    %get3A_1140 = arith.constant 2 : i32
    %get3A_1141 = arith.index_cast %get3A_1140 : i32 to index
    %get3A_1142 = arith.constant 64 : index
    %get3A_1143 = tpu.vector_load %arg6[%get3A_1141, %get3A_1142] {strides = array<i32>} : memref<3x128xi32, #tpu.memory_space<vmem>>, vector<1x16xi32>,
    %get3A_1144 = vector.shape_cast %get3A_1143 : vector<1x16xi32> to vector<16xi32>
    %add3A_1145 = arith.constant 131072 : i32
    %add3A_1146 = vector.broadcast %add3A_1145 : i32 to vector<16xi32>
    %add3A_1147 = arith.addi %get3A_1144, %add3A_1146 : vector<16xi32>
    %swap3A_1148 = arith.constant 2 : i32
    %swap3A_1149 = arith.index_cast %swap3A_1148 : i32 to index
    %swap3A_1150 = arith.constant 64 : index
    %swap3A_1151 = tpu.vector_load %arg7[%swap3A_1149, %swap3A_1150] {strides = array<i32>} : memref<3x128xi32, #tpu.memory_space<vmem>>, vector<1x16xi32>,
    %swap3A_1152 = vector.shape_cast %swap3A_1151 : vector<1x16xi32> to vector<16xi32>
    %swap3A_1153 = vector.shape_cast %add3A_1147 : vector<16xi32> to vector<1x16xi32>
    tpu.vector_store %arg7[%swap3A_1149, %swap3A_1150], %swap3A_1153 {strides = array<i32>} : memref<3x128xi32, #tpu.memory_space<vmem>>, vector<1x16xi32>,
    %get3A_1154 = arith.constant 2 : i32
    %get3A_1155 = arith.index_cast %get3A_1154 : i32 to index
    %get3A_1156 = arith.constant 80 : index
    %get3A_1157 = tpu.vector_load %arg6[%get3A_1155, %get3A_1156] {strides = array<i32>} : memref<3x128xi32, #tpu.memory_space<vmem>>, vector<1x16xi32>,
    %get3A_1158 = vector.shape_cast %get3A_1157 : vector<1x16xi32> to vector<16xi32>
    %add3A_1159 = arith.constant 131072 : i32
    %add3A_1160 = vector.broadcast %add3A_1159 : i32 to vector<16xi32>
    %add3A_1161 = arith.addi %get3A_1158, %add3A_1160 : vector<16xi32>
    %swap3A_1162 = arith.constant 2 : i32
    %swap3A_1163 = arith.index_cast %swap3A_1162 : i32 to index
    %swap3A_1164 = arith.constant 80 : index
    %swap3A_1165 = tpu.vector_load %arg7[%swap3A_1163, %swap3A_1164] {strides = array<i32>} : memref<3x128xi32, #tpu.memory_space<vmem>>, vector<1x16xi32>,
    %swap3A_1166 = vector.shape_cast %swap3A_1165 : vector<1x16xi32> to vector<16xi32>
    %swap3A_1167 = vector.shape_cast %add3A_1161 : vector<16xi32> to vector<1x16xi32>
    tpu.vector_store %arg7[%swap3A_1163, %swap3A_1164], %swap3A_1167 {strides = array<i32>} : memref<3x128xi32, #tpu.memory_space<vmem>>, vector<1x16xi32>,
    %get3A_1168 = arith.constant 2 : i32
    %get3A_1169 = arith.index_cast %get3A_1168 : i32 to index
    %get3A_1170 = arith.constant 96 : index
    %get3A_1171 = tpu.vector_load %arg6[%get3A_1169, %get3A_1170] {strides = array<i32>} : memref<3x128xi32, #tpu.memory_space<vmem>>, vector<1x16xi32>,
    %get3A_1172 = vector.shape_cast %get3A_1171 : vector<1x16xi32> to vector<16xi32>
    %add3A_1173 = arith.constant 131072 : i32
    %add3A_1174 = vector.broadcast %add3A_1173 : i32 to vector<16xi32>
    %add3A_1175 = arith.addi %get3A_1172, %add3A_1174 : vector<16xi32>
    %swap3A_1176 = arith.constant 2 : i32
    %swap3A_1177 = arith.index_cast %swap3A_1176 : i32 to index
    %swap3A_1178 = arith.constant 96 : index
    %swap3A_1179 = tpu.vector_load %arg7[%swap3A_1177, %swap3A_1178] {strides = array<i32>} : memref<3x128xi32, #tpu.memory_space<vmem>>, vector<1x16xi32>,
    %swap3A_1180 = vector.shape_cast %swap3A_1179 : vector<1x16xi32> to vector<16xi32>
    %swap3A_1181 = vector.shape_cast %add3A_1175 : vector<16xi32> to vector<1x16xi32>
    tpu.vector_store %arg7[%swap3A_1177, %swap3A_1178], %swap3A_1181 {strides = array<i32>} : memref<3x128xi32, #tpu.memory_space<vmem>>, vector<1x16xi32>,
    %get3A_1182 = arith.constant 2 : i32
    %get3A_1183 = arith.index_cast %get3A_1182 : i32 to index
    %get3A_1184 = arith.constant 112 : index
    %get3A_1185 = tpu.vector_load %arg6[%get3A_1183, %get3A_1184] {strides = array<i32>} : memref<3x128xi32, #tpu.memory_space<vmem>>, vector<1x16xi32>,
    %get3A_1186 = vector.shape_cast %get3A_1185 : vector<1x16xi32> to vector<16xi32>
    %add3A_1187 = arith.constant 131072 : i32
    %add3A_1188 = vector.broadcast %add3A_1187 : i32 to vector<16xi32>
    %add3A_1189 = arith.addi %get3A_1186, %add3A_1188 : vector<16xi32>
    %swap3A_1190 = arith.constant 2 : i32
    %swap3A_1191 = arith.index_cast %swap3A_1190 : i32 to index
    %swap3A_1192 = arith.constant 112 : index
    %swap3A_1193 = tpu.vector_load %arg7[%swap3A_1191, %swap3A_1192] {strides = array<i32>} : memref<3x128xi32, #tpu.memory_space<vmem>>, vector<1x16xi32>,
    %swap3A_1194 = vector.shape_cast %swap3A_1193 : vector<1x16xi32> to vector<16xi32>
    %swap3A_1195 = vector.shape_cast %add3A_1189 : vector<16xi32> to vector<1x16xi32>
    tpu.vector_store %arg7[%swap3A_1191, %swap3A_1192], %swap3A_1195 {strides = array<i32>} : memref<3x128xi32, #tpu.memory_space<vmem>>, vector<1x16xi32>,
    %dma_wait3A_1196 = tpu.memref_slice %arg11[%add3A_793] : memref<262144xf32, #tpu.memory_space<vmem_shared>> -> memref<2048xf32, #tpu.memory_space<vmem_shared>>
    %dma_wait3A_1197 = tpu.memref_slice %arg11[%add3A_793] : memref<262144xf32, #tpu.memory_space<vmem_shared>> -> memref<2048xf32, #tpu.memory_space<vmem_shared>>
    tpu.wait_dma2 semaphore(%arg13 : memref<!tpu.dma_semaphore, #tpu.memory_space<semaphore_mem>>) src(%arg10 : memref<2048xf32, #tpu.memory_space<vmem>>) dst(%dma_wait3A_1197 : memref<2048xf32, #tpu.memory_space<vmem_shared>>)
    %dma_wait3A_1198 = tpu.memref_slice %arg11[%add3A_799] : memref<262144xf32, #tpu.memory_space<vmem_shared>> -> memref<2048xf32, #tpu.memory_space<vmem_shared>>
    %dma_wait3A_1199 = tpu.memref_slice %arg11[%add3A_799] : memref<262144xf32, #tpu.memory_space<vmem_shared>> -> memref<2048xf32, #tpu.memory_space<vmem_shared>>
    tpu.wait_dma2 semaphore(%arg13 : memref<!tpu.dma_semaphore, #tpu.memory_space<semaphore_mem>>) src(%arg10 : memref<2048xf32, #tpu.memory_space<vmem>>) dst(%dma_wait3A_1199 : memref<2048xf32, #tpu.memory_space<vmem_shared>>)
    %dma_wait3A_1200 = tpu.memref_slice %arg11[%add3A_805] : memref<262144xf32, #tpu.memory_space<vmem_shared>> -> memref<2048xf32, #tpu.memory_space<vmem_shared>>
    %dma_wait3A_1201 = tpu.memref_slice %arg11[%add3A_805] : memref<262144xf32, #tpu.memory_space<vmem_shared>> -> memref<2048xf32, #tpu.memory_space<vmem_shared>>
    tpu.wait_dma2 semaphore(%arg13 : memref<!tpu.dma_semaphore, #tpu.memory_space<semaphore_mem>>) src(%arg10 : memref<2048xf32, #tpu.memory_space<vmem>>) dst(%dma_wait3A_1201 : memref<2048xf32, #tpu.memory_space<vmem_shared>>)
    %dma_wait3A_1202 = tpu.memref_slice %arg11[%add3A_811] : memref<262144xf32, #tpu.memory_space<vmem_shared>> -> memref<2048xf32, #tpu.memory_space<vmem_shared>>
    %dma_wait3A_1203 = tpu.memref_slice %arg11[%add3A_811] : memref<262144xf32, #tpu.memory_space<vmem_shared>> -> memref<2048xf32, #tpu.memory_space<vmem_shared>>
    tpu.wait_dma2 semaphore(%arg13 : memref<!tpu.dma_semaphore, #tpu.memory_space<semaphore_mem>>) src(%arg10 : memref<2048xf32, #tpu.memory_space<vmem>>) dst(%dma_wait3A_1203 : memref<2048xf32, #tpu.memory_space<vmem_shared>>)
    %dma_wait3A_1204 = tpu.memref_slice %arg11[%add3A_817] : memref<262144xf32, #tpu.memory_space<vmem_shared>> -> memref<2048xf32, #tpu.memory_space<vmem_shared>>
    %dma_wait3A_1205 = tpu.memref_slice %arg11[%add3A_817] : memref<262144xf32, #tpu.memory_space<vmem_shared>> -> memref<2048xf32, #tpu.memory_space<vmem_shared>>
    tpu.wait_dma2 semaphore(%arg13 : memref<!tpu.dma_semaphore, #tpu.memory_space<semaphore_mem>>) src(%arg10 : memref<2048xf32, #tpu.memory_space<vmem>>) dst(%dma_wait3A_1205 : memref<2048xf32, #tpu.memory_space<vmem_shared>>)
    %dma_wait3A_1206 = tpu.memref_slice %arg11[%add3A_823] : memref<262144xf32, #tpu.memory_space<vmem_shared>> -> memref<2048xf32, #tpu.memory_space<vmem_shared>>
    %dma_wait3A_1207 = tpu.memref_slice %arg11[%add3A_823] : memref<262144xf32, #tpu.memory_space<vmem_shared>> -> memref<2048xf32, #tpu.memory_space<vmem_shared>>
    tpu.wait_dma2 semaphore(%arg13 : memref<!tpu.dma_semaphore, #tpu.memory_space<semaphore_mem>>) src(%arg10 : memref<2048xf32, #tpu.memory_space<vmem>>) dst(%dma_wait3A_1207 : memref<2048xf32, #tpu.memory_space<vmem_shared>>)
    %dma_wait3A_1208 = tpu.memref_slice %arg11[%add3A_829] : memref<262144xf32, #tpu.memory_space<vmem_shared>> -> memref<2048xf32, #tpu.memory_space<vmem_shared>>
    %dma_wait3A_1209 = tpu.memref_slice %arg11[%add3A_829] : memref<262144xf32, #tpu.memory_space<vmem_shared>> -> memref<2048xf32, #tpu.memory_space<vmem_shared>>
    tpu.wait_dma2 semaphore(%arg13 : memref<!tpu.dma_semaphore, #tpu.memory_space<semaphore_mem>>) src(%arg10 : memref<2048xf32, #tpu.memory_space<vmem>>) dst(%dma_wait3A_1209 : memref<2048xf32, #tpu.memory_space<vmem_shared>>)
    %dma_wait3A_1210 = tpu.memref_slice %arg11[%add3A_835] : memref<262144xf32, #tpu.memory_space<vmem_shared>> -> memref<2048xf32, #tpu.memory_space<vmem_shared>>
    %dma_wait3A_1211 = tpu.memref_slice %arg11[%add3A_835] : memref<262144xf32, #tpu.memory_space<vmem_shared>> -> memref<2048xf32, #tpu.memory_space<vmem_shared>>
    tpu.wait_dma2 semaphore(%arg13 : memref<!tpu.dma_semaphore, #tpu.memory_space<semaphore_mem>>) src(%arg10 : memref<2048xf32, #tpu.memory_space<vmem>>) dst(%dma_wait3A_1211 : memref<2048xf32, #tpu.memory_space<vmem_shared>>)
    %barrier3A = arith.constant 0 : index
    tpu.barrier barrier_id(%barrier3A)
    %dma_start3A_1212 = arith.constant 0 : i32
    %dma_start3A_1213 = arith.constant 0 : i32
    %dma_start3A_1214 = arith.constant 0 : i32
    %dma_start3A_1215 = tpu.memref_slice %arg8[%dma_start3A_1212, %dma_start3A_1214] : memref<3x128xf32, #tpu.memory_space<vmem>> -> memref<1x128xf32, #tpu.memory_space<vmem>>
    %dma_start3A_1216 = tpu.memref_squeeze %dma_start3A_1215 : memref<1x128xf32, #tpu.memory_space<vmem>> -> memref<128xf32, #tpu.memory_space<vmem>>
    %dma_start3A_1217 = arith.constant 0 : i32
    %dma_start3A_1218 = tpu.memref_slice %arg6[%dma_start3A_1213, %dma_start3A_1217] : memref<3x128xi32, #tpu.memory_space<vmem>> -> memref<1x128xi32, #tpu.memory_space<vmem>>
    %dma_start3A_1219 = tpu.memref_squeeze %dma_start3A_1218 : memref<1x128xi32, #tpu.memory_space<vmem>> -> memref<128xi32, #tpu.memory_space<vmem>>
    %dma_start3A_1220 = arith.constant 0 : i32
    %dma_start3A_1221 = tpu.memref_slice %arg11[%dma_start3A_1220] : memref<262144xf32, #tpu.memory_space<vmem_shared>> -> memref<262144xf32, #tpu.memory_space<vmem_shared>>
    tpu.enqueue_indirect_dma source(%dma_start3A_1216 : memref<128xf32, #tpu.memory_space<vmem>>) target(%dma_start3A_1221 : memref<262144xf32, #tpu.memory_space<vmem_shared>>) offsets(%dma_start3A_1219 : memref<128xi32, #tpu.memory_space<vmem>>) semaphore(%arg12 : memref<!tpu.dma_semaphore, #tpu.memory_space<semaphore_mem>>) {add = true}
    %dma_start3A_1222 = arith.constant 0 : i32
    %dma_start3A_1223 = arith.constant 0 : i32
    %dma_start3A_1224 = arith.constant 0 : i32
    %dma_start3A_1225 = tpu.memref_slice %arg9[%dma_start3A_1222, %dma_start3A_1224] : memref<3x128xf32, #tpu.memory_space<vmem>> -> memref<1x128xf32, #tpu.memory_space<vmem>>
    %dma_start3A_1226 = tpu.memref_squeeze %dma_start3A_1225 : memref<1x128xf32, #tpu.memory_space<vmem>> -> memref<128xf32, #tpu.memory_space<vmem>>
    %dma_start3A_1227 = arith.constant 0 : i32
    %dma_start3A_1228 = tpu.memref_slice %arg7[%dma_start3A_1223, %dma_start3A_1227] : memref<3x128xi32, #tpu.memory_space<vmem>> -> memref<1x128xi32, #tpu.memory_space<vmem>>
    %dma_start3A_1229 = tpu.memref_squeeze %dma_start3A_1228 : memref<1x128xi32, #tpu.memory_space<vmem>> -> memref<128xi32, #tpu.memory_space<vmem>>
    %dma_start3A_1230 = arith.constant 0 : i32
    %dma_start3A_1231 = tpu.memref_slice %arg11[%dma_start3A_1230] : memref<262144xf32, #tpu.memory_space<vmem_shared>> -> memref<262144xf32, #tpu.memory_space<vmem_shared>>
    tpu.enqueue_indirect_dma source(%dma_start3A_1226 : memref<128xf32, #tpu.memory_space<vmem>>) target(%dma_start3A_1231 : memref<262144xf32, #tpu.memory_space<vmem_shared>>) offsets(%dma_start3A_1229 : memref<128xi32, #tpu.memory_space<vmem>>) semaphore(%arg13 : memref<!tpu.dma_semaphore, #tpu.memory_space<semaphore_mem>>) {add = true}
    %dma_wait3A_1232 = arith.constant 0 : i32
    %dma_wait3A_1233 = arith.constant 0 : i32
    %dma_wait3A_1234 = arith.constant 0 : i32
    %dma_wait3A_1235 = tpu.memref_slice %arg8[%dma_wait3A_1232, %dma_wait3A_1234] : memref<3x128xf32, #tpu.memory_space<vmem>> -> memref<1x128xf32, #tpu.memory_space<vmem>>
    %dma_wait3A_1236 = tpu.memref_squeeze %dma_wait3A_1235 : memref<1x128xf32, #tpu.memory_space<vmem>> -> memref<128xf32, #tpu.memory_space<vmem>>
    %dma_wait3A_1237 = arith.constant 0 : i32
    %dma_wait3A_1238 = tpu.memref_slice %arg6[%dma_wait3A_1233, %dma_wait3A_1237] : memref<3x128xi32, #tpu.memory_space<vmem>> -> memref<1x128xi32, #tpu.memory_space<vmem>>
    %dma_wait3A_1239 = tpu.memref_squeeze %dma_wait3A_1238 : memref<1x128xi32, #tpu.memory_space<vmem>> -> memref<128xi32, #tpu.memory_space<vmem>>
    %dma_wait3A_1240 = arith.constant 0 : i32
    %dma_wait3A_1241 = tpu.memref_slice %arg11[%dma_wait3A_1240] : memref<262144xf32, #tpu.memory_space<vmem_shared>> -> memref<262144xf32, #tpu.memory_space<vmem_shared>>
    tpu.wait_indirect_dma semaphore(%arg12 : memref<!tpu.dma_semaphore, #tpu.memory_space<semaphore_mem>>) src(%dma_wait3A_1236 : memref<128xf32, #tpu.memory_space<vmem>>) dst(%dma_wait3A_1241 : memref<262144xf32, #tpu.memory_space<vmem_shared>>)
    %dma_wait3A_1242 = arith.constant 0 : i32
    %dma_wait3A_1243 = arith.constant 0 : i32
    %dma_wait3A_1244 = arith.constant 0 : i32
    %dma_wait3A_1245 = tpu.memref_slice %arg9[%dma_wait3A_1242, %dma_wait3A_1244] : memref<3x128xf32, #tpu.memory_space<vmem>> -> memref<1x128xf32, #tpu.memory_space<vmem>>
    %dma_wait3A_1246 = tpu.memref_squeeze %dma_wait3A_1245 : memref<1x128xf32, #tpu.memory_space<vmem>> -> memref<128xf32, #tpu.memory_space<vmem>>
    %dma_wait3A_1247 = arith.constant 0 : i32
    %dma_wait3A_1248 = tpu.memref_slice %arg7[%dma_wait3A_1243, %dma_wait3A_1247] : memref<3x128xi32, #tpu.memory_space<vmem>> -> memref<1x128xi32, #tpu.memory_space<vmem>>
    %dma_wait3A_1249 = tpu.memref_squeeze %dma_wait3A_1248 : memref<1x128xi32, #tpu.memory_space<vmem>> -> memref<128xi32, #tpu.memory_space<vmem>>
    %dma_wait3A_1250 = arith.constant 0 : i32
    %dma_wait3A_1251 = tpu.memref_slice %arg11[%dma_wait3A_1250] : memref<262144xf32, #tpu.memory_space<vmem_shared>> -> memref<262144xf32, #tpu.memory_space<vmem_shared>>
    tpu.wait_indirect_dma semaphore(%arg13 : memref<!tpu.dma_semaphore, #tpu.memory_space<semaphore_mem>>) src(%dma_wait3A_1246 : memref<128xf32, #tpu.memory_space<vmem>>) dst(%dma_wait3A_1251 : memref<262144xf32, #tpu.memory_space<vmem_shared>>)
    %dma_start3A_1252 = arith.constant 1 : i32
    %dma_start3A_1253 = arith.constant 1 : i32
    %dma_start3A_1254 = arith.constant 0 : i32
    %dma_start3A_1255 = tpu.memref_slice %arg8[%dma_start3A_1252, %dma_start3A_1254] : memref<3x128xf32, #tpu.memory_space<vmem>> -> memref<1x128xf32, #tpu.memory_space<vmem>>
    %dma_start3A_1256 = tpu.memref_squeeze %dma_start3A_1255 : memref<1x128xf32, #tpu.memory_space<vmem>> -> memref<128xf32, #tpu.memory_space<vmem>>
    %dma_start3A_1257 = arith.constant 0 : i32
    %dma_start3A_1258 = tpu.memref_slice %arg6[%dma_start3A_1253, %dma_start3A_1257] : memref<3x128xi32, #tpu.memory_space<vmem>> -> memref<1x128xi32, #tpu.memory_space<vmem>>
    %dma_start3A_1259 = tpu.memref_squeeze %dma_start3A_1258 : memref<1x128xi32, #tpu.memory_space<vmem>> -> memref<128xi32, #tpu.memory_space<vmem>>
    %dma_start3A_1260 = arith.constant 0 : i32
    %dma_start3A_1261 = tpu.memref_slice %arg11[%dma_start3A_1260] : memref<262144xf32, #tpu.memory_space<vmem_shared>> -> memref<262144xf32, #tpu.memory_space<vmem_shared>>
    tpu.enqueue_indirect_dma source(%dma_start3A_1256 : memref<128xf32, #tpu.memory_space<vmem>>) target(%dma_start3A_1261 : memref<262144xf32, #tpu.memory_space<vmem_shared>>) offsets(%dma_start3A_1259 : memref<128xi32, #tpu.memory_space<vmem>>) semaphore(%arg12 : memref<!tpu.dma_semaphore, #tpu.memory_space<semaphore_mem>>) {add = true}
    %dma_start3A_1262 = arith.constant 1 : i32
    %dma_start3A_1263 = arith.constant 1 : i32
    %dma_start3A_1264 = arith.constant 0 : i32
    %dma_start3A_1265 = tpu.memref_slice %arg9[%dma_start3A_1262, %dma_start3A_1264] : memref<3x128xf32, #tpu.memory_space<vmem>> -> memref<1x128xf32, #tpu.memory_space<vmem>>
    %dma_start3A_1266 = tpu.memref_squeeze %dma_start3A_1265 : memref<1x128xf32, #tpu.memory_space<vmem>> -> memref<128xf32, #tpu.memory_space<vmem>>
    %dma_start3A_1267 = arith.constant 0 : i32
    %dma_start3A_1268 = tpu.memref_slice %arg7[%dma_start3A_1263, %dma_start3A_1267] : memref<3x128xi32, #tpu.memory_space<vmem>> -> memref<1x128xi32, #tpu.memory_space<vmem>>
    %dma_start3A_1269 = tpu.memref_squeeze %dma_start3A_1268 : memref<1x128xi32, #tpu.memory_space<vmem>> -> memref<128xi32, #tpu.memory_space<vmem>>
    %dma_start3A_1270 = arith.constant 0 : i32
    %dma_start3A_1271 = tpu.memref_slice %arg11[%dma_start3A_1270] : memref<262144xf32, #tpu.memory_space<vmem_shared>> -> memref<262144xf32, #tpu.memory_space<vmem_shared>>
    tpu.enqueue_indirect_dma source(%dma_start3A_1266 : memref<128xf32, #tpu.memory_space<vmem>>) target(%dma_start3A_1271 : memref<262144xf32, #tpu.memory_space<vmem_shared>>) offsets(%dma_start3A_1269 : memref<128xi32, #tpu.memory_space<vmem>>) semaphore(%arg13 : memref<!tpu.dma_semaphore, #tpu.memory_space<semaphore_mem>>) {add = true}
    %dma_wait3A_1272 = arith.constant 1 : i32
    %dma_wait3A_1273 = arith.constant 1 : i32
    %dma_wait3A_1274 = arith.constant 0 : i32
    %dma_wait3A_1275 = tpu.memref_slice %arg8[%dma_wait3A_1272, %dma_wait3A_1274] : memref<3x128xf32, #tpu.memory_space<vmem>> -> memref<1x128xf32, #tpu.memory_space<vmem>>
    %dma_wait3A_1276 = tpu.memref_squeeze %dma_wait3A_1275 : memref<1x128xf32, #tpu.memory_space<vmem>> -> memref<128xf32, #tpu.memory_space<vmem>>
    %dma_wait3A_1277 = arith.constant 0 : i32
    %dma_wait3A_1278 = tpu.memref_slice %arg6[%dma_wait3A_1273, %dma_wait3A_1277] : memref<3x128xi32, #tpu.memory_space<vmem>> -> memref<1x128xi32, #tpu.memory_space<vmem>>
    %dma_wait3A_1279 = tpu.memref_squeeze %dma_wait3A_1278 : memref<1x128xi32, #tpu.memory_space<vmem>> -> memref<128xi32, #tpu.memory_space<vmem>>
    %dma_wait3A_1280 = arith.constant 0 : i32
    %dma_wait3A_1281 = tpu.memref_slice %arg11[%dma_wait3A_1280] : memref<262144xf32, #tpu.memory_space<vmem_shared>> -> memref<262144xf32, #tpu.memory_space<vmem_shared>>
    tpu.wait_indirect_dma semaphore(%arg12 : memref<!tpu.dma_semaphore, #tpu.memory_space<semaphore_mem>>) src(%dma_wait3A_1276 : memref<128xf32, #tpu.memory_space<vmem>>) dst(%dma_wait3A_1281 : memref<262144xf32, #tpu.memory_space<vmem_shared>>)
    %dma_wait3A_1282 = arith.constant 1 : i32
    %dma_wait3A_1283 = arith.constant 1 : i32
    %dma_wait3A_1284 = arith.constant 0 : i32
    %dma_wait3A_1285 = tpu.memref_slice %arg9[%dma_wait3A_1282, %dma_wait3A_1284] : memref<3x128xf32, #tpu.memory_space<vmem>> -> memref<1x128xf32, #tpu.memory_space<vmem>>
    %dma_wait3A_1286 = tpu.memref_squeeze %dma_wait3A_1285 : memref<1x128xf32, #tpu.memory_space<vmem>> -> memref<128xf32, #tpu.memory_space<vmem>>
    %dma_wait3A_1287 = arith.constant 0 : i32
    %dma_wait3A_1288 = tpu.memref_slice %arg7[%dma_wait3A_1283, %dma_wait3A_1287] : memref<3x128xi32, #tpu.memory_space<vmem>> -> memref<1x128xi32, #tpu.memory_space<vmem>>
    %dma_wait3A_1289 = tpu.memref_squeeze %dma_wait3A_1288 : memref<1x128xi32, #tpu.memory_space<vmem>> -> memref<128xi32, #tpu.memory_space<vmem>>
    %dma_wait3A_1290 = arith.constant 0 : i32
    %dma_wait3A_1291 = tpu.memref_slice %arg11[%dma_wait3A_1290] : memref<262144xf32, #tpu.memory_space<vmem_shared>> -> memref<262144xf32, #tpu.memory_space<vmem_shared>>
    tpu.wait_indirect_dma semaphore(%arg13 : memref<!tpu.dma_semaphore, #tpu.memory_space<semaphore_mem>>) src(%dma_wait3A_1286 : memref<128xf32, #tpu.memory_space<vmem>>) dst(%dma_wait3A_1291 : memref<262144xf32, #tpu.memory_space<vmem_shared>>)
    %dma_start3A_1292 = arith.constant 2 : i32
    %dma_start3A_1293 = arith.constant 2 : i32
    %dma_start3A_1294 = arith.constant 0 : i32
    %dma_start3A_1295 = tpu.memref_slice %arg8[%dma_start3A_1292, %dma_start3A_1294] : memref<3x128xf32, #tpu.memory_space<vmem>> -> memref<1x128xf32, #tpu.memory_space<vmem>>
    %dma_start3A_1296 = tpu.memref_squeeze %dma_start3A_1295 : memref<1x128xf32, #tpu.memory_space<vmem>> -> memref<128xf32, #tpu.memory_space<vmem>>
    %dma_start3A_1297 = arith.constant 0 : i32
    %dma_start3A_1298 = tpu.memref_slice %arg6[%dma_start3A_1293, %dma_start3A_1297] : memref<3x128xi32, #tpu.memory_space<vmem>> -> memref<1x128xi32, #tpu.memory_space<vmem>>
    %dma_start3A_1299 = tpu.memref_squeeze %dma_start3A_1298 : memref<1x128xi32, #tpu.memory_space<vmem>> -> memref<128xi32, #tpu.memory_space<vmem>>
    %dma_start3A_1300 = arith.constant 0 : i32
    %dma_start3A_1301 = tpu.memref_slice %arg11[%dma_start3A_1300] : memref<262144xf32, #tpu.memory_space<vmem_shared>> -> memref<262144xf32, #tpu.memory_space<vmem_shared>>
    tpu.enqueue_indirect_dma source(%dma_start3A_1296 : memref<128xf32, #tpu.memory_space<vmem>>) target(%dma_start3A_1301 : memref<262144xf32, #tpu.memory_space<vmem_shared>>) offsets(%dma_start3A_1299 : memref<128xi32, #tpu.memory_space<vmem>>) semaphore(%arg12 : memref<!tpu.dma_semaphore, #tpu.memory_space<semaphore_mem>>) {add = true}
    %dma_start3A_1302 = arith.constant 2 : i32
    %dma_start3A_1303 = arith.constant 2 : i32
    %dma_start3A_1304 = arith.constant 0 : i32
    %dma_start3A_1305 = tpu.memref_slice %arg9[%dma_start3A_1302, %dma_start3A_1304] : memref<3x128xf32, #tpu.memory_space<vmem>> -> memref<1x128xf32, #tpu.memory_space<vmem>>
    %dma_start3A_1306 = tpu.memref_squeeze %dma_start3A_1305 : memref<1x128xf32, #tpu.memory_space<vmem>> -> memref<128xf32, #tpu.memory_space<vmem>>
    %dma_start3A_1307 = arith.constant 0 : i32
    %dma_start3A_1308 = tpu.memref_slice %arg7[%dma_start3A_1303, %dma_start3A_1307] : memref<3x128xi32, #tpu.memory_space<vmem>> -> memref<1x128xi32, #tpu.memory_space<vmem>>
    %dma_start3A_1309 = tpu.memref_squeeze %dma_start3A_1308 : memref<1x128xi32, #tpu.memory_space<vmem>> -> memref<128xi32, #tpu.memory_space<vmem>>
    %dma_start3A_1310 = arith.constant 0 : i32
    %dma_start3A_1311 = tpu.memref_slice %arg11[%dma_start3A_1310] : memref<262144xf32, #tpu.memory_space<vmem_shared>> -> memref<262144xf32, #tpu.memory_space<vmem_shared>>
    tpu.enqueue_indirect_dma source(%dma_start3A_1306 : memref<128xf32, #tpu.memory_space<vmem>>) target(%dma_start3A_1311 : memref<262144xf32, #tpu.memory_space<vmem_shared>>) offsets(%dma_start3A_1309 : memref<128xi32, #tpu.memory_space<vmem>>) semaphore(%arg13 : memref<!tpu.dma_semaphore, #tpu.memory_space<semaphore_mem>>) {add = true}
    %dma_wait3A_1312 = arith.constant 2 : i32
    %dma_wait3A_1313 = arith.constant 2 : i32
    %dma_wait3A_1314 = arith.constant 0 : i32
    %dma_wait3A_1315 = tpu.memref_slice %arg8[%dma_wait3A_1312, %dma_wait3A_1314] : memref<3x128xf32, #tpu.memory_space<vmem>> -> memref<1x128xf32, #tpu.memory_space<vmem>>
    %dma_wait3A_1316 = tpu.memref_squeeze %dma_wait3A_1315 : memref<1x128xf32, #tpu.memory_space<vmem>> -> memref<128xf32, #tpu.memory_space<vmem>>
    %dma_wait3A_1317 = arith.constant 0 : i32
    %dma_wait3A_1318 = tpu.memref_slice %arg6[%dma_wait3A_1313, %dma_wait3A_1317] : memref<3x128xi32, #tpu.memory_space<vmem>> -> memref<1x128xi32, #tpu.memory_space<vmem>>
    %dma_wait3A_1319 = tpu.memref_squeeze %dma_wait3A_1318 : memref<1x128xi32, #tpu.memory_space<vmem>> -> memref<128xi32, #tpu.memory_space<vmem>>
    %dma_wait3A_1320 = arith.constant 0 : i32
    %dma_wait3A_1321 = tpu.memref_slice %arg11[%dma_wait3A_1320] : memref<262144xf32, #tpu.memory_space<vmem_shared>> -> memref<262144xf32, #tpu.memory_space<vmem_shared>>
    tpu.wait_indirect_dma semaphore(%arg12 : memref<!tpu.dma_semaphore, #tpu.memory_space<semaphore_mem>>) src(%dma_wait3A_1316 : memref<128xf32, #tpu.memory_space<vmem>>) dst(%dma_wait3A_1321 : memref<262144xf32, #tpu.memory_space<vmem_shared>>)
    %dma_wait3A_1322 = arith.constant 2 : i32
    %dma_wait3A_1323 = arith.constant 2 : i32
    %dma_wait3A_1324 = arith.constant 0 : i32
    %dma_wait3A_1325 = tpu.memref_slice %arg9[%dma_wait3A_1322, %dma_wait3A_1324] : memref<3x128xf32, #tpu.memory_space<vmem>> -> memref<1x128xf32, #tpu.memory_space<vmem>>
    %dma_wait3A_1326 = tpu.memref_squeeze %dma_wait3A_1325 : memref<1x128xf32, #tpu.memory_space<vmem>> -> memref<128xf32, #tpu.memory_space<vmem>>
    %dma_wait3A_1327 = arith.constant 0 : i32
    %dma_wait3A_1328 = tpu.memref_slice %arg7[%dma_wait3A_1323, %dma_wait3A_1327] : memref<3x128xi32, #tpu.memory_space<vmem>> -> memref<1x128xi32, #tpu.memory_space<vmem>>
    %dma_wait3A_1329 = tpu.memref_squeeze %dma_wait3A_1328 : memref<1x128xi32, #tpu.memory_space<vmem>> -> memref<128xi32, #tpu.memory_space<vmem>>
    %dma_wait3A_1330 = arith.constant 0 : i32
    %dma_wait3A_1331 = tpu.memref_slice %arg11[%dma_wait3A_1330] : memref<262144xf32, #tpu.memory_space<vmem_shared>> -> memref<262144xf32, #tpu.memory_space<vmem_shared>>
    tpu.wait_indirect_dma semaphore(%arg13 : memref<!tpu.dma_semaphore, #tpu.memory_space<semaphore_mem>>) src(%dma_wait3A_1326 : memref<128xf32, #tpu.memory_space<vmem>>) dst(%dma_wait3A_1331 : memref<262144xf32, #tpu.memory_space<vmem_shared>>)
    %barrier3A_1332 = arith.constant 0 : index
    tpu.barrier barrier_id(%barrier3A_1332)
    %mul3A_1333 = arith.constant 16384 : i32
    %mul3A_1334 = arith.muli %arg1, %mul3A_1333 : i32
    %mul3A_1335 = arith.constant 16384 : i32
    %mul3A_1336 = arith.muli %arg1, %mul3A_1335 : i32
    "tpu.region"() ({
      %run_scoped3A = tpu.sem_alloc : memref<!tpu.dma_semaphore, #tpu.memory_space<semaphore_mem>>
      %dma_start3A_1337 = tpu.memref_slice %arg5[%arg0, %mul3A_1336] : memref<2x262144xf32, #tpu.memory_space<hbm>> -> memref<1x16384xf32, #tpu.memory_space<hbm>>
      %dma_start3A_1338 = tpu.memref_squeeze %dma_start3A_1337 : memref<1x16384xf32, #tpu.memory_space<hbm>> -> memref<16384xf32, #tpu.memory_space<hbm>>
      %dma_start3A_1339 = tpu.memref_slice %arg11[%mul3A_1334] : memref<262144xf32, #tpu.memory_space<vmem_shared>> -> memref<16384xf32, #tpu.memory_space<vmem_shared>>
      tpu.enqueue_dma source(%dma_start3A_1339 : memref<16384xf32, #tpu.memory_space<vmem_shared>>) target(%dma_start3A_1338 : memref<16384xf32, #tpu.memory_space<hbm>>) target_semaphore(%run_scoped3A : memref<!tpu.dma_semaphore, #tpu.memory_space<semaphore_mem>>)
      %dma_wait3A_1340 = tpu.memref_slice %arg5[%arg0, %mul3A_1336] : memref<2x262144xf32, #tpu.memory_space<hbm>> -> memref<1x16384xf32, #tpu.memory_space<hbm>>
      %dma_wait3A_1341 = tpu.memref_squeeze %dma_wait3A_1340 : memref<1x16384xf32, #tpu.memory_space<hbm>> -> memref<16384xf32, #tpu.memory_space<hbm>>
      %dma_wait3A_1342 = tpu.memref_slice %arg11[%mul3A_1334] : memref<262144xf32, #tpu.memory_space<vmem_shared>> -> memref<16384xf32, #tpu.memory_space<vmem_shared>>
      tpu.wait_dma2 semaphore(%run_scoped3A : memref<!tpu.dma_semaphore, #tpu.memory_space<semaphore_mem>>) src(%dma_wait3A_1342 : memref<16384xf32, #tpu.memory_space<vmem_shared>>) dst(%dma_wait3A_1341 : memref<16384xf32, #tpu.memory_space<hbm>>)
      tpu.yield
    }) : () -> ()
    return
  }
}

module attributes {stable_mosaic.version = 14 : i64} {
  func.func @_stage_a_body(%arg0: i32, %arg1: memref<1000x256xf32, #tpu.memory_space<vmem>>, %arg2: memref<1x1x1000xf32, #tpu.memory_space<vmem>>, %arg3: memref<1x1x1000xi32, #tpu.memory_space<vmem>>, %arg4: memref<1024x256xf32, #tpu.memory_space<vmem>>, %arg5: memref<1x1x1000xi32, #tpu.memory_space<vmem>>, %arg6: memref<128x256xf32, #tpu.memory_space<vmem>>, %arg7: memref<128x256xf32, #tpu.memory_space<vmem>>, %arg8: memref<128x1xf32, #tpu.memory_space<vmem>>, %arg9: memref<1x1xf32, #tpu.memory_space<vmem>>, %arg10: memref<1x1024xf32, #tpu.memory_space<vmem>>) attributes {dimension_semantics = [#tpu.dimension_semantics<arbitrary>], iteration_bounds = array<i64: 10>, scalar_prefetch = 0 : i64, scratch_operands = 1 : i64, tpu.core_type = #tpu.core_type<tc>, window_params = [{transform_indices = @transform_0, window_bounds = array<i64: 1000, 256>}, {transform_indices = @transform_1, window_bounds = array<i64: 1, 1, 1000>}, {transform_indices = @transform_2, window_bounds = array<i64: 1, 1, 1000>}, {pipeline_mode = #tpu.pipeline_mode<synchronous>, transform_indices = @transform_3, window_bounds = array<i64: 1024, 256>}, {transform_indices = @transform_4, window_bounds = array<i64: 1, 1, 1000>}, {pipeline_mode = #tpu.pipeline_mode<synchronous>, transform_indices = @transform_5, window_bounds = array<i64: 128, 256>}, {pipeline_mode = #tpu.pipeline_mode<synchronous>, transform_indices = @transform_6, window_bounds = array<i64: 128, 256>}, {pipeline_mode = #tpu.pipeline_mode<synchronous>, transform_indices = @transform_7, window_bounds = array<i64: 128, 1>}, {pipeline_mode = #tpu.pipeline_mode<synchronous>, transform_indices = @transform_8, window_bounds = array<i64: 1, 1>}]} {
    %eq3A = arith.constant 0 : i32
    %eq3A_0 = arith.cmpi eq, %arg0, %eq3A : i32
    %convert_element_type3A = arith.extui %eq3A_0 : i1 to i32
    %cond3A = arith.constant 0 : i32
    %cond3A_1 = arith.cmpi ne, %convert_element_type3A, %cond3A : i32
    scf.if %cond3A_1 {
      %broadcast_in_dim3A_114 = arith.constant 0.000000e+00 : f32
      %broadcast_in_dim3A_115 = vector.broadcast %broadcast_in_dim3A_114 : f32 to vector<128x256xf32>
      %swap3A_116 = arith.constant 0 : index
      %swap3A_117 = arith.constant 0 : index
      %swap3A_118 = vector.load %arg6[%swap3A_116, %swap3A_117] : memref<128x256xf32, #tpu.memory_space<vmem>>, vector<128x256xf32>
      tpu.vector_store %arg6[%swap3A_116, %swap3A_117], %broadcast_in_dim3A_115 {strides = array<i32>} : memref<128x256xf32, #tpu.memory_space<vmem>>, vector<128x256xf32>,
      %broadcast_in_dim3A_119 = arith.constant 0.000000e+00 : f32
      %broadcast_in_dim3A_120 = vector.broadcast %broadcast_in_dim3A_119 : f32 to vector<128x256xf32>
      %swap3A_121 = arith.constant 0 : index
      %swap3A_122 = arith.constant 0 : index
      %swap3A_123 = vector.load %arg7[%swap3A_121, %swap3A_122] : memref<128x256xf32, #tpu.memory_space<vmem>>, vector<128x256xf32>
      tpu.vector_store %arg7[%swap3A_121, %swap3A_122], %broadcast_in_dim3A_120 {strides = array<i32>} : memref<128x256xf32, #tpu.memory_space<vmem>>, vector<128x256xf32>,
      %broadcast_in_dim3A_124 = arith.constant 0.000000e+00 : f32
      %broadcast_in_dim3A_125 = vector.broadcast %broadcast_in_dim3A_124 : f32 to vector<128x1xf32>
      %swap3A_126 = arith.constant 0 : index
      %swap3A_127 = arith.constant 0 : index
      %swap3A_128 = vector.load %arg8[%swap3A_126, %swap3A_127] : memref<128x1xf32, #tpu.memory_space<vmem>>, vector<128x1xf32>
      tpu.vector_store %arg8[%swap3A_126, %swap3A_127], %broadcast_in_dim3A_125 {strides = array<i32>} : memref<128x1xf32, #tpu.memory_space<vmem>>, vector<128x1xf32>,
      %broadcast_in_dim3A_129 = arith.constant 0.000000e+00 : f32
      %broadcast_in_dim3A_130 = vector.broadcast %broadcast_in_dim3A_129 : f32 to vector<1x1xf32>
      %swap3A_131 = arith.constant 0 : index
      %swap3A_132 = arith.constant 0 : index
      %swap3A_133 = vector.load %arg9[%swap3A_131, %swap3A_132] : memref<1x1xf32, #tpu.memory_space<vmem>>, vector<1x1xf32>
      tpu.vector_store %arg9[%swap3A_131, %swap3A_132], %broadcast_in_dim3A_130 {strides = array<i32>} : memref<1x1xf32, #tpu.memory_space<vmem>>, vector<1x1xf32>,
      %get3A_134 = arith.constant 0 : index
      %get3A_135 = arith.constant 0 : index
      %get3A_136 = vector.load %arg4[%get3A_134, %get3A_135] : memref<1024x256xf32, #tpu.memory_space<vmem>>, vector<1024x256xf32>
      %get3A_137 = arith.constant 0 : index
      %get3A_138 = arith.constant 0 : index
      %get3A_139 = vector.load %arg4[%get3A_137, %get3A_138] : memref<1024x256xf32, #tpu.memory_space<vmem>>, vector<1024x256xf32>
      %mul3A_140 = arith.mulf %get3A_136, %get3A_139 : vector<1024x256xf32>
      %convert_element_type3A_141 = arith.truncf %mul3A_140 : vector<1024x256xf32> to vector<1024x256xbf16>
      %convert_element_type3A_142 = arith.extf %convert_element_type3A_141 : vector<1024x256xbf16> to vector<1024x256xf32>
      %sub3A_143 = arith.subf %mul3A_140, %convert_element_type3A_142 : vector<1024x256xf32>
      %convert_element_type3A_144 = arith.truncf %sub3A_143 : vector<1024x256xf32> to vector<1024x256xbf16>
      %convert_element_type3A_145 = arith.extf %convert_element_type3A_144 : vector<1024x256xbf16> to vector<1024x256xf32>
      %sub3A_146 = arith.subf %sub3A_143, %convert_element_type3A_145 : vector<1024x256xf32>
      %convert_element_type3A_147 = arith.truncf %sub3A_146 : vector<1024x256xf32> to vector<1024x256xbf16>
      %broadcast_in_dim3A_148 = arith.constant 1.000000e+00 : bf16
      %broadcast_in_dim3A_149 = vector.broadcast %broadcast_in_dim3A_148 : bf16 to vector<1x256xbf16>
      %dot_general3A_150 = arith.constant dense<0.000000e+00> : vector<1x1024xf32>
      %dot_general3A_151 = tpu.matmul %broadcast_in_dim3A_149, %convert_element_type3A_147, %dot_general3A_150 {dimension_numbers = #tpu.dot_dimension_numbers<[1], [1], [0], [0], [0, 0, 1, 0], [], []>, transpose_lhs_hint = false} : vector<1x256xbf16>, vector<1024x256xbf16>, vector<1x1024xf32> -> vector<1x1024xf32>
      %dot_general3A_152 = arith.constant dense<0.000000e+00> : vector<1x1024xf32>
      %dot_general3A_153 = tpu.matmul %broadcast_in_dim3A_149, %convert_element_type3A_144, %dot_general3A_152 {dimension_numbers = #tpu.dot_dimension_numbers<[1], [1], [0], [0], [0, 0, 1, 0], [], []>, transpose_lhs_hint = false} : vector<1x256xbf16>, vector<1024x256xbf16>, vector<1x1024xf32> -> vector<1x1024xf32>
      %add3A_154 = arith.addf %dot_general3A_151, %dot_general3A_153 : vector<1x1024xf32>
      %dot_general3A_155 = arith.constant dense<0.000000e+00> : vector<1x1024xf32>
      %dot_general3A_156 = tpu.matmul %broadcast_in_dim3A_149, %convert_element_type3A_141, %dot_general3A_155 {dimension_numbers = #tpu.dot_dimension_numbers<[1], [1], [0], [0], [0, 0, 1, 0], [], []>, transpose_lhs_hint = false} : vector<1x256xbf16>, vector<1024x256xbf16>, vector<1x1024xf32> -> vector<1x1024xf32>
      %add3A_157 = arith.addf %add3A_154, %dot_general3A_156 : vector<1x1024xf32>
      %swap3A_158 = arith.constant 0 : index
      %swap3A_159 = arith.constant 0 : index
      %swap3A_160 = vector.load %arg10[%swap3A_158, %swap3A_159] : memref<1x1024xf32, #tpu.memory_space<vmem>>, vector<1x1024xf32>
      tpu.vector_store %arg10[%swap3A_158, %swap3A_159], %add3A_157 {strides = array<i32>} : memref<1x1024xf32, #tpu.memory_space<vmem>>, vector<1x1024xf32>,
    } else {
    }
    %get3A = arith.constant 0 : index
    %get3A_2 = arith.constant 0 : index
    %get3A_3 = vector.load %arg1[%get3A, %get3A_2] : memref<1000x256xf32, #tpu.memory_space<vmem>>, vector<1000x256xf32>
    %get3A_4 = arith.constant 0 : index
    %get3A_5 = arith.constant 0 : index
    %get3A_6 = vector.load %arg4[%get3A_4, %get3A_5] : memref<1024x256xf32, #tpu.memory_space<vmem>>, vector<1024x256xf32>
    %dot_general3A = arith.constant dense<0.000000e+00> : vector<1000x1024xf32>
    %dot_general3A_7 = tpu.matmul %get3A_3, %get3A_6, %dot_general3A {dimension_numbers = #tpu.dot_dimension_numbers<[1], [1], [0], [0], [0, 0, 1, 0], [], []>, transpose_lhs_hint = false} : vector<1000x256xf32>, vector<1024x256xf32>, vector<1000x1024xf32> -> vector<1000x1024xf32>
    %mul3A = arith.mulf %get3A_3, %get3A_3 : vector<1000x256xf32>
    %reduce_sum3A = arith.constant dense<0.000000e+00> : vector<1000xf32>
    %reduce_sum3A_8 = vector.multi_reduction <add>, %mul3A, %reduce_sum3A [1] : vector<1000x256xf32> to vector<1000xf32>
    %broadcast_in_dim3A = vector.shape_cast %reduce_sum3A_8 : vector<1000xf32> to vector<1000x1xf32>
    %mul3A_9 = arith.constant 2.000000e+00 : f32
    %mul3A_10 = vector.broadcast %mul3A_9 : f32 to vector<1000x1024xf32>
    %mul3A_11 = arith.mulf %mul3A_10, %dot_general3A_7 : vector<1000x1024xf32>
    %sub3A = vector.broadcast %broadcast_in_dim3A : vector<1000x1xf32> to vector<1000x1024xf32>
    %sub3A_12 = arith.subf %sub3A, %mul3A_11 : vector<1000x1024xf32>
    %get3A_13 = arith.constant 0 : index
    %get3A_14 = arith.constant 0 : index
    %get3A_15 = vector.load %arg10[%get3A_13, %get3A_14] : memref<1x1024xf32, #tpu.memory_space<vmem>>, vector<1x1024xf32>
    %add3A = vector.broadcast %get3A_15 : vector<1x1024xf32> to vector<1000x1024xf32>
    %add3A_16 = arith.addf %sub3A_12, %add3A : vector<1000x1024xf32>
    %reduce_min3A = arith.constant dense<0x7F800000> : vector<1000xf32>
    %reduce_min3A_17 = vector.multi_reduction <minimumf>, %add3A_16, %reduce_min3A [1] : vector<1000x1024xf32> to vector<1000xf32>
    %broadcast_in_dim3A_18 = vector.shape_cast %reduce_min3A_17 : vector<1000xf32> to vector<1000x1xf32>
    %iota3A = tpu.iota {dimensions = array<i32: 1>} : vector<1000x1024xi32>
    %eq3A_19 = vector.broadcast %broadcast_in_dim3A_18 : vector<1000x1xf32> to vector<1000x1024xf32>
    %eq3A_20 = arith.cmpf oeq, %add3A_16, %eq3A_19 : vector<1000x1024xf32>
    %jit3A = arith.constant 1024 : i32
    %broadcast_in_dim3A_21 = vector.broadcast %jit3A : i32 to vector<1000x1024xi32>
    %select_n3A = arith.select %eq3A_20, %iota3A, %broadcast_in_dim3A_21 : vector<1000x1024xi1>, vector<1000x1024xi32>
    %reduce_min3A_22 = arith.constant dense<2147483647> : vector<1000xi32>
    %reduce_min3A_23 = vector.multi_reduction <minsi>, %select_n3A, %reduce_min3A_22 [1] : vector<1000x1024xi32> to vector<1000xi32>
    %broadcast_in_dim3A_24 = vector.shape_cast %reduce_min3A_23 : vector<1000xi32> to vector<1000x1xi32>
    %get3A_25 = arith.constant 0 : index
    %get3A_26 = arith.constant 0 : index
    %get3A_27 = arith.constant 0 : index
    %get3A_28 = vector.load %arg3[%get3A_25, %get3A_26, %get3A_27] : memref<1x1x1000xi32, #tpu.memory_space<vmem>>, vector<1x1x1000xi32>
    %get3A_29 = vector.shape_cast %get3A_28 : vector<1x1x1000xi32> to vector<1x1000xi32>
    %mul3A_30 = arith.constant 1024 : i32
    %mul3A_31 = vector.broadcast %mul3A_30 : i32 to vector<1x1000xi32>
    %mul3A_32 = arith.muli %get3A_29, %mul3A_31 : vector<1x1000xi32>
    %transpose3A = tpu.transpose %broadcast_in_dim3A_24, [1, 0] : vector<1000x1xi32> -> vector<1x1000xi32>
    %add3A_33 = arith.addi %mul3A_32, %transpose3A : vector<1x1000xi32>
    %swap3A = arith.constant 0 : index
    %swap3A_34 = arith.constant 0 : index
    %swap3A_35 = arith.constant 0 : index
    %swap3A_36 = vector.load %arg5[%swap3A, %swap3A_34, %swap3A_35] : memref<1x1x1000xi32, #tpu.memory_space<vmem>>, vector<1x1x1000xi32>
    %swap3A_37 = vector.shape_cast %swap3A_36 : vector<1x1x1000xi32> to vector<1x1000xi32>
    %swap3A_38 = vector.shape_cast %add3A_33 : vector<1x1000xi32> to vector<1x1x1000xi32>
    tpu.vector_store %arg5[%swap3A, %swap3A_34, %swap3A_35], %swap3A_38 {strides = array<i32>} : memref<1x1x1000xi32, #tpu.memory_space<vmem>>, vector<1x1x1000xi32>,
    %get3A_39 = arith.constant 0 : index
    %get3A_40 = arith.constant 0 : index
    %get3A_41 = vector.load %arg9[%get3A_39, %get3A_40] : memref<1x1xf32, #tpu.memory_space<vmem>>, vector<1x1xf32>
    %reduce_sum3A_42 = vector.shape_cast %broadcast_in_dim3A_18 : vector<1000x1xf32> to vector<1x1000x1xf32>
    %reduce_sum3A_43 = arith.constant dense<0.000000e+00> : vector<1xf32>
    %reduce_sum3A_44 = vector.multi_reduction <add>, %reduce_sum3A_42, %reduce_sum3A_43 [1, 2] : vector<1x1000x1xf32> to vector<1xf32>
    %reduce_sum3A_45 = vector.shape_cast %reduce_sum3A_44 : vector<1xf32> to vector<1x1x1xf32>
    %reduce_sum3A_46 = vector.extract %reduce_sum3A_45[0, 0, 0] : f32 from vector<1x1x1xf32>
    %reshape3A = vector.broadcast %reduce_sum3A_46 : f32 to vector<1x1xf32>
    %add3A_47 = arith.addf %get3A_41, %reshape3A : vector<1x1xf32>
    %swap3A_48 = arith.constant 0 : index
    %swap3A_49 = arith.constant 0 : index
    %swap3A_50 = vector.load %arg9[%swap3A_48, %swap3A_49] : memref<1x1xf32, #tpu.memory_space<vmem>>, vector<1x1xf32>
    tpu.vector_store %arg9[%swap3A_48, %swap3A_49], %add3A_47 {strides = array<i32>} : memref<1x1xf32, #tpu.memory_space<vmem>>, vector<1x1xf32>,
    %get3A_51 = arith.constant 0 : index
    %get3A_52 = arith.constant 0 : index
    %get3A_53 = arith.constant 0 : index
    %get3A_54 = vector.load %arg2[%get3A_51, %get3A_52, %get3A_53] : memref<1x1x1000xf32, #tpu.memory_space<vmem>>, vector<1x1x1000xf32>
    %get3A_55 = vector.shape_cast %get3A_54 : vector<1x1x1000xf32> to vector<1x1000xf32>
    %iota3A_56 = tpu.iota {dimensions = array<i32: 0>} : vector<128x1000xi32>
    %eq3A_57 = vector.broadcast %get3A_29 : vector<1x1000xi32> to vector<128x1000xi32>
    %eq3A_58 = arith.cmpi eq, %iota3A_56, %eq3A_57 : vector<128x1000xi32>
    %convert_element_type3A_59 = arith.extui %eq3A_58 : vector<128x1000xi1> to vector<128x1000xi32>
    %convert_element_type3A_60 = arith.sitofp %convert_element_type3A_59 : vector<128x1000xi32> to vector<128x1000xf32>
    %convert_element_type3A_61 = arith.truncf %convert_element_type3A_60 : vector<128x1000xf32> to vector<128x1000xbf16>
    %convert_element_type3A_62 = arith.truncf %get3A_3 : vector<1000x256xf32> to vector<1000x256xbf16>
    %convert_element_type3A_63 = arith.extf %convert_element_type3A_62 : vector<1000x256xbf16> to vector<1000x256xf32>
    %sub3A_64 = arith.subf %get3A_3, %convert_element_type3A_63 : vector<1000x256xf32>
    %convert_element_type3A_65 = arith.truncf %sub3A_64 : vector<1000x256xf32> to vector<1000x256xbf16>
    %convert_element_type3A_66 = arith.truncf %get3A_55 : vector<1x1000xf32> to vector<1x1000xbf16>
    %convert_element_type3A_67 = arith.extf %convert_element_type3A_66 : vector<1x1000xbf16> to vector<1x1000xf32>
    %sub3A_68 = arith.subf %get3A_55, %convert_element_type3A_67 : vector<1x1000xf32>
    %convert_element_type3A_69 = arith.truncf %sub3A_68 : vector<1x1000xf32> to vector<1x1000xbf16>
    %get3A_70 = arith.constant 0 : index
    %get3A_71 = arith.constant 0 : index
    %get3A_72 = vector.load %arg6[%get3A_70, %get3A_71] : memref<128x256xf32, #tpu.memory_space<vmem>>, vector<128x256xf32>
    %mul3A_73 = vector.broadcast %convert_element_type3A_69 : vector<1x1000xbf16> to vector<128x1000xbf16>
    %mul3A_74 = arith.mulf %convert_element_type3A_61, %mul3A_73 : vector<128x1000xbf16>
    %dot_general3A_75 = arith.constant dense<0.000000e+00> : vector<128x256xf32>
    %dot_general3A_76 = tpu.matmul %mul3A_74, %convert_element_type3A_62, %dot_general3A_75 {dimension_numbers = #tpu.dot_dimension_numbers<[1], [0], [0], [1], [0, 0, 1, 1], [], []>, transpose_lhs_hint = false} : vector<128x1000xbf16>, vector<1000x256xbf16>, vector<128x256xf32> -> vector<128x256xf32>
    %mul3A_77 = vector.broadcast %convert_element_type3A_66 : vector<1x1000xbf16> to vector<128x1000xbf16>
    %mul3A_78 = arith.mulf %convert_element_type3A_61, %mul3A_77 : vector<128x1000xbf16>
    %dot_general3A_79 = arith.constant dense<0.000000e+00> : vector<128x256xf32>
    %dot_general3A_80 = tpu.matmul %mul3A_78, %convert_element_type3A_65, %dot_general3A_79 {dimension_numbers = #tpu.dot_dimension_numbers<[1], [0], [0], [1], [0, 0, 1, 1], [], []>, transpose_lhs_hint = false} : vector<128x1000xbf16>, vector<1000x256xbf16>, vector<128x256xf32> -> vector<128x256xf32>
    %add3A_81 = arith.addf %dot_general3A_76, %dot_general3A_80 : vector<128x256xf32>
    %mul3A_82 = vector.broadcast %convert_element_type3A_66 : vector<1x1000xbf16> to vector<128x1000xbf16>
    %mul3A_83 = arith.mulf %convert_element_type3A_61, %mul3A_82 : vector<128x1000xbf16>
    %dot_general3A_84 = arith.constant dense<0.000000e+00> : vector<128x256xf32>
    %dot_general3A_85 = tpu.matmul %mul3A_83, %convert_element_type3A_62, %dot_general3A_84 {dimension_numbers = #tpu.dot_dimension_numbers<[1], [0], [0], [1], [0, 0, 1, 1], [], []>, transpose_lhs_hint = false} : vector<128x1000xbf16>, vector<1000x256xbf16>, vector<128x256xf32> -> vector<128x256xf32>
    %add3A_86 = arith.addf %add3A_81, %dot_general3A_85 : vector<128x256xf32>
    %add3A_87 = arith.addf %get3A_72, %add3A_86 : vector<128x256xf32>
    %swap3A_88 = arith.constant 0 : index
    %swap3A_89 = arith.constant 0 : index
    %swap3A_90 = vector.load %arg6[%swap3A_88, %swap3A_89] : memref<128x256xf32, #tpu.memory_space<vmem>>, vector<128x256xf32>
    tpu.vector_store %arg6[%swap3A_88, %swap3A_89], %add3A_87 {strides = array<i32>} : memref<128x256xf32, #tpu.memory_space<vmem>>, vector<128x256xf32>,
    %get3A_91 = arith.constant 0 : index
    %get3A_92 = arith.constant 0 : index
    %get3A_93 = vector.load %arg7[%get3A_91, %get3A_92] : memref<128x256xf32, #tpu.memory_space<vmem>>, vector<128x256xf32>
    %dot_general3A_94 = arith.constant dense<0.000000e+00> : vector<128x256xf32>
    %dot_general3A_95 = tpu.matmul %convert_element_type3A_61, %convert_element_type3A_65, %dot_general3A_94 {dimension_numbers = #tpu.dot_dimension_numbers<[1], [0], [0], [1], [0, 0, 1, 1], [], []>, transpose_lhs_hint = false} : vector<128x1000xbf16>, vector<1000x256xbf16>, vector<128x256xf32> -> vector<128x256xf32>
    %dot_general3A_96 = arith.constant dense<0.000000e+00> : vector<128x256xf32>
    %dot_general3A_97 = tpu.matmul %convert_element_type3A_61, %convert_element_type3A_62, %dot_general3A_96 {dimension_numbers = #tpu.dot_dimension_numbers<[1], [0], [0], [1], [0, 0, 1, 1], [], []>, transpose_lhs_hint = false} : vector<128x1000xbf16>, vector<1000x256xbf16>, vector<128x256xf32> -> vector<128x256xf32>
    %add3A_98 = arith.addf %dot_general3A_95, %dot_general3A_97 : vector<128x256xf32>
    %add3A_99 = arith.addf %get3A_93, %add3A_98 : vector<128x256xf32>
    %swap3A_100 = arith.constant 0 : index
    %swap3A_101 = arith.constant 0 : index
    %swap3A_102 = vector.load %arg7[%swap3A_100, %swap3A_101] : memref<128x256xf32, #tpu.memory_space<vmem>>, vector<128x256xf32>
    tpu.vector_store %arg7[%swap3A_100, %swap3A_101], %add3A_99 {strides = array<i32>} : memref<128x256xf32, #tpu.memory_space<vmem>>, vector<128x256xf32>,
    %get3A_103 = arith.constant 0 : index
    %get3A_104 = arith.constant 0 : index
    %get3A_105 = vector.load %arg8[%get3A_103, %get3A_104] : memref<128x1xf32, #tpu.memory_space<vmem>>, vector<128x1xf32>
    %broadcast_in_dim3A_106 = arith.constant 1.000000e+00 : bf16
    %broadcast_in_dim3A_107 = vector.broadcast %broadcast_in_dim3A_106 : bf16 to vector<1000x1xbf16>
    %dot_general3A_108 = arith.constant dense<0.000000e+00> : vector<128x1xf32>
    %dot_general3A_109 = tpu.matmul %convert_element_type3A_61, %broadcast_in_dim3A_107, %dot_general3A_108 {dimension_numbers = #tpu.dot_dimension_numbers<[1], [0], [0], [1], [0, 0, 1, 1], [], []>, transpose_lhs_hint = false} : vector<128x1000xbf16>, vector<1000x1xbf16>, vector<128x1xf32> -> vector<128x1xf32>
    %add3A_110 = arith.addf %get3A_105, %dot_general3A_109 : vector<128x1xf32>
    %swap3A_111 = arith.constant 0 : index
    %swap3A_112 = arith.constant 0 : index
    %swap3A_113 = vector.load %arg8[%swap3A_111, %swap3A_112] : memref<128x1xf32, #tpu.memory_space<vmem>>, vector<128x1xf32>
    tpu.vector_store %arg8[%swap3A_111, %swap3A_112], %add3A_110 {strides = array<i32>} : memref<128x1xf32, #tpu.memory_space<vmem>>, vector<128x1xf32>,
    return
  }
  func.func @transform_0(%arg0: i32) -> (i32, i32) {
    %c0_i32 = arith.constant 0 : i32
    %c0_i32_0 = arith.constant 0 : i32
    return %arg0, %c0_i32 : i32, i32
  }
  func.func @transform_1(%arg0: i32) -> (i32, i32, i32) {
    %c0_i32 = arith.constant 0 : i32
    %c0_i32_0 = arith.constant 0 : i32
    %c0_i32_1 = arith.constant 0 : i32
    return %arg0, %c0_i32, %c0_i32_0 : i32, i32, i32
  }
  func.func @transform_2(%arg0: i32) -> (i32, i32, i32) {
    %c0_i32 = arith.constant 0 : i32
    %c0_i32_0 = arith.constant 0 : i32
    %c0_i32_1 = arith.constant 0 : i32
    return %arg0, %c0_i32, %c0_i32_0 : i32, i32, i32
  }
  func.func @transform_3(%arg0: i32) -> (i32, i32) {
    %c0_i32 = arith.constant 0 : i32
    %c0_i32_0 = arith.constant 0 : i32
    %c0_i32_1 = arith.constant 0 : i32
    return %c0_i32, %c0_i32_0 : i32, i32
  }
  func.func @transform_4(%arg0: i32) -> (i32, i32, i32) {
    %c0_i32 = arith.constant 0 : i32
    %c0_i32_0 = arith.constant 0 : i32
    %c0_i32_1 = arith.constant 0 : i32
    return %arg0, %c0_i32, %c0_i32_0 : i32, i32, i32
  }
  func.func @transform_5(%arg0: i32) -> (i32, i32) {
    %c0_i32 = arith.constant 0 : i32
    %c0_i32_0 = arith.constant 0 : i32
    %c0_i32_1 = arith.constant 0 : i32
    return %c0_i32, %c0_i32_0 : i32, i32
  }
  func.func @transform_6(%arg0: i32) -> (i32, i32) {
    %c0_i32 = arith.constant 0 : i32
    %c0_i32_0 = arith.constant 0 : i32
    %c0_i32_1 = arith.constant 0 : i32
    return %c0_i32, %c0_i32_0 : i32, i32
  }
  func.func @transform_7(%arg0: i32) -> (i32, i32) {
    %c0_i32 = arith.constant 0 : i32
    %c0_i32_0 = arith.constant 0 : i32
    %c0_i32_1 = arith.constant 0 : i32
    return %c0_i32, %c0_i32_0 : i32, i32
  }
  func.func @transform_8(%arg0: i32) -> (i32, i32) {
    %c0_i32 = arith.constant 0 : i32
    %c0_i32_0 = arith.constant 0 : i32
    %c0_i32_1 = arith.constant 0 : i32
    return %c0_i32, %c0_i32_0 : i32, i32
  }
}

module attributes {stable_mosaic.version = 14 : i64} {
  func.func @_stage_c_body(%arg0: memref<2x2x128x1024xf32, #tpu.memory_space<vmem>>, %arg1: memref<1024x256xf32, #tpu.memory_space<vmem>>, %arg2: memref<128x256xf32, #tpu.memory_space<vmem>>, %arg3: memref<128x256xf32, #tpu.memory_space<vmem>>, %arg4: memref<128x1xf32, #tpu.memory_space<vmem>>, %arg5: memref<1x1xf32, #tpu.memory_space<vmem>>, %arg6: memref<256x10xf32, #tpu.memory_space<vmem>>, %arg7: memref<1x10xf32, #tpu.memory_space<vmem>>, %arg8: memref<128x10xf32, #tpu.memory_space<vmem>>, %arg9: memref<128x256xf32, #tpu.memory_space<vmem>>, %arg10: memref<128x256xf32, #tpu.memory_space<vmem>>, %arg11: memref<1x1xf32, #tpu.memory_space<vmem>>) attributes {dimension_semantics = [], scalar_prefetch = 0 : i64, scratch_operands = 0 : i64, tpu.core_type = #tpu.core_type<tc>} {
    %get3A = arith.constant 0 : index
    %get3A_0 = arith.constant 0 : index
    %get3A_1 = arith.constant 0 : index
    %get3A_2 = arith.constant 0 : index
    %get3A_3 = vector.load %arg0[%get3A, %get3A_0, %get3A_1, %get3A_2] : memref<2x2x128x1024xf32, #tpu.memory_space<vmem>>, vector<1x1x128x1024xf32>
    %get3A_4 = vector.shape_cast %get3A_3 : vector<1x1x128x1024xf32> to vector<128x1024xf32>
    %get3A_5 = arith.constant 1 : index
    %get3A_6 = arith.constant 0 : index
    %get3A_7 = arith.constant 0 : index
    %get3A_8 = arith.constant 0 : index
    %get3A_9 = vector.load %arg0[%get3A_5, %get3A_6, %get3A_7, %get3A_8] : memref<2x2x128x1024xf32, #tpu.memory_space<vmem>>, vector<1x1x128x1024xf32>
    %get3A_10 = vector.shape_cast %get3A_9 : vector<1x1x128x1024xf32> to vector<128x1024xf32>
    %add3A = arith.addf %get3A_4, %get3A_10 : vector<128x1024xf32>
    %get3A_11 = arith.constant 0 : index
    %get3A_12 = arith.constant 1 : index
    %get3A_13 = arith.constant 0 : index
    %get3A_14 = arith.constant 0 : index
    %get3A_15 = vector.load %arg0[%get3A_11, %get3A_12, %get3A_13, %get3A_14] : memref<2x2x128x1024xf32, #tpu.memory_space<vmem>>, vector<1x1x128x1024xf32>
    %get3A_16 = vector.shape_cast %get3A_15 : vector<1x1x128x1024xf32> to vector<128x1024xf32>
    %get3A_17 = arith.constant 1 : index
    %get3A_18 = arith.constant 1 : index
    %get3A_19 = arith.constant 0 : index
    %get3A_20 = arith.constant 0 : index
    %get3A_21 = vector.load %arg0[%get3A_17, %get3A_18, %get3A_19, %get3A_20] : memref<2x2x128x1024xf32, #tpu.memory_space<vmem>>, vector<1x1x128x1024xf32>
    %get3A_22 = vector.shape_cast %get3A_21 : vector<1x1x128x1024xf32> to vector<128x1024xf32>
    %add3A_23 = arith.addf %get3A_16, %get3A_22 : vector<128x1024xf32>
    %get3A_24 = arith.constant 0 : index
    %get3A_25 = arith.constant 0 : index
    %get3A_26 = vector.load %arg1[%get3A_24, %get3A_25] : memref<1024x256xf32, #tpu.memory_space<vmem>>, vector<1024x256xf32>
    %convert_element_type3A = arith.truncf %get3A_26 : vector<1024x256xf32> to vector<1024x256xbf16>
    %convert_element_type3A_27 = arith.extf %convert_element_type3A : vector<1024x256xbf16> to vector<1024x256xf32>
    %sub3A = arith.subf %get3A_26, %convert_element_type3A_27 : vector<1024x256xf32>
    %convert_element_type3A_28 = arith.truncf %sub3A : vector<1024x256xf32> to vector<1024x256xbf16>
    %convert_element_type3A_29 = arith.truncf %add3A : vector<128x1024xf32> to vector<128x1024xbf16>
    %convert_element_type3A_30 = arith.extf %convert_element_type3A_29 : vector<128x1024xbf16> to vector<128x1024xf32>
    %sub3A_31 = arith.subf %add3A, %convert_element_type3A_30 : vector<128x1024xf32>
    %convert_element_type3A_32 = arith.truncf %sub3A_31 : vector<128x1024xf32> to vector<128x1024xbf16>
    %convert_element_type3A_33 = arith.truncf %add3A_23 : vector<128x1024xf32> to vector<128x1024xbf16>
    %convert_element_type3A_34 = arith.extf %convert_element_type3A_33 : vector<128x1024xbf16> to vector<128x1024xf32>
    %sub3A_35 = arith.subf %add3A_23, %convert_element_type3A_34 : vector<128x1024xf32>
    %convert_element_type3A_36 = arith.truncf %sub3A_35 : vector<128x1024xf32> to vector<128x1024xbf16>
    %dot_general3A = arith.constant dense<0.000000e+00> : vector<128x256xf32>
    %dot_general3A_37 = tpu.matmul %convert_element_type3A_32, %convert_element_type3A, %dot_general3A {dimension_numbers = #tpu.dot_dimension_numbers<[1], [0], [0], [1], [0, 0, 1, 1], [], []>, transpose_lhs_hint = false} : vector<128x1024xbf16>, vector<1024x256xbf16>, vector<128x256xf32> -> vector<128x256xf32>
    %dot_general3A_38 = arith.constant dense<0.000000e+00> : vector<128x256xf32>
    %dot_general3A_39 = tpu.matmul %convert_element_type3A_29, %convert_element_type3A_28, %dot_general3A_38 {dimension_numbers = #tpu.dot_dimension_numbers<[1], [0], [0], [1], [0, 0, 1, 1], [], []>, transpose_lhs_hint = false} : vector<128x1024xbf16>, vector<1024x256xbf16>, vector<128x256xf32> -> vector<128x256xf32>
    %add3A_40 = arith.addf %dot_general3A_37, %dot_general3A_39 : vector<128x256xf32>
    %dot_general3A_41 = arith.constant dense<0.000000e+00> : vector<128x256xf32>
    %dot_general3A_42 = tpu.matmul %convert_element_type3A_29, %convert_element_type3A, %dot_general3A_41 {dimension_numbers = #tpu.dot_dimension_numbers<[1], [0], [0], [1], [0, 0, 1, 1], [], []>, transpose_lhs_hint = false} : vector<128x1024xbf16>, vector<1024x256xbf16>, vector<128x256xf32> -> vector<128x256xf32>
    %add3A_43 = arith.addf %add3A_40, %dot_general3A_42 : vector<128x256xf32>
    %dot_general3A_44 = arith.constant dense<0.000000e+00> : vector<128x256xf32>
    %dot_general3A_45 = tpu.matmul %convert_element_type3A_36, %convert_element_type3A, %dot_general3A_44 {dimension_numbers = #tpu.dot_dimension_numbers<[1], [0], [0], [1], [0, 0, 1, 1], [], []>, transpose_lhs_hint = false} : vector<128x1024xbf16>, vector<1024x256xbf16>, vector<128x256xf32> -> vector<128x256xf32>
    %dot_general3A_46 = arith.constant dense<0.000000e+00> : vector<128x256xf32>
    %dot_general3A_47 = tpu.matmul %convert_element_type3A_33, %convert_element_type3A_28, %dot_general3A_46 {dimension_numbers = #tpu.dot_dimension_numbers<[1], [0], [0], [1], [0, 0, 1, 1], [], []>, transpose_lhs_hint = false} : vector<128x1024xbf16>, vector<1024x256xbf16>, vector<128x256xf32> -> vector<128x256xf32>
    %add3A_48 = arith.addf %dot_general3A_45, %dot_general3A_47 : vector<128x256xf32>
    %dot_general3A_49 = arith.constant dense<0.000000e+00> : vector<128x256xf32>
    %dot_general3A_50 = tpu.matmul %convert_element_type3A_33, %convert_element_type3A, %dot_general3A_49 {dimension_numbers = #tpu.dot_dimension_numbers<[1], [0], [0], [1], [0, 0, 1, 1], [], []>, transpose_lhs_hint = false} : vector<128x1024xbf16>, vector<1024x256xbf16>, vector<128x256xf32> -> vector<128x256xf32>
    %add3A_51 = arith.addf %add3A_48, %dot_general3A_50 : vector<128x256xf32>
    %get3A_52 = arith.constant 0 : index
    %get3A_53 = arith.constant 0 : index
    %get3A_54 = vector.load %arg4[%get3A_52, %get3A_53] : memref<128x1xf32, #tpu.memory_space<vmem>>, vector<128x1xf32>
    %max3A = arith.constant 1.000000e+00 : f32
    %max3A_55 = vector.broadcast %max3A : f32 to vector<128x1xf32>
    %max3A_56 = arith.maximumf %get3A_54, %max3A_55 : vector<128x1xf32>
    %get3A_57 = arith.constant 0 : index
    %get3A_58 = arith.constant 0 : index
    %get3A_59 = vector.load %arg2[%get3A_57, %get3A_58] : memref<128x256xf32, #tpu.memory_space<vmem>>, vector<128x256xf32>
    %add3A_60 = arith.addf %get3A_59, %add3A_43 : vector<128x256xf32>
    %div3A = vector.broadcast %max3A_56 : vector<128x1xf32> to vector<128x256xf32>
    %div3A_61 = arith.divf %add3A_60, %div3A : vector<128x256xf32>
    %get3A_62 = arith.constant 0 : index
    %get3A_63 = arith.constant 0 : index
    %get3A_64 = vector.load %arg3[%get3A_62, %get3A_63] : memref<128x256xf32, #tpu.memory_space<vmem>>, vector<128x256xf32>
    %add3A_65 = arith.addf %get3A_64, %add3A_51 : vector<128x256xf32>
    %sub3A_66 = arith.subf %add3A_65, %add3A_60 : vector<128x256xf32>
    %div3A_67 = vector.broadcast %max3A_56 : vector<128x1xf32> to vector<128x256xf32>
    %div3A_68 = arith.divf %sub3A_66, %div3A_67 : vector<128x256xf32>
    %swap3A = arith.constant 0 : index
    %swap3A_69 = arith.constant 0 : index
    %swap3A_70 = vector.load %arg9[%swap3A, %swap3A_69] : memref<128x256xf32, #tpu.memory_space<vmem>>, vector<128x256xf32>
    tpu.vector_store %arg9[%swap3A, %swap3A_69], %div3A_61 {strides = array<i32>} : memref<128x256xf32, #tpu.memory_space<vmem>>, vector<128x256xf32>,
    %swap3A_71 = arith.constant 0 : index
    %swap3A_72 = arith.constant 0 : index
    %swap3A_73 = vector.load %arg10[%swap3A_71, %swap3A_72] : memref<128x256xf32, #tpu.memory_space<vmem>>, vector<128x256xf32>
    tpu.vector_store %arg10[%swap3A_71, %swap3A_72], %div3A_68 {strides = array<i32>} : memref<128x256xf32, #tpu.memory_space<vmem>>, vector<128x256xf32>,
    %get3A_74 = arith.constant 0 : index
    %get3A_75 = arith.constant 0 : index
    %get3A_76 = vector.load %arg6[%get3A_74, %get3A_75] : memref<256x10xf32, #tpu.memory_space<vmem>>, vector<256x10xf32>
    %dot_general3A_77 = arith.constant dense<0.000000e+00> : vector<128x10xf32>
    %dot_general3A_78 = tpu.matmul %div3A_61, %get3A_76, %dot_general3A_77 {dimension_numbers = #tpu.dot_dimension_numbers<[1], [0], [0], [1], [0, 0, 1, 1], [], []>, transpose_lhs_hint = false} : vector<128x256xf32>, vector<256x10xf32>, vector<128x10xf32> -> vector<128x10xf32>
    %get3A_79 = arith.constant 0 : index
    %get3A_80 = arith.constant 0 : index
    %get3A_81 = vector.load %arg7[%get3A_79, %get3A_80] : memref<1x10xf32, #tpu.memory_space<vmem>>, vector<1x10xf32>
    %add3A_82 = vector.broadcast %get3A_81 : vector<1x10xf32> to vector<128x10xf32>
    %add3A_83 = arith.addf %dot_general3A_78, %add3A_82 : vector<128x10xf32>
    %swap3A_84 = arith.constant 0 : index
    %swap3A_85 = arith.constant 0 : index
    %swap3A_86 = vector.load %arg8[%swap3A_84, %swap3A_85] : memref<128x10xf32, #tpu.memory_space<vmem>>, vector<128x10xf32>
    tpu.vector_store %arg8[%swap3A_84, %swap3A_85], %add3A_83 {strides = array<i32>} : memref<128x10xf32, #tpu.memory_space<vmem>>, vector<128x10xf32>,
    %get3A_87 = arith.constant 0 : index
    %get3A_88 = arith.constant 0 : index
    %get3A_89 = vector.load %arg5[%get3A_87, %get3A_88] : memref<1x1xf32, #tpu.memory_space<vmem>>, vector<1x1xf32>
    %mul3A = arith.constant 3.906250e-07 : f32
    %mul3A_90 = vector.broadcast %mul3A : f32 to vector<1x1xf32>
    %mul3A_91 = arith.mulf %get3A_89, %mul3A_90 : vector<1x1xf32>
    %swap3A_92 = arith.constant 0 : index
    %swap3A_93 = arith.constant 0 : index
    %swap3A_94 = vector.load %arg11[%swap3A_92, %swap3A_93] : memref<1x1xf32, #tpu.memory_space<vmem>>, vector<1x1xf32>
    tpu.vector_store %arg11[%swap3A_92, %swap3A_93], %mul3A_91 {strides = array<i32>} : memref<1x1xf32, #tpu.memory_space<vmem>>, vector<1x1xf32>,
    return
  }
}

</mosaic_0001>

<sc_bundles>
// kernel: kernel.5.cloned.1.call-start
scs
__scs_entry_jumppad:
0x0: {  	(pc) =	sbr.rel $0x88, $3  }
0x1: {  	(tag) =	ssettag $0x0;
	lr =	simm.s32 $0x1  }
0x2: {  	[smem:$0x3F9B] =	sst lr;
	_ =	strace $0xD0000000  }
0x3: {  	_ = 	snop  }
0x4: {  	_ = 	snop  }
0x5: {  	_ = 	snop  }
0x6: {  	_ = 	snop  }
0x7: {  	_ = 	snop  }
__scs_overlays_trampoline_lowered:
0x8: {  	[smem:$0x3FAA] =	sst s0  }
0x9: {  	[smem:$0x3FAB] =	sst s1  }
0xa: {  	[smem:$0x3FAC] =	sst s2  }
0xb: {  	[smem:$0x3FAD] =	sst s3  }
0xc: {  	[smem:$0x3FAE] =	sst s4  }
0xd: {  	[smem:$0x3FAF] =	sst s5  }
0xe: {  	[smem:$0x3FB0] =	sst s6  }
0xf: {  	[smem:$0x3FB1] =	sst s7  }
0x10: {  	[smem:$0x3FB2] =	sst s8  }
0x11: {  	[smem:$0x3FB3] =	sst s9;
	s0 =	simm.s32 @!p0 $0x0  }
0x12: {  	s1 =	sld [smem:$0x3F99];
	s0 =	simm.s32 @p0 $0x1  }
0x13: {  	[smem:$0x3FB4] =	sst s0;
	s0 =	simm.s32 @!p1 $0x0  }
0x14: {  	s2 =	sld [smem:$0x3F98];
	s0 =	simm.s32 @p1 $0x1  }
0x15: {  	[smem:$0x3FB5] =	sst s0;
	s0 =	simm.s32 @!p2 $0x0  }
0x16: {  	s3 =	sld [smem:$0x3FDB];
	s0 =	simm.s32 @p2 $0x1  }
0x17: {  	s4 =	simm.s32 $0x1BF5;
	[smem:$0x3FB7] =	sst s0  }
0x18: {  	s0 =	sld [smem:$0x3F9A];
	_ =	swait.ge [sflag:s4], $0x0  }
0x19: {  	s7 =	sld [smem:$0x3F9B]  }
0x1a: {  	s8 =	sadd.s32 $0xFFFFE003, lr  }
0x1b: {  	s9 =	sadd.s32 $0xFFFFFEF7, lr;
	s5 =	simm.s32 $0xFFFFFFFF;
	p2 =	slt.u32 s8, $0xFFFFF086  }
0x1c: {  	p1 =	slt.u32 s9, $0xF7A;
	s5 =	simm.s32 @!p2 $0x0  }
0x1d: {  	s5 =	simm.s32 @p1 $0x1;
	p0 =	seq.s32 s7, s2  }
0x1e: {  	s7 =	smul.u32 @!p0 $0xF7A, s2;
	p2 =	seq.s32 @!p0 s5, $0x0  }
0x1f: {  	s9 =	smul.u32 $0xF7A, s1;
	s8 =	simm.s32 @!p0 $0x1BF5;
	p2 =	por !p2, p0  }
0x20: {  	[sflag:s8] =	ssyncset.s32 @!p0 $0xFFFFF086;
	s6 =	sadd.s32 @!p0 s3, s7;
	s7 =	simm.s32 @!p0 $0x108  }
0x21: {  	s3 =	sadd.s32 s3, s9;
	s6 =	sadd.s32 @!p0 $0x88, s6;
	s7 =	simm.s32 @p2 $0x1082  }
0x22: {  	[simem:s7], [sflag:s8] =	dma.local @!p0 [hbm:s6], $0xF7A  }
0x23: {  	s9 =	sor.u32 $0xD0000000, s2;
	s6 =	simm.s32 $0x108;
	_ =	swait.ge @!p0 [sflag:s8], $0x0  }
0x24: {  	s3 =	sadd.s32 $0x88, s3;
	s6 =	simm.s32 @!p1 $0x1082;
	[sflag:s4] =	ssyncset.s32 $0xFFFFF086  }
0x25: {  	[simem:s6], [sflag:s4] =	dma.local [hbm:s3], $0xF7A  }
0x26: {  	[smem:$0x3F9B] =	sst s1;
	(tag) =	ssettag s2;
	_ =	strace s9  }
0x27: {  	s1 =	sld [smem:$0x3FAB]  }
0x28: {  	s2 =	sld [smem:$0x3FAC]  }
0x29: {  	s4 =	sld [smem:$0x3FAE]  }
0x2a: {  	p0 =	seq.s32 s5, $0x0;
	s5 =	sld [smem:$0x3FAF]  }
0x2b: {  	s6 =	sld [smem:$0x3FB0]  }
0x2c: {  	s7 =	sld [smem:$0x3FB1]  }
0x2d: {  	s3 =	simm.s32 $0x108;
	s8 =	sld [smem:$0x3FB2]  }
0x2e: {  	s3 =	simm.s32 @!p0 $0x1082;
	s9 =	sld [smem:$0x3FB3]  }
0x2f: {  	lr =	sadd.s32 s0, s3;
	s0 =	sld [smem:$0x3FAA]  }
0x30: {  	s3 =	sld [smem:$0x3FAD]  }
0x31: {  	[smem:$0x3FB6] =	sst s10  }
0x32: {  	s10 =	sld [smem:$0x3FB4];
	_ =	sdelay $0x3  }
0x33: {  	p0 =	seq.s32 s10, $0x1;
	s10 =	sld [smem:$0x3FB6];
	_ =	sdelay $0x3  }
0x34: {  	[smem:$0x3FB6] =	sst s10  }
0x35: {  	s10 =	sld [smem:$0x3FB5];
	_ =	sdelay $0x3  }
0x36: {  	p1 =	seq.s32 s10, $0x1;
	s10 =	sld [smem:$0x3FB6];
	_ =	sdelay $0x3  }
0x37: {  	[smem:$0x3FB6] =	sst s10  }
0x38: {  	s10 =	sld [smem:$0x3FB7]  }
0x39: {  	_ = 	snop;
	(pc) =	sbr.ind lr, $3  }
0x3a: {  	_ = 	snop  }
0x3b: {  	_ = 	snop  }
0x3c: {  	p2 =	seq.s32 s10, $0x1;
	s10 =	sld [smem:$0x3FB6]  }
0x3d: {  	_ =	shalt  }
0x3e: {  	_ =	shalt  }
0x3f: {  	_ =	shalt  }
0x40: {  	_ =	shalt  }
0x41: {  	_ =	shalt  }
0x42: {  	_ =	shalt  }
0x43: {  	_ =	shalt  }
0x44: {  	_ =	shalt  }
0x45: {  	_ =	shalt  }
0x46: {  	_ =	shalt  }
0x47: {  	_ =	shalt  }
0x48: {  	_ =	shalt  }
0x49: {  	_ =	shalt  }
0x4a: {  	_ =	shalt  }
0x4b: {  	_ =	shalt  }
0x4c: {  	_ =	shalt  }
0x4d: {  	_ =	shalt  }
0x4e: {  	_ =	shalt  }
0x4f: {  	_ =	shalt  }
0x50: {  	_ =	shalt  }
0x51: {  	_ =	shalt  }
0x52: {  	_ =	shalt  }
0x53: {  	_ =	shalt  }
0x54: {  	_ =	shalt  }
0x55: {  	_ =	shalt  }
0x56: {  	_ =	shalt  }
0x57: {  	_ =	shalt  }
0x58: {  	_ =	shalt  }
0x59: {  	_ =	shalt  }
0x5a: {  	_ =	shalt  }
0x5b: {  	_ =	shalt  }
0x5c: {  	_ =	shalt  }
0x5d: {  	_ =	shalt  }
0x5e: {  	_ =	shalt  }
0x5f: {  	_ =	shalt  }
0x60: {  	_ =	shalt  }
0x61: {  	_ =	shalt  }
0x62: {  	_ =	shalt  }
0x63: {  	_ =	shalt  }
0x64: {  	_ =	shalt  }
0x65: {  	_ =	shalt  }
0x66: {  	_ =	shalt  }
0x67: {  	_ =	shalt  }
0x68: {  	_ =	shalt  }
0x69: {  	_ =	shalt  }
0x6a: {  	_ =	shalt  }
0x6b: {  	_ =	shalt  }
0x6c: {  	_ =	shalt  }
0x6d: {  	_ =	shalt  }
0x6e: {  	_ =	shalt  }
0x6f: {  	_ =	shalt  }
0x70: {  	_ =	shalt  }
0x71: {  	_ =	shalt  }
0x72: {  	_ =	shalt  }
0x73: {  	_ =	shalt  }
0x74: {  	_ =	shalt  }
0x75: {  	_ =	shalt  }
0x76: {  	_ =	shalt  }
0x77: {  	_ =	shalt  }
0x78: {  	_ =	shalt  }
0x79: {  	_ =	shalt  }
0x7a: {  	_ =	shalt  }
0x7b: {  	_ =	shalt  }
0x7c: {  	_ =	shalt  }
0x7d: {  	_ =	shalt  }
0x7e: {  	_ =	shalt  }
0x7f: {  	_ =	shalt  }
0x80: {  	_ =	shalt  }
0x81: {  	_ =	shalt  }
0x82: {  	_ =	shalt  }
0x83: {  	_ =	shalt  }
0x84: {  	_ =	shalt  }
0x85: {  	_ =	shalt  }
0x86: {  	_ =	shalt  }
0x87: {  	_ =	shalt  }
.Lfunc_end0:
.L_simem_size_0:
called_computation_lowered:
.L_overlay_start_0:
0x88: {  	s2 =	sld [smem:$0x3FD9]  }
0x89: {  	s3 =	sld [smem:$0x3FFE];
	_ =	sdelay $0x1  }
0x8a: {  	s1 =	srdreg.scid  }
0x8b: {  	s0 =	sand.u32 $0x1, s1  }
0x8c: {  	s14 =	sshll.u32 s0, $0xA;
	s2 =	sadd.s32 s3, s2  }
0x8d: {  	s2 =	sadd.s32 s2, s14  }
0x8e: {  	[smem:$0x3FC2] =	sst s2  }
0x8f: {  	_ = 	snop  }
0x90: {  	s2 =	sld [smem:$0x3FD0];
	_ =	sdelay $0x2  }
0x91: {  	s15 =	simm.s32 $0xA;
	s4 =	simm.s32 $0x10  }
0x92: {  	[smem:s4], [sflag:s15] =	dma.local [hbm:s2], $0x1  }
0x93: {  	_ =	swait.eq [sflag:s15], $0x1  }
0x94: {  	[sflag:s15] =	ssyncset.done $0x0  }
0x95: {  	s16 =	sld [smem:$0x11];
	[sflag:s15] =	ssyncadd.s32 $0xFFFFFFFF  }
0x96: {  	s17 =	sld [smem:$0x12];
	(tm) =	ssettm $0x1  }
0x97: {  	s18 =	sld [smem:$0x3FFB];
	_ =	sdelay $0x3  }
0x98: {  	_ =	strace s18  }
0x99: {  	s4 =	sld [smem:$0x3FFC];
	_ =	sdelay $0x3  }
0x9a: {  	_ =	strace s4  }
0x9b: {  	s4 =	sld [smem:$0x3FFD];
	_ =	sdelay $0x3  }
0x9c: {  	_ =	strace s4  }
0x9d: {  	_ =	strace $0x8FFFFFFF  }
0x9e: {  	s19 =	sld [smem:$0x3FDB];
	_ =	sdelay $0x1  }
0x9f: {  	s5 =	simm.s32 $_scs_section_size  }
0xa0: {  	s6 =	simm.s32 $_size__tile_overlayer_lowered;
	s7 =	simm.s32 $_tile_overlayer_lowered  }
0xa1: {  	s22 =	simm.s32 $0x1BFF;
	s21 =	sshll.u32 s7, $0x1;
	s4 =	sadd.s32 s5, s19  }
0xa2: {  	s8 =	simm.s32 $0x0;
	s20 =	sshll.u32 s6, $0x1;
	s6 =	sadd.s32 s21, s4  }
0xa3: {  	[timem:s8], [sflag:s22] =	dma.local [hbm:s6], s20  }
0xa4: {  	_ =	swait.ge [sflag:s22], s20  }
0xa5: {  	s5 =	ssub.s32 $0x0, s20;
	[sflag:s22] =	ssyncset.done $0x0  }
0xa6: {  	[sflag:s22] =	ssyncadd.s32 s5;
	_ =	sdelay $0x1  }
0xa7: {  	s23 =	simm.s32 $0x1B8B  }
0xa8: {  	_ =	swait.ge [sflag:s23], $0x1  }
0xa9: {  	[sflag:s23] =	ssyncset.done $0x0  }
0xaa: {  	s25 =	simm.s32 $0x1B8E;
	s24 =	sld [smem:$0x3FFE];
	[sflag:s23] =	ssyncadd.s32 $0xFFFFFFFF  }
0xab: {  	s26 =	simm.s32 $execute0_lowered;
	[smem:$0x3FD2] =	sst s25  }
0xac: {  	s6 =	sshll.u32 s26, $0x1;
	_ =	strace $0x80000046;
	[dreg:$0x1] =	wrdreg $0xFFFFFFFF  }
0xad: {  	s28 =	simm.s32 $_size_execute0_lowered;
	s4 =	sadd.s32 s4, s6;
	[dreg:$0x0] =	wrdreg $0x0  }
0xae: {  	s6 =	sshll.u32 s28, $0x1;
	[dreg:$0x2] =	wrdreg s4  }
0xaf: {  	[dreg:$0x3] =	wrdreg s6  }
0xb0: {  	[dreg:$0x4] =	wrdreg $0xC0  }
0xb1: {  	_ =	task [dreg:s8], $0x5FFFF  }
0xb2: {  	[dreg:$0x1] =	wrdreg $0xFFFFFFFF  }
0xb3: {  	[dreg:$0x0] =	wrdreg $0x60  }
0xb4: {  	[dreg:$0x2] =	wrdreg s17  }
0xb5: {  	[dreg:$0x3] =	wrdreg s16  }
0xb6: {  	[dreg:$0x4] =	wrdreg s24  }
0xb7: {  	[dreg:$0x5] =	wrdreg $0x10000  }
0xb8: {  	[dreg:$0x6] =	wrdreg $0x9  }
0xb9: {  	_ =	task.clear_ibuf [dreg:s8], $0x7FFFF;
	_ =	strace $0x90000046  }
0xba: {  	s29 =	simm.s32 $0x9;
	_ =	strace $0x80000048  }
0xbb: {  	_ =	swait.ge [sflag:s29], $0x1  }
0xbc: {  	[sflag:s29] =	ssyncadd.s32 $0xFFFFFFFF  }
0xbd: {  	_ =	strace $0x90000048  }
0xbe: {  	_ =	sfence  }
0xbf: {  	s30 =	sld [smem:$0x0];
	_ =	sdelay $0x2  }
0xc0: {  	s31 =	sshll.u32 s1, $0xD;
	s1 =	sshrl.u32 s1, $0x2  }
0xc1: {  	s3 =	sand.u32 $0x4000, s31;
	s1 =	sadd.s32 s1, s30  }
0xc2: {  	s0 =	sor.u32 s3, s0;
	s1 =	sshll.u32 s1, $0x11  }
0xc3: {  	s0 =	sor.u32 s1, s0  }
0xc4: {  	s0 =	sadd.s32 $0x8F2B, s0  }
0xc5: {  	[sflag:s0] =	ssyncadd.remote.s32 $0x1  }
0xc6: {  	_ =	sfence.sel $0xFFFF  }
0xc7: {  	[dreg:$0x0] =	wrdreg $0xFFFFFFFF;
	(pc) =	sbr.abs _section_cstart, $3  }
0xc8: {  	[dreg:$0x1] =	wrdreg $0xFFFFFFFF  }
0xc9: {  	_ =	task.clear_ibuf [dreg:s8], $0x2FFFF;
	_ =	strace $0x9FFFFFFF  }
0xca: {  	(tm) =	ssettm $0x7FFFFFFF  }
0xcb: {  	_ =	shalt  }
tec
execute0_lowered:
.L_overlay_start_1:
0x0: {  	(tag) =	ssettag $0x1  }
0x1: {  	s5 =	rddreg [dreg:$0x0]  }
0x2: {  	s6 =	rddreg [dreg:$0x1]  }
0x3: {  	s7 =	rddreg [dreg:$0x2]  }
0x4: {  	s2 =	rddreg [dreg:$0x3]  }
0x5: {  	s3 =	srdreg.scid;
	s1 =	stileid.u32  }
0x6: {  	s13 =	simm.s32 $0x400;
	s14 =	simm.s32 $0x600;
	s15 =	simm.s32 $0x800  }
0x7: {  	s16 =	simm.s32 $0x1;
	s17 =	simm.s32 $0x2;
	s18 =	simm.s32 $0x80  }
0x8: {  	s19 =	simm.s32 $0x200;
	s28 =	simm.s32 $0x20;
	s29 =	simm.s32 $0x10  }
0x9: {  	s30 =	simm.s32 $0x3;
	s8 =	sand.u32 $0x1, s3;
	s3 =	simm.s32 $0x0  }
0xa: {  	s4 =	sshll.u32 s1, $0x6;
	s22 =	sshll.u32 s1, $0xE;
	s31 =	sshll.u32 s1, $0xC  }
0xb: {  	s9 =	sshll.u32 s8, $0xA;
	[smem:$0x7FF] =	sst s3;
	s11 =	sshll.u32 s8, $0x4  }
0xc: {  	s20 =	ssub.s32 $0x2, s8;
	s9 =	sor.u32 s4, s9;
	_ =	strace $0x80000047  }
0xd: {  	s11 =	sadd.s32 s11, s7;
	s24 =	sshrl.u32 s20, $0x1;
	s10 =	sadd.s32 s9, s7  }
0xe: {  	s5 =	sadd.s32 s5, s9;
	s21 =	sadd.s32 s6, s9;
	s12 =	ssub.s32 s20, s24  }
0xf: {  	s11 =	sadd.s32 s31, s11;
	s20 =	simm.s32 $0x480;
	[dreg:$0x5] =	wrdreg s5  }
0x10: {  	s24 =	simm.s32 $0x500;
	[dreg:$0x6] =	wrdreg s21;
	s23 =	sadd.s32 $0x800, s10  }
0x11: {  	s5 =	sadd.s32 s22, s2;
	s11 =	sadd.s32 $0x1000, s11;
	s12 =	smax.u32 s12, $0x1  }
0x12: {  	s21 =	simm.s32 $0x280;
	s22 =	simm.s32 $0x680;
	[dreg:$0x7] =	wrdreg s23  }
0x13: {  	s25 =	sadd.s32 $0x800, s5;
	s26 =	sadd.s32 $0x1000, s5;
	s6 =	sadd.s32 $0x1800, s5  }
0x14: {  	s7 =	sadd.s32 $0x2000, s5;
	s8 =	sadd.s32 $0x2800, s5;
	s9 =	sadd.s32 $0x3000, s5  }
0x15: {  	s10 =	sadd.s32 $0x3800, s5;
	s23 =	simm.s32 $0x100;
	[dreg:$0x8] =	wrdreg s25  }
0x16: {  	v0 =	vimm.f32 $0.0e+00;
	[dreg:$0x9] =	wrdreg s26;
	s25 =	simm.s32 $0x300;
	s26 =	simm.s32 $0x700  }
.LBB2_1:
0x17: {  	s31 =	rddreg [dreg:$0x5]  }
0x18: {  	[tilespmem:s3], [sflag:$0x1] =	stream.linear.gather [hbm4b:s31+s3], $0x180, $0x38;
	[tilespmem:$0x5000] =	vst v63  }
0x19: {  	s0 =	rddreg [dreg:$0x6]  }
0x1a: {  	[tilespmem:s13], [sflag:$0x1] =	stream.linear.gather [hbm4b:s0+s3], $0x180, $0x38;
	[tilespmem:$0x5000] =	vst v63  }
0x1b: {  	s31 =	rddreg [dreg:$0x7]  }
0x1c: {  	[tilespmem:s14], [sflag:$0x1] =	stream.linear.gather [hbm4b:s31+s3], $0x180, $0x38;
	[tilespmem:$0x5000] =	vst v63  }
0x1d: {  	[tilespmem:$0x800] =	vst v0  }
0x1e: {  	[tilespmem:$0x810] =	vst v0  }
0x1f: {  	[tilespmem:$0x820] =	vst v0  }
0x20: {  	[tilespmem:$0x830] =	vst v0  }
0x21: {  	[tilespmem:$0x840] =	vst v0  }
0x22: {  	[tilespmem:$0x850] =	vst v0  }
0x23: {  	[tilespmem:$0x860] =	vst v0  }
0x24: {  	[tilespmem:$0x870] =	vst v0  }
0x25: {  	[tilespmem:$0x880] =	vst v0  }
0x26: {  	[tilespmem:$0x890] =	vst v0  }
0x27: {  	[tilespmem:$0x8A0] =	vst v0  }
0x28: {  	[tilespmem:$0x8B0] =	vst v0  }
0x29: {  	[tilespmem:$0x8C0] =	vst v0  }
0x2a: {  	[tilespmem:$0x8D0] =	vst v0  }
0x2b: {  	[tilespmem:$0x8E0] =	vst v0  }
0x2c: {  	[tilespmem:$0x8F0] =	vst v0  }
0x2d: {  	[tilespmem:$0x900] =	vst v0  }
0x2e: {  	[tilespmem:$0x910] =	vst v0  }
0x2f: {  	[tilespmem:$0x920] =	vst v0  }
0x30: {  	[tilespmem:$0x930] =	vst v0  }
0x31: {  	[tilespmem:$0x940] =	vst v0  }
0x32: {  	[tilespmem:$0x950] =	vst v0  }
0x33: {  	[tilespmem:$0x960] =	vst v0  }
0x34: {  	[tilespmem:$0x970] =	vst v0  }
0x35: {  	[tilespmem:$0x980] =	vst v0  }
0x36: {  	[tilespmem:$0x990] =	vst v0  }
0x37: {  	[tilespmem:$0x9A0] =	vst v0  }
0x38: {  	[tilespmem:$0x9B0] =	vst v0  }
0x39: {  	[tilespmem:$0x9C0] =	vst v0  }
0x3a: {  	[tilespmem:$0x9D0] =	vst v0  }
0x3b: {  	[tilespmem:$0x9E0] =	vst v0  }
0x3c: {  	[tilespmem:$0x9F0] =	vst v0  }
0x3d: {  	[tilespmem:$0xA00] =	vst v0  }
0x3e: {  	[tilespmem:$0xA10] =	vst v0  }
0x3f: {  	[tilespmem:$0xA20] =	vst v0  }
0x40: {  	[tilespmem:$0xA30] =	vst v0  }
0x41: {  	[tilespmem:$0xA40] =	vst v0  }
0x42: {  	[tilespmem:$0xA50] =	vst v0  }
0x43: {  	[tilespmem:$0xA60] =	vst v0  }
0x44: {  	[tilespmem:$0xA70] =	vst v0  }
0x45: {  	[tilespmem:$0xA80] =	vst v0  }
0x46: {  	[tilespmem:$0xA90] =	vst v0  }
0x47: {  	[tilespmem:$0xAA0] =	vst v0  }
0x48: {  	[tilespmem:$0xAB0] =	vst v0  }
0x49: {  	[tilespmem:$0xAC0] =	vst v0  }
0x4a: {  	[tilespmem:$0xAD0] =	vst v0  }
0x4b: {  	[tilespmem:$0xAE0] =	vst v0  }
0x4c: {  	[tilespmem:$0xAF0] =	vst v0  }
0x4d: {  	[tilespmem:$0xB00] =	vst v0  }
0x4e: {  	[tilespmem:$0xB10] =	vst v0  }
0x4f: {  	[tilespmem:$0xB20] =	vst v0  }
0x50: {  	[tilespmem:$0xB30] =	vst v0  }
0x51: {  	[tilespmem:$0xB40] =	vst v0  }
0x52: {  	[tilespmem:$0xB50] =	vst v0  }
0x53: {  	[tilespmem:$0xB60] =	vst v0  }
0x54: {  	[tilespmem:$0xB70] =	vst v0  }
0x55: {  	[tilespmem:$0xB80] =	vst v0  }
0x56: {  	[tilespmem:$0xB90] =	vst v0  }
0x57: {  	[tilespmem:$0xBA0] =	vst v0  }
0x58: {  	[tilespmem:$0xBB0] =	vst v0  }
0x59: {  	[tilespmem:$0xBC0] =	vst v0  }
0x5a: {  	[tilespmem:$0xBD0] =	vst v0  }
0x5b: {  	[tilespmem:$0xBE0] =	vst v0  }
0x5c: {  	[tilespmem:$0xBF0] =	vst v0  }
0x5d: {  	[tilespmem:$0xC00] =	vst v0  }
0x5e: {  	[tilespmem:$0xC10] =	vst v0  }
0x5f: {  	[tilespmem:$0xC20] =	vst v0  }
0x60: {  	[tilespmem:$0xC30] =	vst v0  }
0x61: {  	[tilespmem:$0xC40] =	vst v0  }
0x62: {  	[tilespmem:$0xC50] =	vst v0  }
0x63: {  	[tilespmem:$0xC60] =	vst v0  }
0x64: {  	[tilespmem:$0xC70] =	vst v0  }
0x65: {  	[tilespmem:$0xC80] =	vst v0  }
0x66: {  	[tilespmem:$0xC90] =	vst v0  }
0x67: {  	[tilespmem:$0xCA0] =	vst v0  }
0x68: {  	[tilespmem:$0xCB0] =	vst v0  }
0x69: {  	[tilespmem:$0xCC0] =	vst v0  }
0x6a: {  	[tilespmem:$0xCD0] =	vst v0  }
0x6b: {  	[tilespmem:$0xCE0] =	vst v0  }
0x6c: {  	[tilespmem:$0xCF0] =	vst v0  }
0x6d: {  	[tilespmem:$0xD00] =	vst v0  }
0x6e: {  	[tilespmem:$0xD10] =	vst v0  }
0x6f: {  	[tilespmem:$0xD20] =	vst v0  }
0x70: {  	[tilespmem:$0xD30] =	vst v0  }
0x71: {  	[tilespmem:$0xD40] =	vst v0  }
0x72: {  	[tilespmem:$0xD50] =	vst v0  }
0x73: {  	[tilespmem:$0xD60] =	vst v0  }
0x74: {  	[tilespmem:$0xD70] =	vst v0  }
0x75: {  	[tilespmem:$0xD80] =	vst v0  }
0x76: {  	[tilespmem:$0xD90] =	vst v0  }
0x77: {  	[tilespmem:$0xDA0] =	vst v0  }
0x78: {  	[tilespmem:$0xDB0] =	vst v0  }
0x79: {  	[tilespmem:$0xDC0] =	vst v0  }
0x7a: {  	[tilespmem:$0xDD0] =	vst v0  }
0x7b: {  	[tilespmem:$0xDE0] =	vst v0  }
0x7c: {  	[tilespmem:$0xDF0] =	vst v0  }
0x7d: {  	[tilespmem:$0xE00] =	vst v0  }
0x7e: {  	[tilespmem:$0xE10] =	vst v0  }
0x7f: {  	[tilespmem:$0xE20] =	vst v0  }
0x80: {  	[tilespmem:$0xE30] =	vst v0  }
0x81: {  	[tilespmem:$0xE40] =	vst v0  }
0x82: {  	[tilespmem:$0xE50] =	vst v0  }
0x83: {  	[tilespmem:$0xE60] =	vst v0  }
0x84: {  	[tilespmem:$0xE70] =	vst v0  }
0x85: {  	[tilespmem:$0xE80] =	vst v0  }
0x86: {  	[tilespmem:$0xE90] =	vst v0  }
0x87: {  	[tilespmem:$0xEA0] =	vst v0  }
0x88: {  	[tilespmem:$0xEB0] =	vst v0  }
0x89: {  	[tilespmem:$0xEC0] =	vst v0  }
0x8a: {  	[tilespmem:$0xED0] =	vst v0  }
0x8b: {  	[tilespmem:$0xEE0] =	vst v0  }
0x8c: {  	[tilespmem:$0xEF0] =	vst v0  }
0x8d: {  	[tilespmem:$0xF00] =	vst v0  }
0x8e: {  	[tilespmem:$0xF10] =	vst v0  }
0x8f: {  	[tilespmem:$0xF20] =	vst v0  }
0x90: {  	[tilespmem:$0xF30] =	vst v0  }
0x91: {  	[tilespmem:$0xF40] =	vst v0  }
0x92: {  	[tilespmem:$0xF50] =	vst v0  }
0x93: {  	[tilespmem:$0xF60] =	vst v0  }
0x94: {  	[tilespmem:$0xF70] =	vst v0  }
0x95: {  	[tilespmem:$0xF80] =	vst v0  }
0x96: {  	[tilespmem:$0xF90] =	vst v0  }
0x97: {  	[tilespmem:$0xFA0] =	vst v0  }
0x98: {  	[tilespmem:$0xFB0] =	vst v0  }
0x99: {  	[tilespmem:$0xFC0] =	vst v0  }
0x9a: {  	[tilespmem:$0xFD0] =	vst v0  }
0x9b: {  	[tilespmem:$0xFE0] =	vst v0  }
0x9c: {  	[tilespmem:$0xFF0] =	vst v0  }
0x9d: {  	[spmem:s5] =	stream.linear.scatter [tilespmem:s15], [sflag:$0x2], $0x800, $0x38;
	[tilespmem:$0x5000] =	vst v63  }
0x9e: {  	s0 =	rddreg [dreg:$0x8]  }
0x9f: {  	[spmem:s0] =	stream.linear.scatter [tilespmem:s15], [sflag:$0x2], $0x800, $0x38;
	[tilespmem:$0x5000] =	vst v63  }
0xa0: {  	s31 =	rddreg [dreg:$0x9]  }
0xa1: {  	[spmem:s31] =	stream.linear.scatter [tilespmem:s15], [sflag:$0x2], $0x800, $0x38;
	[tilespmem:$0x5000] =	vst v63  }
0xa2: {  	_ = 	snop  }
0xa3: {  	[spmem:s6] =	stream.linear.scatter [tilespmem:s15], [sflag:$0x2], $0x800, $0x38;
	[tilespmem:$0x5000] =	vst v63  }
0xa4: {  	_ = 	snop  }
0xa5: {  	[spmem:s7] =	stream.linear.scatter [tilespmem:s15], [sflag:$0x2], $0x800, $0x38;
	[tilespmem:$0x5000] =	vst v63  }
0xa6: {  	_ = 	snop  }
0xa7: {  	[spmem:s8] =	stream.linear.scatter [tilespmem:s15], [sflag:$0x2], $0x800, $0x38;
	[tilespmem:$0x5000] =	vst v63  }
0xa8: {  	_ = 	snop  }
0xa9: {  	[spmem:s9] =	stream.linear.scatter [tilespmem:s15], [sflag:$0x2], $0x800, $0x38;
	[tilespmem:$0x5000] =	vst v63  }
0xaa: {  	_ = 	snop  }
0xab: {  	[spmem:s10] =	stream.linear.scatter [tilespmem:s15], [sflag:$0x2], $0x800, $0x38;
	[tilespmem:$0x5000] =	vst v63  }
0xac: {  	_ =	swait.ge [sflag:s16], $0x180  }
0xad: {  	[sflag:s16] =	ssyncset.done $0x0  }
0xae: {  	[sflag:s16] =	ssyncadd.s32 $0xFFFFFE80  }
0xaf: {  	_ =	swait.ge [sflag:s16], $0x180  }
0xb0: {  	[sflag:s16] =	ssyncset.done $0x0  }
0xb1: {  	[sflag:s16] =	ssyncadd.s32 $0xFFFFFE80  }
0xb2: {  	_ =	swait.ge [sflag:s16], $0x180  }
0xb3: {  	[sflag:s16] =	ssyncset.done $0x0  }
0xb4: {  	[sflag:s16] =	ssyncadd.s32 $0xFFFFFE80  }
0xb5: {  	v1 =	vld [tilespmem:$0x0]  }
0xb6: {  	v2 =	vld [tilespmem:$0x10]  }
0xb7: {  	v3 =	vld [tilespmem:$0x20]  }
0xb8: {  	v4 =	vld [tilespmem:$0x30]  }
0xb9: {  	v5 =	vld [tilespmem:$0x40]  }
0xba: {  	v6 =	vld [tilespmem:$0x50];
	v1 =	vadd.s32 $0x20000, v1  }
0xbb: {  	[tilespmem:$0x200] =	vst v1;
	v1 =	vadd.s32 $0x20000, v2;
	v2 =	vld [tilespmem:$0x60]  }
0xbc: {  	[tilespmem:$0x210] =	vst v1;
	v1 =	vadd.s32 $0x20000, v3;
	v3 =	vld [tilespmem:$0x70]  }
0xbd: {  	v54 =	vld [tilespmem:$0x80];
	[tilespmem:$0x220] =	vst v1;
	v1 =	vadd.s32 $0x20000, v4  }
0xbe: {  	v55 =	vld [tilespmem:$0x90];
	[tilespmem:$0x230] =	vst v1;
	v1 =	vadd.s32 $0x20000, v5  }
0xbf: {  	v56 =	vld [tilespmem:$0xA0];
	[tilespmem:$0x240] =	vst v1;
	v1 =	vadd.s32 $0x20000, v6  }
0xc0: {  	[tilespmem:$0x250] =	vst v1;
	v1 =	vadd.s32 $0x20000, v2;
	v2 =	vld [tilespmem:$0xB0]  }
0xc1: {  	[tilespmem:$0x260] =	vst v1;
	v1 =	vadd.s32 $0x20000, v3;
	v3 =	vld [tilespmem:$0xC0]  }
0xc2: {  	v57 =	vld [tilespmem:$0xD0];
	[tilespmem:$0x270] =	vst v1;
	v1 =	vadd.s32 $0x20000, v54  }
0xc3: {  	v58 =	vld [tilespmem:$0xE0];
	[tilespmem:$0x280] =	vst v1;
	v1 =	vadd.s32 $0x20000, v55  }
0xc4: {  	v59 =	vld [tilespmem:$0xF0];
	[tilespmem:$0x290] =	vst v1;
	v1 =	vadd.s32 $0x20000, v56  }
0xc5: {  	[tilespmem:$0x2A0] =	vst v1;
	v1 =	vadd.s32 $0x20000, v2;
	v2 =	vld [tilespmem:$0x100]  }
0xc6: {  	[tilespmem:$0x2B0] =	vst v1;
	v1 =	vadd.s32 $0x20000, v3;
	v3 =	vld [tilespmem:$0x110]  }
0xc7: {  	v60 =	vld [tilespmem:$0x120];
	[tilespmem:$0x2C0] =	vst v1;
	v1 =	vadd.s32 $0x20000, v57  }
0xc8: {  	v61 =	vld [tilespmem:$0x130];
	[tilespmem:$0x2D0] =	vst v1;
	v1 =	vadd.s32 $0x20000, v58  }
0xc9: {  	v62 =	vld [tilespmem:$0x140];
	[tilespmem:$0x2E0] =	vst v1;
	v1 =	vadd.s32 $0x20000, v59  }
0xca: {  	[tilespmem:$0x2F0] =	vst v1;
	v1 =	vadd.s32 $0x20000, v2;
	v2 =	vld [tilespmem:$0x150]  }
0xcb: {  	[tilespmem:$0x300] =	vst v1;
	v1 =	vadd.s32 $0x20000, v3;
	v3 =	vld [tilespmem:$0x160]  }
0xcc: {  	v63 =	vld [tilespmem:$0x170];
	[tilespmem:$0x310] =	vst v1;
	v1 =	vadd.s32 $0x20000, v60  }
0xcd: {  	[tilespmem:$0x320] =	vst v1;
	v1 =	vadd.s32 $0x20000, v61  }
0xce: {  	[tilespmem:$0x330] =	vst v1;
	v1 =	vadd.s32 $0x20000, v62  }
0xcf: {  	[tilespmem:$0x340] =	vst v1;
	v1 =	vadd.s32 $0x20000, v2  }
0xd0: {  	[tilespmem:$0x350] =	vst v1;
	v1 =	vadd.s32 $0x20000, v3  }
0xd1: {  	[tilespmem:$0x360] =	vst v1;
	v1 =	vadd.s32 $0x20000, v63  }
0xd2: {  	[tilespmem:$0x370] =	vst v1  }
0xd3: {  	_ =	swait.ge [sflag:s17], $0x800  }
0xd4: {  	[sflag:s17] =	ssyncset.done $0x0  }
0xd5: {  	[sflag:s17] =	ssyncadd.s32 $0xFFFFF800  }
0xd6: {  	_ =	swait.ge [sflag:s17], $0x800  }
0xd7: {  	[sflag:s17] =	ssyncset.done $0x0  }
0xd8: {  	[sflag:s17] =	ssyncadd.s32 $0xFFFFF800  }
0xd9: {  	_ =	swait.ge [sflag:s17], $0x800  }
0xda: {  	[sflag:s17] =	ssyncset.done $0x0  }
0xdb: {  	[sflag:s17] =	ssyncadd.s32 $0xFFFFF800  }
0xdc: {  	_ =	swait.ge [sflag:s17], $0x800  }
0xdd: {  	[sflag:s17] =	ssyncset.done $0x0  }
0xde: {  	[sflag:s17] =	ssyncadd.s32 $0xFFFFF800  }
0xdf: {  	_ =	swait.ge [sflag:s17], $0x800  }
0xe0: {  	[sflag:s17] =	ssyncset.done $0x0  }
0xe1: {  	[sflag:s17] =	ssyncadd.s32 $0xFFFFF800  }
0xe2: {  	_ =	swait.ge [sflag:s17], $0x800  }
0xe3: {  	[sflag:s17] =	ssyncset.done $0x0  }
0xe4: {  	[sflag:s17] =	ssyncadd.s32 $0xFFFFF800  }
0xe5: {  	_ =	swait.ge [sflag:s17], $0x800  }
0xe6: {  	[sflag:s17] =	ssyncset.done $0x0  }
0xe7: {  	[sflag:s17] =	ssyncadd.s32 $0xFFFFF800  }
0xe8: {  	_ =	swait.ge [sflag:s17], $0x800  }
0xe9: {  	[sflag:s17] =	ssyncset.done $0x0  }
0xea: {  	[sflag:s17] =	ssyncadd.s32 $0xFFFFF800  }
0xeb: {  	[bflag:$0x0] =	sbarrier.arrive $0xFFFF  }
0xec: {  	[spmem:s2] =	stream.indirect.scatter.add.f32 [tilespmem:s13], [sflag:$0x1], $0x1, s3, s18, $0xb8;
	[tilespmem:$0x5000] =	vst v63  }
0xed: {  	_ = 	snop  }
0xee: {  	[spmem:s2] =	stream.indirect.scatter.add.f32 [tilespmem:s14], [sflag:$0x2], $0x1, s19, s18, $0xb8;
	[tilespmem:$0x5000] =	vst v63  }
0xef: {  	_ =	swait.ge [sflag:s16], $0x80  }
0xf0: {  	[sflag:s16] =	ssyncset.done $0x0  }
0xf1: {  	[sflag:s16] =	ssyncadd.s32 $0xFFFFFF80  }
0xf2: {  	_ =	swait.ge [sflag:s17], $0x80  }
0xf3: {  	[sflag:s17] =	ssyncset.done $0x0  }
0xf4: {  	[sflag:s17] =	ssyncadd.s32 $0xFFFFFF80  }
0xf5: {  	[spmem:s2] =	stream.indirect.scatter.add.f32 [tilespmem:s20], [sflag:$0x1], $0x1, s18, s18, $0xb8;
	[tilespmem:$0x5000] =	vst v63  }
0xf6: {  	_ = 	snop  }
0xf7: {  	[spmem:s2] =	stream.indirect.scatter.add.f32 [tilespmem:s22], [sflag:$0x2], $0x1, s21, s18, $0xb8;
	[tilespmem:$0x5000] =	vst v63  }
0xf8: {  	_ =	swait.ge [sflag:s16], $0x80  }
0xf9: {  	[sflag:s16] =	ssyncset.done $0x0  }
0xfa: {  	[sflag:s16] =	ssyncadd.s32 $0xFFFFFF80  }
0xfb: {  	_ =	swait.ge [sflag:s17], $0x80  }
0xfc: {  	[sflag:s17] =	ssyncset.done $0x0  }
0xfd: {  	[sflag:s17] =	ssyncadd.s32 $0xFFFFFF80  }
0xfe: {  	[spmem:s2] =	stream.indirect.scatter.add.f32 [tilespmem:s24], [sflag:$0x1], $0x1, s23, s18, $0xb8;
	[tilespmem:$0x5000] =	vst v63  }
0xff: {  	_ = 	snop  }
0x100: {  	[spmem:s2] =	stream.indirect.scatter.add.f32 [tilespmem:s26], [sflag:$0x2], $0x1, s25, s18, $0xb8;
	[tilespmem:$0x5000] =	vst v63  }
0x101: {  	_ =	swait.ge [sflag:s16], $0x80  }
0x102: {  	[sflag:s16] =	ssyncset.done $0x0  }
0x103: {  	[sflag:s16] =	ssyncadd.s32 $0xFFFFFF80  }
0x104: {  	_ =	swait.ge [sflag:s17], $0x80  }
0x105: {  	[sflag:s17] =	ssyncset.done $0x0  }
0x106: {  	p0 =	sne.s32 s12, $0x1;
	s0 =	sor.u32 $0x1C03, s4;
	[sflag:s17] =	ssyncadd.s32 $0xFFFFFF80  }
.Ltmp0:
0x107: {  	s31 =	sshrl.u32 s5, $0x3;
	[bflag:$0x0] =	sbarrier.arrive $0xFFFF;
	(pc) =	sbr.rel @p0 .LBB2_1-.Ltmp0, $4  }
0x108: {  	[hbm:s11@s28], [sflag:s0] =	dma.strided [spmem:s31@s29], $0x800, s16, $0x10   }
0x109: {  	_ =	swait.ge [sflag:s30], $0x800  }
0x10a: {  	[sflag:s30] =	ssyncset.done $0x0  }
0x10b: {  	s12 =	sadd.s32 $0xFFFFFFFF, s12;
	[sflag:s30] =	ssyncadd.s32 $0xFFFFF800  }
0x10c: {  	_ =	sfence.sel $0x180000  }
0x10d: {  	[bflag:$0x0] =	sbarrier.arrive $0xFFFF  }
0x10e: {  	_ =	strace $0x90000047  }
0x10f: {  	[bflag:$0x2] =	sbarrier.arrive $0xFFFF  }
0x110: {  	p0 =	sne.s32 s1, $0x0;
	s0 =	rddreg [dreg:$0x4]  }
0x111: {  	s0 =	sadd.s32 @!p0 $0x100000, s0  }
0x112: {  	[sflag:s0] =	ssyncadd.tile.s32 @!p0 $0x1;
	_ =	shalt  }
.Lfunc_end2:
_tile_overlayer_lowered:
.L_overlay_start_2:
0x113: {  	(tag) =	ssettag $0x2  }
0x114: {  	s0 =	rddreg [dreg:$0x0];
	s2 =	stileid.u32  }
0x115: {  	s1 =	rddreg [dreg:$0x1];
	p0 =	sne.s32 s2, $0x0  }
0x116: {  	s3 =	rddreg [dreg:$0x2];
	[bflag:$0x3] =	sbarrier.arrive $0xFFFF;
	s2 =	simm.s32 @!p0 $0x1C03  }
0x117: {  	[timem:s3], [sflag:s2] =	dma.local @!p0 [hbm:s0], s1  }
0x118: {  	s0 =	simm.s32 @!p0 $0x3  }
0x119: {  	_ =	swait.ge @!p0 [sflag:s0], s1  }
0x11a: {  	s1 =	ssub.s32 @!p0 $0x0, s1;
	[sflag:s0] =	ssyncset.done @!p0 $0x0  }
0x11b: {  	[sflag:s0] =	ssyncadd.s32 @!p0 s1  }
0x11c: {  	[bflag:$0x3] =	sbarrier.arrive $0xFFFF  }
0x11d: {  	_ =	shalt  }

</sc_bundles>
